<compile_context>
chip_gen: v7x
topology: tpu7x:2x2x1
jax: 0.10.2.dev20260603
libtpu: 0.0.44.dev20260713+nightly
codegen_flags: <defaults>
</compile_context>

<pallas_src>
import functools
import math

import jax
import jax.numpy as jnp
from jax import lax
from jax.experimental import pallas as pl
from jax.experimental.pallas import tpu as pltpu
from jax.experimental.pallas import tpu_sc as plsc

N_ATOMS = 10000
N_EDGES = 320000
N_BASIS = 128
N_RBF = 16
N_FILT = 128

_LOG2 = math.log(2.0)

NC = 2
NS = 16
NW = NC * NS
EPW = N_EDGES // NW
CHUNK = 80
NCHUNK = EPW // CHUNK
ROWS_PER_SC = N_ATOMS
ZCHUNK = 80
NZ = N_ATOMS // ZCHUNK


def _ssp(x):
    return jax.nn.softplus(x) - _LOG2



def _h_body(x_ref, w_ref, o_ref):
    o_ref[...] = jnp.dot(x_ref[...], w_ref[...],
                         preferred_element_type=jnp.float32)


def _filt_body(f_ref, rc_ref, w1_ref, b1_ref, w2_ref, b2_ref, o_ref):
    t = jnp.dot(f_ref[...], w1_ref[...],
                preferred_element_type=jnp.float32) + b1_ref[...][None, :]
    t = _ssp(t)
    t = jnp.dot(t, w2_ref[...],
                preferred_element_type=jnp.float32) + b2_ref[...][None, :]
    o_ref[...] = t * rc_ref[...]


def _out_body(p_ref, w1_ref, b1_ref, w2_ref, b2_ref, o_ref):
    agg = p_ref[0] + p_ref[1]
    t = _ssp(jnp.dot(agg, w1_ref[...],
                     preferred_element_type=jnp.float32) + b1_ref[...][None, :])
    o_ref[...] = jnp.dot(t, w2_ref[...],
                         preferred_element_type=jnp.float32) + b2_ref[...][None, :]



@functools.cache
def _build_conv():
    mesh = plsc.VectorSubcoreMesh(core_axis_name="c", subcore_axis_name="s",
                                  num_cores=NC, num_subcores=NS)
    return functools.partial(
        pl.kernel,
        out_type=jax.ShapeDtypeStruct((NC, N_ATOMS, N_FILT), jnp.float32),
        mesh=mesh,
        scratch_types=[
            pltpu.VMEM((2, CHUNK), jnp.int32),
            pltpu.VMEM((2, CHUNK), jnp.int32),
            pltpu.VMEM((2, CHUNK, N_FILT), jnp.float32),
            pltpu.VMEM((2, CHUNK, N_FILT), jnp.float32),
            pltpu.VMEM_SHARED((N_ATOMS, N_FILT), jnp.float32),
            [pltpu.SemaphoreType.DMA] * 2,
            [pltpu.SemaphoreType.DMA] * 2,
            [pltpu.SemaphoreType.DMA] * 2,
            [pltpu.SemaphoreType.DMA] * 2,
        ],
    )(_conv_body)


def _conv_body(h_hbm, wij_hbm, idxi_hbm, idxj_hbm, out_hbm,
               idxj_v, idxi_v, rows_v, wij_v, agg_sh,
               jsem, ism, wsem, gsem):
    cid = lax.axis_index("c")
    sid = lax.axis_index("s")
    wid = sid * NC + cid

    def _zero_body(e, _):
        for c in range(N_FILT // 16):
            rows_v[0, e, pl.ds(c * 16, 16)] = jnp.zeros((16,), jnp.float32)
        return 0
    lax.fori_loop(0, CHUNK, _zero_body, 0)

    def _zero_sh(k, _):
        chunk = sid + k * NS

        @pl.when(chunk < NZ)
        def _():
            pltpu.sync_copy(rows_v.at[0],
                            agg_sh.at[pl.ds(chunk * ZCHUNK, ZCHUNK)])
        return 0
    lax.fori_loop(0, (NZ + NS - 1) // NS, _zero_sh, 0)

    plsc.subcore_barrier()

    base = wid * EPW

    def _issue_j(k, b):
        pltpu.async_copy(idxj_hbm.at[pl.ds(base + k * CHUNK, CHUNK)],
                         idxj_v.at[b], jsem[b])

    def _issue_iw(k, b):
        pltpu.async_copy(idxi_hbm.at[pl.ds(base + k * CHUNK, CHUNK)],
                         idxi_v.at[b], ism[b])
        pltpu.async_copy(wij_hbm.at[pl.ds(base + k * CHUNK, CHUNK)],
                         wij_v.at[b], wsem[b])

    def _wait(hbm_ref, vref, sem):
        pltpu.make_async_copy(hbm_ref, vref, sem).wait()

    def _issue_gather(b):
        pltpu.async_copy(h_hbm.at[idxj_v.at[b]], rows_v.at[b], gsem[b])

    def _wait_gather(b):
        pltpu.make_async_copy(h_hbm.at[idxj_v.at[b]], rows_v.at[b],
                              gsem[b]).wait()

    def _mul_scatter(b):
        def _mul(i, _):
            for u in range(2):
                e = 2 * i + u
                for c in range(N_FILT // 16):
                    s = pl.ds(c * 16, 16)
                    rows_v[b, e, s] = rows_v[b, e, s] * wij_v[b, e, s]
            return 0
        lax.fori_loop(0, CHUNK // 2, _mul, 0)
        pltpu.sync_copy(rows_v.at[b], agg_sh.at[idxi_v.at[b]], add=True)

    hbm_j = idxj_hbm.at[pl.ds(base, CHUNK)]
    hbm_i = idxi_hbm.at[pl.ds(base, CHUNK)]
    hbm_w = wij_hbm.at[pl.ds(base, CHUNK)]

    _issue_j(0, 0)
    _issue_iw(0, 0)
    _issue_j(1, 1)
    _issue_iw(1, 1)
    _wait(hbm_j, idxj_v.at[0], jsem[0])
    _issue_gather(0)

    def _pair(i, _):
        k0 = 2 * i
        _wait_gather(0)
        _wait(hbm_j, idxj_v.at[1], jsem[1])
        _issue_gather(1)
        _issue_j(k0 + 2, 0)
        _wait(hbm_w, wij_v.at[0], wsem[0])
        _wait(hbm_i, idxi_v.at[0], ism[0])
        _mul_scatter(0)
        _issue_iw(k0 + 2, 0)

        _wait_gather(1)
        _wait(hbm_j, idxj_v.at[0], jsem[0])
        _issue_gather(0)
        @pl.when(i < NCHUNK // 2 - 1)
        def _():
            _issue_j(k0 + 3, 1)
        _wait(hbm_w, wij_v.at[1], wsem[1])
        _wait(hbm_i, idxi_v.at[1], ism[1])
        _mul_scatter(1)
        @pl.when(i < NCHUNK // 2 - 1)
        def _():
            _issue_iw(k0 + 3, 1)
        return 0

    lax.fori_loop(0, NCHUNK // 2, _pair, 0)

    _wait_gather(0)
    _wait(hbm_w, wij_v.at[0], wsem[0])
    _wait(hbm_i, idxi_v.at[0], ism[0])
    _mul_scatter(0)

    plsc.subcore_barrier()

    def _dump(k, _):
        chunk = sid + k * NS

        @pl.when(chunk < NZ)
        def _():
            pltpu.sync_copy(agg_sh.at[pl.ds(chunk * ZCHUNK, ZCHUNK)],
                            out_hbm.at[cid, pl.ds(chunk * ZCHUNK, ZCHUNK)])
        return 0
    lax.fori_loop(0, (NZ + NS - 1) // NS, _dump, 0)



def kernel(x, f_ij, idx_i, idx_j, rcut_ij,
           W_in2f, W_f1, b_f1, W_f2, b_f2, W_o1, b_o1, W_o2, b_o2):
    HB = 1000
    EB = 8000

    h = pl.pallas_call(
        _h_body,
        grid=(N_ATOMS // HB,),
        in_specs=[
            pl.BlockSpec((HB, N_BASIS), lambda i: (i, 0)),
            pl.BlockSpec((N_BASIS, N_FILT), lambda i: (0, 0)),
        ],
        out_specs=pl.BlockSpec((HB, N_FILT), lambda i: (i, 0)),
        out_shape=jax.ShapeDtypeStruct((N_ATOMS, N_FILT), jnp.float32),
    )(x, W_in2f)

    wij = pl.pallas_call(
        _filt_body,
        grid=(N_EDGES // EB,),
        in_specs=[
            pl.BlockSpec((EB, N_RBF), lambda i: (i, 0)),
            pl.BlockSpec((EB, 1), lambda i: (i, 0)),
            pl.BlockSpec((N_RBF, N_FILT), lambda i: (0, 0)),
            pl.BlockSpec((N_FILT,), lambda i: (0,)),
            pl.BlockSpec((N_FILT, N_FILT), lambda i: (0, 0)),
            pl.BlockSpec((N_FILT,), lambda i: (0,)),
        ],
        out_specs=pl.BlockSpec((EB, N_FILT), lambda i: (i, 0)),
        out_shape=jax.ShapeDtypeStruct((N_EDGES, N_FILT), jnp.float32),
    )(f_ij, rcut_ij.reshape(N_EDGES, 1), W_f1, b_f1, W_f2, b_f2)

    parts = _build_conv()(h, wij, idx_i.astype(jnp.int32),
                          idx_j.astype(jnp.int32))

    out = pl.pallas_call(
        _out_body,
        grid=(N_ATOMS // HB,),
        in_specs=[
            pl.BlockSpec((NC, HB, N_FILT), lambda i: (0, i, 0)),
            pl.BlockSpec((N_FILT, N_BASIS), lambda i: (0, 0)),
            pl.BlockSpec((N_BASIS,), lambda i: (0,)),
            pl.BlockSpec((N_BASIS, N_BASIS), lambda i: (0, 0)),
            pl.BlockSpec((N_BASIS,), lambda i: (0,)),
        ],
        out_specs=pl.BlockSpec((HB, N_BASIS), lambda i: (i, 0)),
        out_shape=jax.ShapeDtypeStruct((N_ATOMS, N_BASIS), jnp.float32),
    )(parts, W_o1, b_o1, W_o2, b_o2)

    return out

# --- scband reference (transcript-rebuilt; emitter-appended) ---
"""Pipeline reference for scband-sch-net-interaction-19018115186810 (READ-ONLY COPY).

The authoritative reference and input builder live on the scoring server;
editing this copy changes nothing except your own understanding.
"""

import jax, jax.numpy as jnp
import numpy as np

N_ATOMS = 10000
N_EDGES = 320000
N_BASIS = 128
N_RBF = 16
N_FILT = 128

def shifted_softplus(x):
    return jax.nn.softplus(x) - jnp.log(2.0)

def setup_inputs(seed: int = 0) -> dict:
    key = jax.random.key(seed)
    ks = jax.random.split(key, 16)
    x = jax.random.normal(ks[0], (N_ATOMS, N_BASIS), dtype=jnp.float32)
    f_ij = jax.random.normal(ks[1], (N_EDGES, N_RBF), dtype=jnp.float32)
    idx_i = jax.random.randint(ks[2], (N_EDGES,), 0, N_ATOMS, dtype=jnp.int64 if jax.config.jax_enable_x64 else jnp.int32)
    idx_j = jax.random.randint(ks[3], (N_EDGES,), 0, N_ATOMS, dtype=jnp.int64 if jax.config.jax_enable_x64 else jnp.int32)
    rcut_ij = jax.random.uniform(ks[4], (N_EDGES,), dtype=jnp.float32)
    s_in = 1.0 / np.sqrt(N_BASIS)
    s_rbf = 1.0 / np.sqrt(N_RBF)
    s_f = 1.0 / np.sqrt(N_FILT)
    W_in2f = jax.random.normal(ks[5], (N_BASIS, N_FILT), dtype=jnp.float32) * s_in
    W_f1 = jax.random.normal(ks[6], (N_RBF, N_FILT), dtype=jnp.float32) * s_rbf
    b_f1 = jnp.zeros((N_FILT,), dtype=jnp.float32)
    W_f2 = jax.random.normal(ks[7], (N_FILT, N_FILT), dtype=jnp.float32) * s_f
    b_f2 = jnp.zeros((N_FILT,), dtype=jnp.float32)
    W_o1 = jax.random.normal(ks[8], (N_FILT, N_BASIS), dtype=jnp.float32) * s_f
    b_o1 = jnp.zeros((N_BASIS,), dtype=jnp.float32)
    W_o2 = jax.random.normal(ks[9], (N_BASIS, N_BASIS), dtype=jnp.float32) * s_in
    b_o2 = jnp.zeros((N_BASIS,), dtype=jnp.float32)
    return {"x": x, "f_ij": f_ij, "idx_i": idx_i, "idx_j": idx_j, "rcut_ij": rcut_ij,
            "W_in2f": W_in2f, "W_f1": W_f1, "b_f1": b_f1, "W_f2": W_f2, "b_f2": b_f2,
            "W_o1": W_o1, "b_o1": b_o1, "W_o2": W_o2, "b_o2": b_o2}

def reference(x, f_ij, idx_i, idx_j, rcut_ij, W_in2f, W_f1, b_f1, W_f2, b_f2, W_o1, b_o1, W_o2, b_o2):
    # in2f: Dense without bias, no activation
    h = x @ W_in2f
    # filter_network: Dense(n_rbf, n_filters, act=shifted_softplus) -> Dense(n_filters, n_filters)
    Wij = shifted_softplus(f_ij @ W_f1 + b_f1)
    Wij = Wij @ W_f2 + b_f2
    Wij = Wij * rcut_ij[:, None]
    # continuous-filter convolution: gather neighbors, modulate, scatter-add to centers
    x_j = jnp.take(h, idx_j, axis=0)
    x_ij = x_j * Wij
    agg = jnp.zeros_like(h).at[idx_i].add(x_ij)
    # f2out: Dense(n_filters, n_atom_basis, act) -> Dense(n_atom_basis, n_atom_basis)
    out = shifted_softplus(agg @ W_o1 + b_o1)
    out = out @ W_o2 + b_o2
    return out

if __name__ == "__main__":
    import jax
    _d = setup_inputs()
    print(jax.jit(kernel)(*tuple(_d.values())))

</pallas_src>

<mosaic_0001>
#map = affine_map<(d0, d1) -> (0, 0)>
#map1 = affine_map<(d0, d1) -> (0)>
#map2 = affine_map<(d0, d1) -> (0, 0, 0)>
module attributes {stable_mosaic.version = 14 : i64} {
  func.func @_conv_body(%arg0: i32, %arg1: i32, %arg2: memref<10000x128xf32, #tpu.memory_space<hbm>>, %arg3: memref<320000x128xf32, #tpu.memory_space<hbm>>, %arg4: memref<320000xi32, #tpu.memory_space<hbm>>, %arg5: memref<320000xi32, #tpu.memory_space<hbm>>, %arg6: memref<2x10000x128xf32, #tpu.memory_space<hbm>>, %arg7: memref<2x80xi32, #tpu.memory_space<vmem>>, %arg8: memref<2x80xi32, #tpu.memory_space<vmem>>, %arg9: memref<2x80x128xf32, #tpu.memory_space<vmem>>, %arg10: memref<2x80x128xf32, #tpu.memory_space<vmem>>, %arg11: memref<10000x128xf32, #tpu.memory_space<vmem_shared>>, %arg12: memref<!tpu.dma_semaphore, #tpu.memory_space<semaphore_mem>>, %arg13: memref<!tpu.dma_semaphore, #tpu.memory_space<semaphore_mem>>, %arg14: memref<!tpu.dma_semaphore, #tpu.memory_space<semaphore_mem>>, %arg15: memref<!tpu.dma_semaphore, #tpu.memory_space<semaphore_mem>>, %arg16: memref<!tpu.dma_semaphore, #tpu.memory_space<semaphore_mem>>, %arg17: memref<!tpu.dma_semaphore, #tpu.memory_space<semaphore_mem>>, %arg18: memref<!tpu.dma_semaphore, #tpu.memory_space<semaphore_mem>>, %arg19: memref<!tpu.dma_semaphore, #tpu.memory_space<semaphore_mem>>) attributes {dimension_semantics = [#tpu.dimension_semantics<core_parallel>, #tpu.dimension_semantics<subcore_parallel>], iteration_bounds = array<i64: 2, 16>, scalar_prefetch = 0 : i64, scratch_operands = 13 : i64, tpu.core_type = #tpu.core_type<sc_vector_subcore>, window_params = [{transform_indices = #map}, {transform_indices = #map}, {transform_indices = #map1}, {transform_indices = #map1}, {transform_indices = #map2}]} {
    %mul3A = arith.constant 2 : i32
    %mul3A_0 = arith.muli %arg1, %mul3A : i32
    %add3A = arith.addi %mul3A_0, %arg0 : i32
    %scan3A = arith.constant 0 : i32
    %scan3A_1 = arith.constant 0 : i32
    %scan3A_2 = arith.constant 80 : i32
    %scan3A_3 = arith.addi %scan3A_1, %scan3A_2 : i32
    %scan3A_4 = arith.constant 1 : i32
    %scan3A_5 = scf.for %scan3A_166 = %scan3A_1 to %scan3A_3 step %scan3A_4 iter_args(%scan3A_167 = %scan3A) -> (i32)  : i32 {
      %broadcast_in_dim3A = arith.constant 0.000000e+00 : f32
      %broadcast_in_dim3A_168 = vector.broadcast %broadcast_in_dim3A : f32 to vector<16xf32>
      %swap3A = arith.constant 0 : i32
      %swap3A_169 = arith.index_cast %swap3A : i32 to index
      %swap3A_170 = arith.index_cast %scan3A_166 : i32 to index
      %swap3A_171 = arith.constant 0 : index
      %swap3A_172 = tpu.vector_load %arg9[%swap3A_169, %swap3A_170, %swap3A_171] {strides = array<i32>} : memref<2x80x128xf32, #tpu.memory_space<vmem>>, vector<1x1x16xf32>,
      %swap3A_173 = vector.shape_cast %swap3A_172 : vector<1x1x16xf32> to vector<16xf32>
      %swap3A_174 = vector.shape_cast %broadcast_in_dim3A_168 : vector<16xf32> to vector<1x1x16xf32>
      tpu.vector_store %arg9[%swap3A_169, %swap3A_170, %swap3A_171], %swap3A_174 {strides = array<i32>} : memref<2x80x128xf32, #tpu.memory_space<vmem>>, vector<1x1x16xf32>,
      %broadcast_in_dim3A_175 = arith.constant 0.000000e+00 : f32
      %broadcast_in_dim3A_176 = vector.broadcast %broadcast_in_dim3A_175 : f32 to vector<16xf32>
      %swap3A_177 = arith.constant 0 : i32
      %swap3A_178 = arith.index_cast %swap3A_177 : i32 to index
      %swap3A_179 = arith.index_cast %scan3A_166 : i32 to index
      %swap3A_180 = arith.constant 16 : index
      %swap3A_181 = tpu.vector_load %arg9[%swap3A_178, %swap3A_179, %swap3A_180] {strides = array<i32>} : memref<2x80x128xf32, #tpu.memory_space<vmem>>, vector<1x1x16xf32>,
      %swap3A_182 = vector.shape_cast %swap3A_181 : vector<1x1x16xf32> to vector<16xf32>
      %swap3A_183 = vector.shape_cast %broadcast_in_dim3A_176 : vector<16xf32> to vector<1x1x16xf32>
      tpu.vector_store %arg9[%swap3A_178, %swap3A_179, %swap3A_180], %swap3A_183 {strides = array<i32>} : memref<2x80x128xf32, #tpu.memory_space<vmem>>, vector<1x1x16xf32>,
      %broadcast_in_dim3A_184 = arith.constant 0.000000e+00 : f32
      %broadcast_in_dim3A_185 = vector.broadcast %broadcast_in_dim3A_184 : f32 to vector<16xf32>
      %swap3A_186 = arith.constant 0 : i32
      %swap3A_187 = arith.index_cast %swap3A_186 : i32 to index
      %swap3A_188 = arith.index_cast %scan3A_166 : i32 to index
      %swap3A_189 = arith.constant 32 : index
      %swap3A_190 = tpu.vector_load %arg9[%swap3A_187, %swap3A_188, %swap3A_189] {strides = array<i32>} : memref<2x80x128xf32, #tpu.memory_space<vmem>>, vector<1x1x16xf32>,
      %swap3A_191 = vector.shape_cast %swap3A_190 : vector<1x1x16xf32> to vector<16xf32>
      %swap3A_192 = vector.shape_cast %broadcast_in_dim3A_185 : vector<16xf32> to vector<1x1x16xf32>
      tpu.vector_store %arg9[%swap3A_187, %swap3A_188, %swap3A_189], %swap3A_192 {strides = array<i32>} : memref<2x80x128xf32, #tpu.memory_space<vmem>>, vector<1x1x16xf32>,
      %broadcast_in_dim3A_193 = arith.constant 0.000000e+00 : f32
      %broadcast_in_dim3A_194 = vector.broadcast %broadcast_in_dim3A_193 : f32 to vector<16xf32>
      %swap3A_195 = arith.constant 0 : i32
      %swap3A_196 = arith.index_cast %swap3A_195 : i32 to index
      %swap3A_197 = arith.index_cast %scan3A_166 : i32 to index
      %swap3A_198 = arith.constant 48 : index
      %swap3A_199 = tpu.vector_load %arg9[%swap3A_196, %swap3A_197, %swap3A_198] {strides = array<i32>} : memref<2x80x128xf32, #tpu.memory_space<vmem>>, vector<1x1x16xf32>,
      %swap3A_200 = vector.shape_cast %swap3A_199 : vector<1x1x16xf32> to vector<16xf32>
      %swap3A_201 = vector.shape_cast %broadcast_in_dim3A_194 : vector<16xf32> to vector<1x1x16xf32>
      tpu.vector_store %arg9[%swap3A_196, %swap3A_197, %swap3A_198], %swap3A_201 {strides = array<i32>} : memref<2x80x128xf32, #tpu.memory_space<vmem>>, vector<1x1x16xf32>,
      %broadcast_in_dim3A_202 = arith.constant 0.000000e+00 : f32
      %broadcast_in_dim3A_203 = vector.broadcast %broadcast_in_dim3A_202 : f32 to vector<16xf32>
      %swap3A_204 = arith.constant 0 : i32
      %swap3A_205 = arith.index_cast %swap3A_204 : i32 to index
      %swap3A_206 = arith.index_cast %scan3A_166 : i32 to index
      %swap3A_207 = arith.constant 64 : index
      %swap3A_208 = tpu.vector_load %arg9[%swap3A_205, %swap3A_206, %swap3A_207] {strides = array<i32>} : memref<2x80x128xf32, #tpu.memory_space<vmem>>, vector<1x1x16xf32>,
      %swap3A_209 = vector.shape_cast %swap3A_208 : vector<1x1x16xf32> to vector<16xf32>
      %swap3A_210 = vector.shape_cast %broadcast_in_dim3A_203 : vector<16xf32> to vector<1x1x16xf32>
      tpu.vector_store %arg9[%swap3A_205, %swap3A_206, %swap3A_207], %swap3A_210 {strides = array<i32>} : memref<2x80x128xf32, #tpu.memory_space<vmem>>, vector<1x1x16xf32>,
      %broadcast_in_dim3A_211 = arith.constant 0.000000e+00 : f32
      %broadcast_in_dim3A_212 = vector.broadcast %broadcast_in_dim3A_211 : f32 to vector<16xf32>
      %swap3A_213 = arith.constant 0 : i32
      %swap3A_214 = arith.index_cast %swap3A_213 : i32 to index
      %swap3A_215 = arith.index_cast %scan3A_166 : i32 to index
      %swap3A_216 = arith.constant 80 : index
      %swap3A_217 = tpu.vector_load %arg9[%swap3A_214, %swap3A_215, %swap3A_216] {strides = array<i32>} : memref<2x80x128xf32, #tpu.memory_space<vmem>>, vector<1x1x16xf32>,
      %swap3A_218 = vector.shape_cast %swap3A_217 : vector<1x1x16xf32> to vector<16xf32>
      %swap3A_219 = vector.shape_cast %broadcast_in_dim3A_212 : vector<16xf32> to vector<1x1x16xf32>
      tpu.vector_store %arg9[%swap3A_214, %swap3A_215, %swap3A_216], %swap3A_219 {strides = array<i32>} : memref<2x80x128xf32, #tpu.memory_space<vmem>>, vector<1x1x16xf32>,
      %broadcast_in_dim3A_220 = arith.constant 0.000000e+00 : f32
      %broadcast_in_dim3A_221 = vector.broadcast %broadcast_in_dim3A_220 : f32 to vector<16xf32>
      %swap3A_222 = arith.constant 0 : i32
      %swap3A_223 = arith.index_cast %swap3A_222 : i32 to index
      %swap3A_224 = arith.index_cast %scan3A_166 : i32 to index
      %swap3A_225 = arith.constant 96 : index
      %swap3A_226 = tpu.vector_load %arg9[%swap3A_223, %swap3A_224, %swap3A_225] {strides = array<i32>} : memref<2x80x128xf32, #tpu.memory_space<vmem>>, vector<1x1x16xf32>,
      %swap3A_227 = vector.shape_cast %swap3A_226 : vector<1x1x16xf32> to vector<16xf32>
      %swap3A_228 = vector.shape_cast %broadcast_in_dim3A_221 : vector<16xf32> to vector<1x1x16xf32>
      tpu.vector_store %arg9[%swap3A_223, %swap3A_224, %swap3A_225], %swap3A_228 {strides = array<i32>} : memref<2x80x128xf32, #tpu.memory_space<vmem>>, vector<1x1x16xf32>,
      %broadcast_in_dim3A_229 = arith.constant 0.000000e+00 : f32
      %broadcast_in_dim3A_230 = vector.broadcast %broadcast_in_dim3A_229 : f32 to vector<16xf32>
      %swap3A_231 = arith.constant 0 : i32
      %swap3A_232 = arith.index_cast %swap3A_231 : i32 to index
      %swap3A_233 = arith.index_cast %scan3A_166 : i32 to index
      %swap3A_234 = arith.constant 112 : index
      %swap3A_235 = tpu.vector_load %arg9[%swap3A_232, %swap3A_233, %swap3A_234] {strides = array<i32>} : memref<2x80x128xf32, #tpu.memory_space<vmem>>, vector<1x1x16xf32>,
      %swap3A_236 = vector.shape_cast %swap3A_235 : vector<1x1x16xf32> to vector<16xf32>
      %swap3A_237 = vector.shape_cast %broadcast_in_dim3A_230 : vector<16xf32> to vector<1x1x16xf32>
      tpu.vector_store %arg9[%swap3A_232, %swap3A_233, %swap3A_234], %swap3A_237 {strides = array<i32>} : memref<2x80x128xf32, #tpu.memory_space<vmem>>, vector<1x1x16xf32>,
      %scan3A_238 = arith.constant 0 : i32
      scf.yield %scan3A_238 : i32
    }
    %scan3A_6 = arith.constant 80 : i32
    %scan3A_7 = arith.constant 0 : i32
    %scan3A_8 = arith.constant 0 : i32
    %scan3A_9 = arith.constant 8 : i32
    %scan3A_10 = arith.addi %scan3A_8, %scan3A_9 : i32
    %scan3A_11 = arith.constant 1 : i32
    %scan3A_12 = scf.for %scan3A_166 = %scan3A_8 to %scan3A_10 step %scan3A_11 iter_args(%scan3A_167 = %scan3A_7) -> (i32)  : i32 {
      %mul3A_168 = arith.constant 16 : i32
      %mul3A_169 = arith.muli %scan3A_166, %mul3A_168 : i32
      %add3A_170 = arith.addi %arg1, %mul3A_169 : i32
      %lt3A = arith.constant 125 : i32
      %lt3A_171 = arith.cmpi slt, %add3A_170, %lt3A : i32
      %convert_element_type3A = arith.extui %lt3A_171 : i1 to i32
      %cond3A = arith.constant 0 : i32
      %cond3A_172 = arith.cmpi ne, %convert_element_type3A, %cond3A : i32
      scf.if %cond3A_172 {
        %mul3A_174 = arith.constant 80 : i32
        %mul3A_175 = arith.muli %add3A_170, %mul3A_174 : i32
        %run_scoped3A_176 = arith.constant 0 : i32
        "tpu.region"() ({
          %run_scoped3A_177 = tpu.sem_alloc : memref<!tpu.dma_semaphore, #tpu.memory_space<semaphore_mem>>
          %dma_start3A_178 = arith.constant 0 : i32
          %dma_start3A_179 = arith.constant 0 : i32
          %dma_start3A_180 = tpu.memref_slice %arg9[%run_scoped3A_176, %dma_start3A_178, %dma_start3A_179] : memref<2x80x128xf32, #tpu.memory_space<vmem>> -> memref<1x80x128xf32, #tpu.memory_space<vmem>>
          %dma_start3A_181 = tpu.memref_squeeze %dma_start3A_180 : memref<1x80x128xf32, #tpu.memory_space<vmem>> -> memref<80x128xf32, #tpu.memory_space<vmem>>
          %dma_start3A_182 = arith.constant 0 : i32
          %dma_start3A_183 = tpu.memref_slice %arg11[%mul3A_175, %dma_start3A_182] : memref<10000x128xf32, #tpu.memory_space<vmem_shared>> -> memref<80x128xf32, #tpu.memory_space<vmem_shared>>
          %dma_start3A_184 = arith.constant 0 : i32
          %dma_start3A_185 = tpu.memref_slice %arg11[%mul3A_175, %dma_start3A_184] : memref<10000x128xf32, #tpu.memory_space<vmem_shared>> -> memref<80x128xf32, #tpu.memory_space<vmem_shared>>
          %dma_start3A_186 = arith.constant 0 : i32
          %dma_start3A_187 = arith.constant 0 : i32
          %dma_start3A_188 = tpu.memref_slice %arg9[%run_scoped3A_176, %dma_start3A_186, %dma_start3A_187] : memref<2x80x128xf32, #tpu.memory_space<vmem>> -> memref<1x80x128xf32, #tpu.memory_space<vmem>>
          %dma_start3A_189 = tpu.memref_squeeze %dma_start3A_188 : memref<1x80x128xf32, #tpu.memory_space<vmem>> -> memref<80x128xf32, #tpu.memory_space<vmem>>
          tpu.enqueue_dma source(%dma_start3A_189 : memref<80x128xf32, #tpu.memory_space<vmem>>) target(%dma_start3A_185 : memref<80x128xf32, #tpu.memory_space<vmem_shared>>) target_semaphore(%run_scoped3A_177 : memref<!tpu.dma_semaphore, #tpu.memory_space<semaphore_mem>>)
          %dma_wait3A_190 = arith.constant 0 : i32
          %dma_wait3A_191 = arith.constant 0 : i32
          %dma_wait3A_192 = tpu.memref_slice %arg9[%run_scoped3A_176, %dma_wait3A_190, %dma_wait3A_191] : memref<2x80x128xf32, #tpu.memory_space<vmem>> -> memref<1x80x128xf32, #tpu.memory_space<vmem>>
          %dma_wait3A_193 = tpu.memref_squeeze %dma_wait3A_192 : memref<1x80x128xf32, #tpu.memory_space<vmem>> -> memref<80x128xf32, #tpu.memory_space<vmem>>
          %dma_wait3A_194 = arith.constant 0 : i32
          %dma_wait3A_195 = tpu.memref_slice %arg11[%mul3A_175, %dma_wait3A_194] : memref<10000x128xf32, #tpu.memory_space<vmem_shared>> -> memref<80x128xf32, #tpu.memory_space<vmem_shared>>
          %dma_wait3A_196 = arith.constant 0 : i32
          %dma_wait3A_197 = tpu.memref_slice %arg11[%mul3A_175, %dma_wait3A_196] : memref<10000x128xf32, #tpu.memory_space<vmem_shared>> -> memref<80x128xf32, #tpu.memory_space<vmem_shared>>
          %dma_wait3A_198 = arith.constant 0 : i32
          %dma_wait3A_199 = arith.constant 0 : i32
          %dma_wait3A_200 = tpu.memref_slice %arg9[%run_scoped3A_176, %dma_wait3A_198, %dma_wait3A_199] : memref<2x80x128xf32, #tpu.memory_space<vmem>> -> memref<1x80x128xf32, #tpu.memory_space<vmem>>
          %dma_wait3A_201 = tpu.memref_squeeze %dma_wait3A_200 : memref<1x80x128xf32, #tpu.memory_space<vmem>> -> memref<80x128xf32, #tpu.memory_space<vmem>>
          tpu.wait_dma2 semaphore(%run_scoped3A_177 : memref<!tpu.dma_semaphore, #tpu.memory_space<semaphore_mem>>) src(%dma_wait3A_201 : memref<80x128xf32, #tpu.memory_space<vmem>>) dst(%dma_wait3A_197 : memref<80x128xf32, #tpu.memory_space<vmem_shared>>)
          tpu.yield
        }) : () -> ()
      } else {
      }
      %scan3A_173 = arith.constant 0 : i32
      scf.yield %scan3A_173 : i32
    }
    %scan3A_13 = arith.constant 8 : i32
    %barrier3A = arith.constant 0 : index
    tpu.barrier barrier_id(%barrier3A)
    %mul3A_14 = arith.constant 10000 : i32
    %mul3A_15 = arith.muli %add3A, %mul3A_14 : i32
    %add3A_16 = arith.constant 0 : i32
    %add3A_17 = arith.addi %mul3A_15, %add3A_16 : i32
    %dma_start3A = arith.constant 0 : i32
    %dma_start3A_18 = arith.constant 0 : i32
    %dma_start3A_19 = tpu.memref_slice %arg7[%dma_start3A, %dma_start3A_18] : memref<2x80xi32, #tpu.memory_space<vmem>> -> memref<1x80xi32, #tpu.memory_space<vmem>>
    %dma_start3A_20 = tpu.memref_squeeze %dma_start3A_19 : memref<1x80xi32, #tpu.memory_space<vmem>> -> memref<80xi32, #tpu.memory_space<vmem>>
    %dma_start3A_21 = tpu.memref_slice %arg5[%add3A_17] : memref<320000xi32, #tpu.memory_space<hbm>> -> memref<80xi32, #tpu.memory_space<hbm>>
    %dma_start3A_22 = arith.constant 0 : i32
    %dma_start3A_23 = tpu.memref_slice %arg7[%dma_start3A, %dma_start3A_22] : memref<2x80xi32, #tpu.memory_space<vmem>> -> memref<1x80xi32, #tpu.memory_space<vmem>>
    %dma_start3A_24 = tpu.memref_squeeze %dma_start3A_23 : memref<1x80xi32, #tpu.memory_space<vmem>> -> memref<80xi32, #tpu.memory_space<vmem>>
    %dma_start3A_25 = tpu.memref_slice %arg5[%add3A_17] : memref<320000xi32, #tpu.memory_space<hbm>> -> memref<80xi32, #tpu.memory_space<hbm>>
    tpu.enqueue_dma source(%dma_start3A_25 : memref<80xi32, #tpu.memory_space<hbm>>) target(%dma_start3A_24 : memref<80xi32, #tpu.memory_space<vmem>>) target_semaphore(%arg12 : memref<!tpu.dma_semaphore, #tpu.memory_space<semaphore_mem>>)
    %add3A_26 = arith.constant 0 : i32
    %add3A_27 = arith.addi %mul3A_15, %add3A_26 : i32
    %dma_start3A_28 = arith.constant 0 : i32
    %dma_start3A_29 = arith.constant 0 : i32
    %dma_start3A_30 = tpu.memref_slice %arg8[%dma_start3A_28, %dma_start3A_29] : memref<2x80xi32, #tpu.memory_space<vmem>> -> memref<1x80xi32, #tpu.memory_space<vmem>>
    %dma_start3A_31 = tpu.memref_squeeze %dma_start3A_30 : memref<1x80xi32, #tpu.memory_space<vmem>> -> memref<80xi32, #tpu.memory_space<vmem>>
    %dma_start3A_32 = tpu.memref_slice %arg4[%add3A_27] : memref<320000xi32, #tpu.memory_space<hbm>> -> memref<80xi32, #tpu.memory_space<hbm>>
    %dma_start3A_33 = arith.constant 0 : i32
    %dma_start3A_34 = tpu.memref_slice %arg8[%dma_start3A_28, %dma_start3A_33] : memref<2x80xi32, #tpu.memory_space<vmem>> -> memref<1x80xi32, #tpu.memory_space<vmem>>
    %dma_start3A_35 = tpu.memref_squeeze %dma_start3A_34 : memref<1x80xi32, #tpu.memory_space<vmem>> -> memref<80xi32, #tpu.memory_space<vmem>>
    %dma_start3A_36 = tpu.memref_slice %arg4[%add3A_27] : memref<320000xi32, #tpu.memory_space<hbm>> -> memref<80xi32, #tpu.memory_space<hbm>>
    tpu.enqueue_dma source(%dma_start3A_36 : memref<80xi32, #tpu.memory_space<hbm>>) target(%dma_start3A_35 : memref<80xi32, #tpu.memory_space<vmem>>) target_semaphore(%arg14 : memref<!tpu.dma_semaphore, #tpu.memory_space<semaphore_mem>>)
    %add3A_37 = arith.constant 0 : i32
    %add3A_38 = arith.addi %mul3A_15, %add3A_37 : i32
    %dma_start3A_39 = arith.constant 0 : i32
    %dma_start3A_40 = arith.constant 0 : i32
    %dma_start3A_41 = arith.constant 0 : i32
    %dma_start3A_42 = tpu.memref_slice %arg10[%dma_start3A_39, %dma_start3A_40, %dma_start3A_41] : memref<2x80x128xf32, #tpu.memory_space<vmem>> -> memref<1x80x128xf32, #tpu.memory_space<vmem>>
    %dma_start3A_43 = tpu.memref_squeeze %dma_start3A_42 : memref<1x80x128xf32, #tpu.memory_space<vmem>> -> memref<80x128xf32, #tpu.memory_space<vmem>>
    %dma_start3A_44 = arith.constant 0 : i32
    %dma_start3A_45 = tpu.memref_slice %arg3[%add3A_38, %dma_start3A_44] : memref<320000x128xf32, #tpu.memory_space<hbm>> -> memref<80x128xf32, #tpu.memory_space<hbm>>
    %dma_start3A_46 = arith.constant 0 : i32
    %dma_start3A_47 = arith.constant 0 : i32
    %dma_start3A_48 = tpu.memref_slice %arg10[%dma_start3A_39, %dma_start3A_46, %dma_start3A_47] : memref<2x80x128xf32, #tpu.memory_space<vmem>> -> memref<1x80x128xf32, #tpu.memory_space<vmem>>
    %dma_start3A_49 = tpu.memref_squeeze %dma_start3A_48 : memref<1x80x128xf32, #tpu.memory_space<vmem>> -> memref<80x128xf32, #tpu.memory_space<vmem>>
    %dma_start3A_50 = arith.constant 0 : i32
    %dma_start3A_51 = tpu.memref_slice %arg3[%add3A_38, %dma_start3A_50] : memref<320000x128xf32, #tpu.memory_space<hbm>> -> memref<80x128xf32, #tpu.memory_space<hbm>>
    tpu.enqueue_dma source(%dma_start3A_51 : memref<80x128xf32, #tpu.memory_space<hbm>>) target(%dma_start3A_49 : memref<80x128xf32, #tpu.memory_space<vmem>>) target_semaphore(%arg16 : memref<!tpu.dma_semaphore, #tpu.memory_space<semaphore_mem>>)
    %add3A_52 = arith.constant 80 : i32
    %add3A_53 = arith.addi %mul3A_15, %add3A_52 : i32
    %dma_start3A_54 = arith.constant 1 : i32
    %dma_start3A_55 = arith.constant 0 : i32
    %dma_start3A_56 = tpu.memref_slice %arg7[%dma_start3A_54, %dma_start3A_55] : memref<2x80xi32, #tpu.memory_space<vmem>> -> memref<1x80xi32, #tpu.memory_space<vmem>>
    %dma_start3A_57 = tpu.memref_squeeze %dma_start3A_56 : memref<1x80xi32, #tpu.memory_space<vmem>> -> memref<80xi32, #tpu.memory_space<vmem>>
    %dma_start3A_58 = tpu.memref_slice %arg5[%add3A_53] : memref<320000xi32, #tpu.memory_space<hbm>> -> memref<80xi32, #tpu.memory_space<hbm>>
    %dma_start3A_59 = arith.constant 0 : i32
    %dma_start3A_60 = tpu.memref_slice %arg7[%dma_start3A_54, %dma_start3A_59] : memref<2x80xi32, #tpu.memory_space<vmem>> -> memref<1x80xi32, #tpu.memory_space<vmem>>
    %dma_start3A_61 = tpu.memref_squeeze %dma_start3A_60 : memref<1x80xi32, #tpu.memory_space<vmem>> -> memref<80xi32, #tpu.memory_space<vmem>>
    %dma_start3A_62 = tpu.memref_slice %arg5[%add3A_53] : memref<320000xi32, #tpu.memory_space<hbm>> -> memref<80xi32, #tpu.memory_space<hbm>>
    tpu.enqueue_dma source(%dma_start3A_62 : memref<80xi32, #tpu.memory_space<hbm>>) target(%dma_start3A_61 : memref<80xi32, #tpu.memory_space<vmem>>) target_semaphore(%arg13 : memref<!tpu.dma_semaphore, #tpu.memory_space<semaphore_mem>>)
    %add3A_63 = arith.constant 80 : i32
    %add3A_64 = arith.addi %mul3A_15, %add3A_63 : i32
    %dma_start3A_65 = arith.constant 1 : i32
    %dma_start3A_66 = arith.constant 0 : i32
    %dma_start3A_67 = tpu.memref_slice %arg8[%dma_start3A_65, %dma_start3A_66] : memref<2x80xi32, #tpu.memory_space<vmem>> -> memref<1x80xi32, #tpu.memory_space<vmem>>
    %dma_start3A_68 = tpu.memref_squeeze %dma_start3A_67 : memref<1x80xi32, #tpu.memory_space<vmem>> -> memref<80xi32, #tpu.memory_space<vmem>>
    %dma_start3A_69 = tpu.memref_slice %arg4[%add3A_64] : memref<320000xi32, #tpu.memory_space<hbm>> -> memref<80xi32, #tpu.memory_space<hbm>>
    %dma_start3A_70 = arith.constant 0 : i32
    %dma_start3A_71 = tpu.memref_slice %arg8[%dma_start3A_65, %dma_start3A_70] : memref<2x80xi32, #tpu.memory_space<vmem>> -> memref<1x80xi32, #tpu.memory_space<vmem>>
    %dma_start3A_72 = tpu.memref_squeeze %dma_start3A_71 : memref<1x80xi32, #tpu.memory_space<vmem>> -> memref<80xi32, #tpu.memory_space<vmem>>
    %dma_start3A_73 = tpu.memref_slice %arg4[%add3A_64] : memref<320000xi32, #tpu.memory_space<hbm>> -> memref<80xi32, #tpu.memory_space<hbm>>
    tpu.enqueue_dma source(%dma_start3A_73 : memref<80xi32, #tpu.memory_space<hbm>>) target(%dma_start3A_72 : memref<80xi32, #tpu.memory_space<vmem>>) target_semaphore(%arg15 : memref<!tpu.dma_semaphore, #tpu.memory_space<semaphore_mem>>)
    %add3A_74 = arith.constant 80 : i32
    %add3A_75 = arith.addi %mul3A_15, %add3A_74 : i32
    %dma_start3A_76 = arith.constant 1 : i32
    %dma_start3A_77 = arith.constant 0 : i32
    %dma_start3A_78 = arith.constant 0 : i32
    %dma_start3A_79 = tpu.memref_slice %arg10[%dma_start3A_76, %dma_start3A_77, %dma_start3A_78] : memref<2x80x128xf32, #tpu.memory_space<vmem>> -> memref<1x80x128xf32, #tpu.memory_space<vmem>>
    %dma_start3A_80 = tpu.memref_squeeze %dma_start3A_79 : memref<1x80x128xf32, #tpu.memory_space<vmem>> -> memref<80x128xf32, #tpu.memory_space<vmem>>
    %dma_start3A_81 = arith.constant 0 : i32
    %dma_start3A_82 = tpu.memref_slice %arg3[%add3A_75, %dma_start3A_81] : memref<320000x128xf32, #tpu.memory_space<hbm>> -> memref<80x128xf32, #tpu.memory_space<hbm>>
    %dma_start3A_83 = arith.constant 0 : i32
    %dma_start3A_84 = arith.constant 0 : i32
    %dma_start3A_85 = tpu.memref_slice %arg10[%dma_start3A_76, %dma_start3A_83, %dma_start3A_84] : memref<2x80x128xf32, #tpu.memory_space<vmem>> -> memref<1x80x128xf32, #tpu.memory_space<vmem>>
    %dma_start3A_86 = tpu.memref_squeeze %dma_start3A_85 : memref<1x80x128xf32, #tpu.memory_space<vmem>> -> memref<80x128xf32, #tpu.memory_space<vmem>>
    %dma_start3A_87 = arith.constant 0 : i32
    %dma_start3A_88 = tpu.memref_slice %arg3[%add3A_75, %dma_start3A_87] : memref<320000x128xf32, #tpu.memory_space<hbm>> -> memref<80x128xf32, #tpu.memory_space<hbm>>
    tpu.enqueue_dma source(%dma_start3A_88 : memref<80x128xf32, #tpu.memory_space<hbm>>) target(%dma_start3A_86 : memref<80x128xf32, #tpu.memory_space<vmem>>) target_semaphore(%arg17 : memref<!tpu.dma_semaphore, #tpu.memory_space<semaphore_mem>>)
    %dma_wait3A = arith.constant 0 : i32
    %dma_wait3A_89 = arith.constant 0 : i32
    %dma_wait3A_90 = tpu.memref_slice %arg7[%dma_wait3A, %dma_wait3A_89] : memref<2x80xi32, #tpu.memory_space<vmem>> -> memref<1x80xi32, #tpu.memory_space<vmem>>
    %dma_wait3A_91 = tpu.memref_squeeze %dma_wait3A_90 : memref<1x80xi32, #tpu.memory_space<vmem>> -> memref<80xi32, #tpu.memory_space<vmem>>
    %dma_wait3A_92 = tpu.memref_slice %arg5[%mul3A_15] : memref<320000xi32, #tpu.memory_space<hbm>> -> memref<80xi32, #tpu.memory_space<hbm>>
    %dma_wait3A_93 = arith.constant 0 : i32
    %dma_wait3A_94 = tpu.memref_slice %arg7[%dma_wait3A, %dma_wait3A_93] : memref<2x80xi32, #tpu.memory_space<vmem>> -> memref<1x80xi32, #tpu.memory_space<vmem>>
    %dma_wait3A_95 = tpu.memref_squeeze %dma_wait3A_94 : memref<1x80xi32, #tpu.memory_space<vmem>> -> memref<80xi32, #tpu.memory_space<vmem>>
    %dma_wait3A_96 = tpu.memref_slice %arg5[%mul3A_15] : memref<320000xi32, #tpu.memory_space<hbm>> -> memref<80xi32, #tpu.memory_space<hbm>>
    tpu.wait_dma2 semaphore(%arg12 : memref<!tpu.dma_semaphore, #tpu.memory_space<semaphore_mem>>) src(%dma_wait3A_96 : memref<80xi32, #tpu.memory_space<hbm>>) dst(%dma_wait3A_95 : memref<80xi32, #tpu.memory_space<vmem>>)
    %dma_start3A_97 = arith.constant 0 : i32
    %dma_start3A_98 = arith.constant 0 : i32
    %dma_start3A_99 = arith.constant 0 : i32
    %dma_start3A_100 = arith.constant 0 : i32
    %dma_start3A_101 = tpu.memref_slice %arg9[%dma_start3A_98, %dma_start3A_99, %dma_start3A_100] : memref<2x80x128xf32, #tpu.memory_space<vmem>> -> memref<1x80x128xf32, #tpu.memory_space<vmem>>
    %dma_start3A_102 = tpu.memref_squeeze %dma_start3A_101 : memref<1x80x128xf32, #tpu.memory_space<vmem>> -> memref<80x128xf32, #tpu.memory_space<vmem>>
    %dma_start3A_103 = arith.constant 0 : i32
    %dma_start3A_104 = tpu.memref_slice %arg7[%dma_start3A_97, %dma_start3A_103] : memref<2x80xi32, #tpu.memory_space<vmem>> -> memref<1x80xi32, #tpu.memory_space<vmem>>
    %dma_start3A_105 = tpu.memref_squeeze %dma_start3A_104 : memref<1x80xi32, #tpu.memory_space<vmem>> -> memref<80xi32, #tpu.memory_space<vmem>>
    %dma_start3A_106 = arith.constant 0 : i32
    %dma_start3A_107 = arith.constant 0 : i32
    %dma_start3A_108 = tpu.memref_slice %arg2[%dma_start3A_106, %dma_start3A_107] : memref<10000x128xf32, #tpu.memory_space<hbm>> -> memref<10000x128xf32, #tpu.memory_space<hbm>>
    tpu.enqueue_indirect_dma source(%dma_start3A_108 : memref<10000x128xf32, #tpu.memory_space<hbm>>) target(%dma_start3A_102 : memref<80x128xf32, #tpu.memory_space<vmem>>) offsets(%dma_start3A_105 : memref<80xi32, #tpu.memory_space<vmem>>) semaphore(%arg18 : memref<!tpu.dma_semaphore, #tpu.memory_space<semaphore_mem>>)
    %scan3A_109 = arith.constant 0 : i32
    %scan3A_110 = arith.constant 0 : i32
    %scan3A_111 = arith.constant 62 : i32
    %scan3A_112 = arith.addi %scan3A_110, %scan3A_111 : i32
    %scan3A_113 = arith.constant 1 : i32
    %scan3A_114 = scf.for %scan3A_166 = %scan3A_110 to %scan3A_112 step %scan3A_113 iter_args(%scan3A_167 = %scan3A_109) -> (i32)  : i32 {
      %mul3A_168 = arith.constant 2 : i32
      %mul3A_169 = arith.muli %mul3A_168, %scan3A_166 : i32
      %dma_wait3A_170 = arith.constant 0 : i32
      %dma_wait3A_171 = arith.constant 0 : i32
      %dma_wait3A_172 = arith.constant 0 : i32
      %dma_wait3A_173 = arith.constant 0 : i32
      %dma_wait3A_174 = tpu.memref_slice %arg9[%dma_wait3A_171, %dma_wait3A_172, %dma_wait3A_173] : memref<2x80x128xf32, #tpu.memory_space<vmem>> -> memref<1x80x128xf32, #tpu.memory_space<vmem>>
      %dma_wait3A_175 = tpu.memref_squeeze %dma_wait3A_174 : memref<1x80x128xf32, #tpu.memory_space<vmem>> -> memref<80x128xf32, #tpu.memory_space<vmem>>
      %dma_wait3A_176 = arith.constant 0 : i32
      %dma_wait3A_177 = tpu.memref_slice %arg7[%dma_wait3A_170, %dma_wait3A_176] : memref<2x80xi32, #tpu.memory_space<vmem>> -> memref<1x80xi32, #tpu.memory_space<vmem>>
      %dma_wait3A_178 = tpu.memref_squeeze %dma_wait3A_177 : memref<1x80xi32, #tpu.memory_space<vmem>> -> memref<80xi32, #tpu.memory_space<vmem>>
      %dma_wait3A_179 = arith.constant 0 : i32
      %dma_wait3A_180 = arith.constant 0 : i32
      %dma_wait3A_181 = tpu.memref_slice %arg2[%dma_wait3A_179, %dma_wait3A_180] : memref<10000x128xf32, #tpu.memory_space<hbm>> -> memref<10000x128xf32, #tpu.memory_space<hbm>>
      tpu.wait_indirect_dma semaphore(%arg18 : memref<!tpu.dma_semaphore, #tpu.memory_space<semaphore_mem>>) src(%dma_wait3A_181 : memref<10000x128xf32, #tpu.memory_space<hbm>>) dst(%dma_wait3A_175 : memref<80x128xf32, #tpu.memory_space<vmem>>)
      %dma_wait3A_182 = arith.constant 1 : i32
      %dma_wait3A_183 = arith.constant 0 : i32
      %dma_wait3A_184 = tpu.memref_slice %arg7[%dma_wait3A_182, %dma_wait3A_183] : memref<2x80xi32, #tpu.memory_space<vmem>> -> memref<1x80xi32, #tpu.memory_space<vmem>>
      %dma_wait3A_185 = tpu.memref_squeeze %dma_wait3A_184 : memref<1x80xi32, #tpu.memory_space<vmem>> -> memref<80xi32, #tpu.memory_space<vmem>>
      %dma_wait3A_186 = tpu.memref_slice %arg5[%mul3A_15] : memref<320000xi32, #tpu.memory_space<hbm>> -> memref<80xi32, #tpu.memory_space<hbm>>
      %dma_wait3A_187 = arith.constant 0 : i32
      %dma_wait3A_188 = tpu.memref_slice %arg7[%dma_wait3A_182, %dma_wait3A_187] : memref<2x80xi32, #tpu.memory_space<vmem>> -> memref<1x80xi32, #tpu.memory_space<vmem>>
      %dma_wait3A_189 = tpu.memref_squeeze %dma_wait3A_188 : memref<1x80xi32, #tpu.memory_space<vmem>> -> memref<80xi32, #tpu.memory_space<vmem>>
      %dma_wait3A_190 = tpu.memref_slice %arg5[%mul3A_15] : memref<320000xi32, #tpu.memory_space<hbm>> -> memref<80xi32, #tpu.memory_space<hbm>>
      tpu.wait_dma2 semaphore(%arg13 : memref<!tpu.dma_semaphore, #tpu.memory_space<semaphore_mem>>) src(%dma_wait3A_190 : memref<80xi32, #tpu.memory_space<hbm>>) dst(%dma_wait3A_189 : memref<80xi32, #tpu.memory_space<vmem>>)
      %dma_start3A_191 = arith.constant 1 : i32
      %dma_start3A_192 = arith.constant 1 : i32
      %dma_start3A_193 = arith.constant 0 : i32
      %dma_start3A_194 = arith.constant 0 : i32
      %dma_start3A_195 = tpu.memref_slice %arg9[%dma_start3A_192, %dma_start3A_193, %dma_start3A_194] : memref<2x80x128xf32, #tpu.memory_space<vmem>> -> memref<1x80x128xf32, #tpu.memory_space<vmem>>
      %dma_start3A_196 = tpu.memref_squeeze %dma_start3A_195 : memref<1x80x128xf32, #tpu.memory_space<vmem>> -> memref<80x128xf32, #tpu.memory_space<vmem>>
      %dma_start3A_197 = arith.constant 0 : i32
      %dma_start3A_198 = tpu.memref_slice %arg7[%dma_start3A_191, %dma_start3A_197] : memref<2x80xi32, #tpu.memory_space<vmem>> -> memref<1x80xi32, #tpu.memory_space<vmem>>
      %dma_start3A_199 = tpu.memref_squeeze %dma_start3A_198 : memref<1x80xi32, #tpu.memory_space<vmem>> -> memref<80xi32, #tpu.memory_space<vmem>>
      %dma_start3A_200 = arith.constant 0 : i32
      %dma_start3A_201 = arith.constant 0 : i32
      %dma_start3A_202 = tpu.memref_slice %arg2[%dma_start3A_200, %dma_start3A_201] : memref<10000x128xf32, #tpu.memory_space<hbm>> -> memref<10000x128xf32, #tpu.memory_space<hbm>>
      tpu.enqueue_indirect_dma source(%dma_start3A_202 : memref<10000x128xf32, #tpu.memory_space<hbm>>) target(%dma_start3A_196 : memref<80x128xf32, #tpu.memory_space<vmem>>) offsets(%dma_start3A_199 : memref<80xi32, #tpu.memory_space<vmem>>) semaphore(%arg19 : memref<!tpu.dma_semaphore, #tpu.memory_space<semaphore_mem>>)
      %add3A_203 = arith.constant 2 : i32
      %add3A_204 = arith.addi %mul3A_169, %add3A_203 : i32
      %mul3A_205 = arith.constant 80 : i32
      %mul3A_206 = arith.muli %add3A_204, %mul3A_205 : i32
      %add3A_207 = arith.addi %mul3A_15, %mul3A_206 : i32
      %dma_start3A_208 = arith.constant 0 : i32
      %dma_start3A_209 = arith.constant 0 : i32
      %dma_start3A_210 = tpu.memref_slice %arg7[%dma_start3A_208, %dma_start3A_209] : memref<2x80xi32, #tpu.memory_space<vmem>> -> memref<1x80xi32, #tpu.memory_space<vmem>>
      %dma_start3A_211 = tpu.memref_squeeze %dma_start3A_210 : memref<1x80xi32, #tpu.memory_space<vmem>> -> memref<80xi32, #tpu.memory_space<vmem>>
      %dma_start3A_212 = tpu.memref_slice %arg5[%add3A_207] : memref<320000xi32, #tpu.memory_space<hbm>> -> memref<80xi32, #tpu.memory_space<hbm>>
      %dma_start3A_213 = arith.constant 0 : i32
      %dma_start3A_214 = tpu.memref_slice %arg7[%dma_start3A_208, %dma_start3A_213] : memref<2x80xi32, #tpu.memory_space<vmem>> -> memref<1x80xi32, #tpu.memory_space<vmem>>
      %dma_start3A_215 = tpu.memref_squeeze %dma_start3A_214 : memref<1x80xi32, #tpu.memory_space<vmem>> -> memref<80xi32, #tpu.memory_space<vmem>>
      %dma_start3A_216 = tpu.memref_slice %arg5[%add3A_207] : memref<320000xi32, #tpu.memory_space<hbm>> -> memref<80xi32, #tpu.memory_space<hbm>>
      tpu.enqueue_dma source(%dma_start3A_216 : memref<80xi32, #tpu.memory_space<hbm>>) target(%dma_start3A_215 : memref<80xi32, #tpu.memory_space<vmem>>) target_semaphore(%arg12 : memref<!tpu.dma_semaphore, #tpu.memory_space<semaphore_mem>>)
      %dma_wait3A_217 = arith.constant 0 : i32
      %dma_wait3A_218 = arith.constant 0 : i32
      %dma_wait3A_219 = arith.constant 0 : i32
      %dma_wait3A_220 = tpu.memref_slice %arg10[%dma_wait3A_217, %dma_wait3A_218, %dma_wait3A_219] : memref<2x80x128xf32, #tpu.memory_space<vmem>> -> memref<1x80x128xf32, #tpu.memory_space<vmem>>
      %dma_wait3A_221 = tpu.memref_squeeze %dma_wait3A_220 : memref<1x80x128xf32, #tpu.memory_space<vmem>> -> memref<80x128xf32, #tpu.memory_space<vmem>>
      %dma_wait3A_222 = arith.constant 0 : i32
      %dma_wait3A_223 = tpu.memref_slice %arg3[%mul3A_15, %dma_wait3A_222] : memref<320000x128xf32, #tpu.memory_space<hbm>> -> memref<80x128xf32, #tpu.memory_space<hbm>>
      %dma_wait3A_224 = arith.constant 0 : i32
      %dma_wait3A_225 = arith.constant 0 : i32
      %dma_wait3A_226 = tpu.memref_slice %arg10[%dma_wait3A_217, %dma_wait3A_224, %dma_wait3A_225] : memref<2x80x128xf32, #tpu.memory_space<vmem>> -> memref<1x80x128xf32, #tpu.memory_space<vmem>>
      %dma_wait3A_227 = tpu.memref_squeeze %dma_wait3A_226 : memref<1x80x128xf32, #tpu.memory_space<vmem>> -> memref<80x128xf32, #tpu.memory_space<vmem>>
      %dma_wait3A_228 = arith.constant 0 : i32
      %dma_wait3A_229 = tpu.memref_slice %arg3[%mul3A_15, %dma_wait3A_228] : memref<320000x128xf32, #tpu.memory_space<hbm>> -> memref<80x128xf32, #tpu.memory_space<hbm>>
      tpu.wait_dma2 semaphore(%arg16 : memref<!tpu.dma_semaphore, #tpu.memory_space<semaphore_mem>>) src(%dma_wait3A_229 : memref<80x128xf32, #tpu.memory_space<hbm>>) dst(%dma_wait3A_227 : memref<80x128xf32, #tpu.memory_space<vmem>>)
      %dma_wait3A_230 = arith.constant 0 : i32
      %dma_wait3A_231 = arith.constant 0 : i32
      %dma_wait3A_232 = tpu.memref_slice %arg8[%dma_wait3A_230, %dma_wait3A_231] : memref<2x80xi32, #tpu.memory_space<vmem>> -> memref<1x80xi32, #tpu.memory_space<vmem>>
      %dma_wait3A_233 = tpu.memref_squeeze %dma_wait3A_232 : memref<1x80xi32, #tpu.memory_space<vmem>> -> memref<80xi32, #tpu.memory_space<vmem>>
      %dma_wait3A_234 = tpu.memref_slice %arg4[%mul3A_15] : memref<320000xi32, #tpu.memory_space<hbm>> -> memref<80xi32, #tpu.memory_space<hbm>>
      %dma_wait3A_235 = arith.constant 0 : i32
      %dma_wait3A_236 = tpu.memref_slice %arg8[%dma_wait3A_230, %dma_wait3A_235] : memref<2x80xi32, #tpu.memory_space<vmem>> -> memref<1x80xi32, #tpu.memory_space<vmem>>
      %dma_wait3A_237 = tpu.memref_squeeze %dma_wait3A_236 : memref<1x80xi32, #tpu.memory_space<vmem>> -> memref<80xi32, #tpu.memory_space<vmem>>
      %dma_wait3A_238 = tpu.memref_slice %arg4[%mul3A_15] : memref<320000xi32, #tpu.memory_space<hbm>> -> memref<80xi32, #tpu.memory_space<hbm>>
      tpu.wait_dma2 semaphore(%arg14 : memref<!tpu.dma_semaphore, #tpu.memory_space<semaphore_mem>>) src(%dma_wait3A_238 : memref<80xi32, #tpu.memory_space<hbm>>) dst(%dma_wait3A_237 : memref<80xi32, #tpu.memory_space<vmem>>)
      %scan3A_239 = arith.constant 0 : i32
      %scan3A_240 = arith.constant 0 : i32
      %scan3A_241 = arith.constant 40 : i32
      %scan3A_242 = arith.addi %scan3A_240, %scan3A_241 : i32
      %scan3A_243 = arith.constant 1 : i32
      %scan3A_244 = scf.for %scan3A_350 = %scan3A_240 to %scan3A_242 step %scan3A_243 iter_args(%scan3A_351 = %scan3A_239) -> (i32)  : i32 {
        %mul3A_352 = arith.constant 2 : i32
        %mul3A_353 = arith.muli %mul3A_352, %scan3A_350 : i32
        %add3A_354 = arith.constant 0 : i32
        %add3A_355 = arith.addi %mul3A_353, %add3A_354 : i32
        %get3A = arith.constant 0 : i32
        %get3A_356 = arith.index_cast %get3A : i32 to index
        %get3A_357 = arith.index_cast %add3A_355 : i32 to index
        %get3A_358 = arith.constant 0 : index
        %get3A_359 = tpu.vector_load %arg9[%get3A_356, %get3A_357, %get3A_358] {strides = array<i32>} : memref<2x80x128xf32, #tpu.memory_space<vmem>>, vector<1x1x16xf32>,
        %get3A_360 = vector.shape_cast %get3A_359 : vector<1x1x16xf32> to vector<16xf32>
        %get3A_361 = arith.constant 0 : i32
        %get3A_362 = arith.index_cast %get3A_361 : i32 to index
        %get3A_363 = arith.index_cast %add3A_355 : i32 to index
        %get3A_364 = arith.constant 0 : index
        %get3A_365 = tpu.vector_load %arg10[%get3A_362, %get3A_363, %get3A_364] {strides = array<i32>} : memref<2x80x128xf32, #tpu.memory_space<vmem>>, vector<1x1x16xf32>,
        %get3A_366 = vector.shape_cast %get3A_365 : vector<1x1x16xf32> to vector<16xf32>
        %mul3A_367 = arith.mulf %get3A_360, %get3A_366 : vector<16xf32>
        %swap3A = arith.constant 0 : i32
        %swap3A_368 = arith.index_cast %swap3A : i32 to index
        %swap3A_369 = arith.index_cast %add3A_355 : i32 to index
        %swap3A_370 = arith.constant 0 : index
        %swap3A_371 = tpu.vector_load %arg9[%swap3A_368, %swap3A_369, %swap3A_370] {strides = array<i32>} : memref<2x80x128xf32, #tpu.memory_space<vmem>>, vector<1x1x16xf32>,
        %swap3A_372 = vector.shape_cast %swap3A_371 : vector<1x1x16xf32> to vector<16xf32>
        %swap3A_373 = vector.shape_cast %mul3A_367 : vector<16xf32> to vector<1x1x16xf32>
        tpu.vector_store %arg9[%swap3A_368, %swap3A_369, %swap3A_370], %swap3A_373 {strides = array<i32>} : memref<2x80x128xf32, #tpu.memory_space<vmem>>, vector<1x1x16xf32>,
        %get3A_374 = arith.constant 0 : i32
        %get3A_375 = arith.index_cast %get3A_374 : i32 to index
        %get3A_376 = arith.index_cast %add3A_355 : i32 to index
        %get3A_377 = arith.constant 16 : index
        %get3A_378 = tpu.vector_load %arg9[%get3A_375, %get3A_376, %get3A_377] {strides = array<i32>} : memref<2x80x128xf32, #tpu.memory_space<vmem>>, vector<1x1x16xf32>,
        %get3A_379 = vector.shape_cast %get3A_378 : vector<1x1x16xf32> to vector<16xf32>
        %get3A_380 = arith.constant 0 : i32
        %get3A_381 = arith.index_cast %get3A_380 : i32 to index
        %get3A_382 = arith.index_cast %add3A_355 : i32 to index
        %get3A_383 = arith.constant 16 : index
        %get3A_384 = tpu.vector_load %arg10[%get3A_381, %get3A_382, %get3A_383] {strides = array<i32>} : memref<2x80x128xf32, #tpu.memory_space<vmem>>, vector<1x1x16xf32>,
        %get3A_385 = vector.shape_cast %get3A_384 : vector<1x1x16xf32> to vector<16xf32>
        %mul3A_386 = arith.mulf %get3A_379, %get3A_385 : vector<16xf32>
        %swap3A_387 = arith.constant 0 : i32
        %swap3A_388 = arith.index_cast %swap3A_387 : i32 to index
        %swap3A_389 = arith.index_cast %add3A_355 : i32 to index
        %swap3A_390 = arith.constant 16 : index
        %swap3A_391 = tpu.vector_load %arg9[%swap3A_388, %swap3A_389, %swap3A_390] {strides = array<i32>} : memref<2x80x128xf32, #tpu.memory_space<vmem>>, vector<1x1x16xf32>,
        %swap3A_392 = vector.shape_cast %swap3A_391 : vector<1x1x16xf32> to vector<16xf32>
        %swap3A_393 = vector.shape_cast %mul3A_386 : vector<16xf32> to vector<1x1x16xf32>
        tpu.vector_store %arg9[%swap3A_388, %swap3A_389, %swap3A_390], %swap3A_393 {strides = array<i32>} : memref<2x80x128xf32, #tpu.memory_space<vmem>>, vector<1x1x16xf32>,
        %get3A_394 = arith.constant 0 : i32
        %get3A_395 = arith.index_cast %get3A_394 : i32 to index
        %get3A_396 = arith.index_cast %add3A_355 : i32 to index
        %get3A_397 = arith.constant 32 : index
        %get3A_398 = tpu.vector_load %arg9[%get3A_395, %get3A_396, %get3A_397] {strides = array<i32>} : memref<2x80x128xf32, #tpu.memory_space<vmem>>, vector<1x1x16xf32>,
        %get3A_399 = vector.shape_cast %get3A_398 : vector<1x1x16xf32> to vector<16xf32>
        %get3A_400 = arith.constant 0 : i32
        %get3A_401 = arith.index_cast %get3A_400 : i32 to index
        %get3A_402 = arith.index_cast %add3A_355 : i32 to index
        %get3A_403 = arith.constant 32 : index
        %get3A_404 = tpu.vector_load %arg10[%get3A_401, %get3A_402, %get3A_403] {strides = array<i32>} : memref<2x80x128xf32, #tpu.memory_space<vmem>>, vector<1x1x16xf32>,
        %get3A_405 = vector.shape_cast %get3A_404 : vector<1x1x16xf32> to vector<16xf32>
        %mul3A_406 = arith.mulf %get3A_399, %get3A_405 : vector<16xf32>
        %swap3A_407 = arith.constant 0 : i32
        %swap3A_408 = arith.index_cast %swap3A_407 : i32 to index
        %swap3A_409 = arith.index_cast %add3A_355 : i32 to index
        %swap3A_410 = arith.constant 32 : index
        %swap3A_411 = tpu.vector_load %arg9[%swap3A_408, %swap3A_409, %swap3A_410] {strides = array<i32>} : memref<2x80x128xf32, #tpu.memory_space<vmem>>, vector<1x1x16xf32>,
        %swap3A_412 = vector.shape_cast %swap3A_411 : vector<1x1x16xf32> to vector<16xf32>
        %swap3A_413 = vector.shape_cast %mul3A_406 : vector<16xf32> to vector<1x1x16xf32>
        tpu.vector_store %arg9[%swap3A_408, %swap3A_409, %swap3A_410], %swap3A_413 {strides = array<i32>} : memref<2x80x128xf32, #tpu.memory_space<vmem>>, vector<1x1x16xf32>,
        %get3A_414 = arith.constant 0 : i32
        %get3A_415 = arith.index_cast %get3A_414 : i32 to index
        %get3A_416 = arith.index_cast %add3A_355 : i32 to index
        %get3A_417 = arith.constant 48 : index
        %get3A_418 = tpu.vector_load %arg9[%get3A_415, %get3A_416, %get3A_417] {strides = array<i32>} : memref<2x80x128xf32, #tpu.memory_space<vmem>>, vector<1x1x16xf32>,
        %get3A_419 = vector.shape_cast %get3A_418 : vector<1x1x16xf32> to vector<16xf32>
        %get3A_420 = arith.constant 0 : i32
        %get3A_421 = arith.index_cast %get3A_420 : i32 to index
        %get3A_422 = arith.index_cast %add3A_355 : i32 to index
        %get3A_423 = arith.constant 48 : index
        %get3A_424 = tpu.vector_load %arg10[%get3A_421, %get3A_422, %get3A_423] {strides = array<i32>} : memref<2x80x128xf32, #tpu.memory_space<vmem>>, vector<1x1x16xf32>,
        %get3A_425 = vector.shape_cast %get3A_424 : vector<1x1x16xf32> to vector<16xf32>
        %mul3A_426 = arith.mulf %get3A_419, %get3A_425 : vector<16xf32>
        %swap3A_427 = arith.constant 0 : i32
        %swap3A_428 = arith.index_cast %swap3A_427 : i32 to index
        %swap3A_429 = arith.index_cast %add3A_355 : i32 to index
        %swap3A_430 = arith.constant 48 : index
        %swap3A_431 = tpu.vector_load %arg9[%swap3A_428, %swap3A_429, %swap3A_430] {strides = array<i32>} : memref<2x80x128xf32, #tpu.memory_space<vmem>>, vector<1x1x16xf32>,
        %swap3A_432 = vector.shape_cast %swap3A_431 : vector<1x1x16xf32> to vector<16xf32>
        %swap3A_433 = vector.shape_cast %mul3A_426 : vector<16xf32> to vector<1x1x16xf32>
        tpu.vector_store %arg9[%swap3A_428, %swap3A_429, %swap3A_430], %swap3A_433 {strides = array<i32>} : memref<2x80x128xf32, #tpu.memory_space<vmem>>, vector<1x1x16xf32>,
        %get3A_434 = arith.constant 0 : i32
        %get3A_435 = arith.index_cast %get3A_434 : i32 to index
        %get3A_436 = arith.index_cast %add3A_355 : i32 to index
        %get3A_437 = arith.constant 64 : index
        %get3A_438 = tpu.vector_load %arg9[%get3A_435, %get3A_436, %get3A_437] {strides = array<i32>} : memref<2x80x128xf32, #tpu.memory_space<vmem>>, vector<1x1x16xf32>,
        %get3A_439 = vector.shape_cast %get3A_438 : vector<1x1x16xf32> to vector<16xf32>
        %get3A_440 = arith.constant 0 : i32
        %get3A_441 = arith.index_cast %get3A_440 : i32 to index
        %get3A_442 = arith.index_cast %add3A_355 : i32 to index
        %get3A_443 = arith.constant 64 : index
        %get3A_444 = tpu.vector_load %arg10[%get3A_441, %get3A_442, %get3A_443] {strides = array<i32>} : memref<2x80x128xf32, #tpu.memory_space<vmem>>, vector<1x1x16xf32>,
        %get3A_445 = vector.shape_cast %get3A_444 : vector<1x1x16xf32> to vector<16xf32>
        %mul3A_446 = arith.mulf %get3A_439, %get3A_445 : vector<16xf32>
        %swap3A_447 = arith.constant 0 : i32
        %swap3A_448 = arith.index_cast %swap3A_447 : i32 to index
        %swap3A_449 = arith.index_cast %add3A_355 : i32 to index
        %swap3A_450 = arith.constant 64 : index
        %swap3A_451 = tpu.vector_load %arg9[%swap3A_448, %swap3A_449, %swap3A_450] {strides = array<i32>} : memref<2x80x128xf32, #tpu.memory_space<vmem>>, vector<1x1x16xf32>,
        %swap3A_452 = vector.shape_cast %swap3A_451 : vector<1x1x16xf32> to vector<16xf32>
        %swap3A_453 = vector.shape_cast %mul3A_446 : vector<16xf32> to vector<1x1x16xf32>
        tpu.vector_store %arg9[%swap3A_448, %swap3A_449, %swap3A_450], %swap3A_453 {strides = array<i32>} : memref<2x80x128xf32, #tpu.memory_space<vmem>>, vector<1x1x16xf32>,
        %get3A_454 = arith.constant 0 : i32
        %get3A_455 = arith.index_cast %get3A_454 : i32 to index
        %get3A_456 = arith.index_cast %add3A_355 : i32 to index
        %get3A_457 = arith.constant 80 : index
        %get3A_458 = tpu.vector_load %arg9[%get3A_455, %get3A_456, %get3A_457] {strides = array<i32>} : memref<2x80x128xf32, #tpu.memory_space<vmem>>, vector<1x1x16xf32>,
        %get3A_459 = vector.shape_cast %get3A_458 : vector<1x1x16xf32> to vector<16xf32>
        %get3A_460 = arith.constant 0 : i32
        %get3A_461 = arith.index_cast %get3A_460 : i32 to index
        %get3A_462 = arith.index_cast %add3A_355 : i32 to index
        %get3A_463 = arith.constant 80 : index
        %get3A_464 = tpu.vector_load %arg10[%get3A_461, %get3A_462, %get3A_463] {strides = array<i32>} : memref<2x80x128xf32, #tpu.memory_space<vmem>>, vector<1x1x16xf32>,
        %get3A_465 = vector.shape_cast %get3A_464 : vector<1x1x16xf32> to vector<16xf32>
        %mul3A_466 = arith.mulf %get3A_459, %get3A_465 : vector<16xf32>
        %swap3A_467 = arith.constant 0 : i32
        %swap3A_468 = arith.index_cast %swap3A_467 : i32 to index
        %swap3A_469 = arith.index_cast %add3A_355 : i32 to index
        %swap3A_470 = arith.constant 80 : index
        %swap3A_471 = tpu.vector_load %arg9[%swap3A_468, %swap3A_469, %swap3A_470] {strides = array<i32>} : memref<2x80x128xf32, #tpu.memory_space<vmem>>, vector<1x1x16xf32>,
        %swap3A_472 = vector.shape_cast %swap3A_471 : vector<1x1x16xf32> to vector<16xf32>
        %swap3A_473 = vector.shape_cast %mul3A_466 : vector<16xf32> to vector<1x1x16xf32>
        tpu.vector_store %arg9[%swap3A_468, %swap3A_469, %swap3A_470], %swap3A_473 {strides = array<i32>} : memref<2x80x128xf32, #tpu.memory_space<vmem>>, vector<1x1x16xf32>,
        %get3A_474 = arith.constant 0 : i32
        %get3A_475 = arith.index_cast %get3A_474 : i32 to index
        %get3A_476 = arith.index_cast %add3A_355 : i32 to index
        %get3A_477 = arith.constant 96 : index
        %get3A_478 = tpu.vector_load %arg9[%get3A_475, %get3A_476, %get3A_477] {strides = array<i32>} : memref<2x80x128xf32, #tpu.memory_space<vmem>>, vector<1x1x16xf32>,
        %get3A_479 = vector.shape_cast %get3A_478 : vector<1x1x16xf32> to vector<16xf32>
        %get3A_480 = arith.constant 0 : i32
        %get3A_481 = arith.index_cast %get3A_480 : i32 to index
        %get3A_482 = arith.index_cast %add3A_355 : i32 to index
        %get3A_483 = arith.constant 96 : index
        %get3A_484 = tpu.vector_load %arg10[%get3A_481, %get3A_482, %get3A_483] {strides = array<i32>} : memref<2x80x128xf32, #tpu.memory_space<vmem>>, vector<1x1x16xf32>,
        %get3A_485 = vector.shape_cast %get3A_484 : vector<1x1x16xf32> to vector<16xf32>
        %mul3A_486 = arith.mulf %get3A_479, %get3A_485 : vector<16xf32>
        %swap3A_487 = arith.constant 0 : i32
        %swap3A_488 = arith.index_cast %swap3A_487 : i32 to index
        %swap3A_489 = arith.index_cast %add3A_355 : i32 to index
        %swap3A_490 = arith.constant 96 : index
        %swap3A_491 = tpu.vector_load %arg9[%swap3A_488, %swap3A_489, %swap3A_490] {strides = array<i32>} : memref<2x80x128xf32, #tpu.memory_space<vmem>>, vector<1x1x16xf32>,
        %swap3A_492 = vector.shape_cast %swap3A_491 : vector<1x1x16xf32> to vector<16xf32>
        %swap3A_493 = vector.shape_cast %mul3A_486 : vector<16xf32> to vector<1x1x16xf32>
        tpu.vector_store %arg9[%swap3A_488, %swap3A_489, %swap3A_490], %swap3A_493 {strides = array<i32>} : memref<2x80x128xf32, #tpu.memory_space<vmem>>, vector<1x1x16xf32>,
        %get3A_494 = arith.constant 0 : i32
        %get3A_495 = arith.index_cast %get3A_494 : i32 to index
        %get3A_496 = arith.index_cast %add3A_355 : i32 to index
        %get3A_497 = arith.constant 112 : index
        %get3A_498 = tpu.vector_load %arg9[%get3A_495, %get3A_496, %get3A_497] {strides = array<i32>} : memref<2x80x128xf32, #tpu.memory_space<vmem>>, vector<1x1x16xf32>,
        %get3A_499 = vector.shape_cast %get3A_498 : vector<1x1x16xf32> to vector<16xf32>
        %get3A_500 = arith.constant 0 : i32
        %get3A_501 = arith.index_cast %get3A_500 : i32 to index
        %get3A_502 = arith.index_cast %add3A_355 : i32 to index
        %get3A_503 = arith.constant 112 : index
        %get3A_504 = tpu.vector_load %arg10[%get3A_501, %get3A_502, %get3A_503] {strides = array<i32>} : memref<2x80x128xf32, #tpu.memory_space<vmem>>, vector<1x1x16xf32>,
        %get3A_505 = vector.shape_cast %get3A_504 : vector<1x1x16xf32> to vector<16xf32>
        %mul3A_506 = arith.mulf %get3A_499, %get3A_505 : vector<16xf32>
        %swap3A_507 = arith.constant 0 : i32
        %swap3A_508 = arith.index_cast %swap3A_507 : i32 to index
        %swap3A_509 = arith.index_cast %add3A_355 : i32 to index
        %swap3A_510 = arith.constant 112 : index
        %swap3A_511 = tpu.vector_load %arg9[%swap3A_508, %swap3A_509, %swap3A_510] {strides = array<i32>} : memref<2x80x128xf32, #tpu.memory_space<vmem>>, vector<1x1x16xf32>,
        %swap3A_512 = vector.shape_cast %swap3A_511 : vector<1x1x16xf32> to vector<16xf32>
        %swap3A_513 = vector.shape_cast %mul3A_506 : vector<16xf32> to vector<1x1x16xf32>
        tpu.vector_store %arg9[%swap3A_508, %swap3A_509, %swap3A_510], %swap3A_513 {strides = array<i32>} : memref<2x80x128xf32, #tpu.memory_space<vmem>>, vector<1x1x16xf32>,
        %mul3A_514 = arith.constant 2 : i32
        %mul3A_515 = arith.muli %mul3A_514, %scan3A_350 : i32
        %add3A_516 = arith.constant 1 : i32
        %add3A_517 = arith.addi %mul3A_515, %add3A_516 : i32
        %get3A_518 = arith.constant 0 : i32
        %get3A_519 = arith.index_cast %get3A_518 : i32 to index
        %get3A_520 = arith.index_cast %add3A_517 : i32 to index
        %get3A_521 = arith.constant 0 : index
        %get3A_522 = tpu.vector_load %arg9[%get3A_519, %get3A_520, %get3A_521] {strides = array<i32>} : memref<2x80x128xf32, #tpu.memory_space<vmem>>, vector<1x1x16xf32>,
        %get3A_523 = vector.shape_cast %get3A_522 : vector<1x1x16xf32> to vector<16xf32>
        %get3A_524 = arith.constant 0 : i32
        %get3A_525 = arith.index_cast %get3A_524 : i32 to index
        %get3A_526 = arith.index_cast %add3A_517 : i32 to index
        %get3A_527 = arith.constant 0 : index
        %get3A_528 = tpu.vector_load %arg10[%get3A_525, %get3A_526, %get3A_527] {strides = array<i32>} : memref<2x80x128xf32, #tpu.memory_space<vmem>>, vector<1x1x16xf32>,
        %get3A_529 = vector.shape_cast %get3A_528 : vector<1x1x16xf32> to vector<16xf32>
        %mul3A_530 = arith.mulf %get3A_523, %get3A_529 : vector<16xf32>
        %swap3A_531 = arith.constant 0 : i32
        %swap3A_532 = arith.index_cast %swap3A_531 : i32 to index
        %swap3A_533 = arith.index_cast %add3A_517 : i32 to index
        %swap3A_534 = arith.constant 0 : index
        %swap3A_535 = tpu.vector_load %arg9[%swap3A_532, %swap3A_533, %swap3A_534] {strides = array<i32>} : memref<2x80x128xf32, #tpu.memory_space<vmem>>, vector<1x1x16xf32>,
        %swap3A_536 = vector.shape_cast %swap3A_535 : vector<1x1x16xf32> to vector<16xf32>
        %swap3A_537 = vector.shape_cast %mul3A_530 : vector<16xf32> to vector<1x1x16xf32>
        tpu.vector_store %arg9[%swap3A_532, %swap3A_533, %swap3A_534], %swap3A_537 {strides = array<i32>} : memref<2x80x128xf32, #tpu.memory_space<vmem>>, vector<1x1x16xf32>,
        %get3A_538 = arith.constant 0 : i32
        %get3A_539 = arith.index_cast %get3A_538 : i32 to index
        %get3A_540 = arith.index_cast %add3A_517 : i32 to index
        %get3A_541 = arith.constant 16 : index
        %get3A_542 = tpu.vector_load %arg9[%get3A_539, %get3A_540, %get3A_541] {strides = array<i32>} : memref<2x80x128xf32, #tpu.memory_space<vmem>>, vector<1x1x16xf32>,
        %get3A_543 = vector.shape_cast %get3A_542 : vector<1x1x16xf32> to vector<16xf32>
        %get3A_544 = arith.constant 0 : i32
        %get3A_545 = arith.index_cast %get3A_544 : i32 to index
        %get3A_546 = arith.index_cast %add3A_517 : i32 to index
        %get3A_547 = arith.constant 16 : index
        %get3A_548 = tpu.vector_load %arg10[%get3A_545, %get3A_546, %get3A_547] {strides = array<i32>} : memref<2x80x128xf32, #tpu.memory_space<vmem>>, vector<1x1x16xf32>,
        %get3A_549 = vector.shape_cast %get3A_548 : vector<1x1x16xf32> to vector<16xf32>
        %mul3A_550 = arith.mulf %get3A_543, %get3A_549 : vector<16xf32>
        %swap3A_551 = arith.constant 0 : i32
        %swap3A_552 = arith.index_cast %swap3A_551 : i32 to index
        %swap3A_553 = arith.index_cast %add3A_517 : i32 to index
        %swap3A_554 = arith.constant 16 : index
        %swap3A_555 = tpu.vector_load %arg9[%swap3A_552, %swap3A_553, %swap3A_554] {strides = array<i32>} : memref<2x80x128xf32, #tpu.memory_space<vmem>>, vector<1x1x16xf32>,
        %swap3A_556 = vector.shape_cast %swap3A_555 : vector<1x1x16xf32> to vector<16xf32>
        %swap3A_557 = vector.shape_cast %mul3A_550 : vector<16xf32> to vector<1x1x16xf32>
        tpu.vector_store %arg9[%swap3A_552, %swap3A_553, %swap3A_554], %swap3A_557 {strides = array<i32>} : memref<2x80x128xf32, #tpu.memory_space<vmem>>, vector<1x1x16xf32>,
        %get3A_558 = arith.constant 0 : i32
        %get3A_559 = arith.index_cast %get3A_558 : i32 to index
        %get3A_560 = arith.index_cast %add3A_517 : i32 to index
        %get3A_561 = arith.constant 32 : index
        %get3A_562 = tpu.vector_load %arg9[%get3A_559, %get3A_560, %get3A_561] {strides = array<i32>} : memref<2x80x128xf32, #tpu.memory_space<vmem>>, vector<1x1x16xf32>,
        %get3A_563 = vector.shape_cast %get3A_562 : vector<1x1x16xf32> to vector<16xf32>
        %get3A_564 = arith.constant 0 : i32
        %get3A_565 = arith.index_cast %get3A_564 : i32 to index
        %get3A_566 = arith.index_cast %add3A_517 : i32 to index
        %get3A_567 = arith.constant 32 : index
        %get3A_568 = tpu.vector_load %arg10[%get3A_565, %get3A_566, %get3A_567] {strides = array<i32>} : memref<2x80x128xf32, #tpu.memory_space<vmem>>, vector<1x1x16xf32>,
        %get3A_569 = vector.shape_cast %get3A_568 : vector<1x1x16xf32> to vector<16xf32>
        %mul3A_570 = arith.mulf %get3A_563, %get3A_569 : vector<16xf32>
        %swap3A_571 = arith.constant 0 : i32
        %swap3A_572 = arith.index_cast %swap3A_571 : i32 to index
        %swap3A_573 = arith.index_cast %add3A_517 : i32 to index
        %swap3A_574 = arith.constant 32 : index
        %swap3A_575 = tpu.vector_load %arg9[%swap3A_572, %swap3A_573, %swap3A_574] {strides = array<i32>} : memref<2x80x128xf32, #tpu.memory_space<vmem>>, vector<1x1x16xf32>,
        %swap3A_576 = vector.shape_cast %swap3A_575 : vector<1x1x16xf32> to vector<16xf32>
        %swap3A_577 = vector.shape_cast %mul3A_570 : vector<16xf32> to vector<1x1x16xf32>
        tpu.vector_store %arg9[%swap3A_572, %swap3A_573, %swap3A_574], %swap3A_577 {strides = array<i32>} : memref<2x80x128xf32, #tpu.memory_space<vmem>>, vector<1x1x16xf32>,
        %get3A_578 = arith.constant 0 : i32
        %get3A_579 = arith.index_cast %get3A_578 : i32 to index
        %get3A_580 = arith.index_cast %add3A_517 : i32 to index
        %get3A_581 = arith.constant 48 : index
        %get3A_582 = tpu.vector_load %arg9[%get3A_579, %get3A_580, %get3A_581] {strides = array<i32>} : memref<2x80x128xf32, #tpu.memory_space<vmem>>, vector<1x1x16xf32>,
        %get3A_583 = vector.shape_cast %get3A_582 : vector<1x1x16xf32> to vector<16xf32>
        %get3A_584 = arith.constant 0 : i32
        %get3A_585 = arith.index_cast %get3A_584 : i32 to index
        %get3A_586 = arith.index_cast %add3A_517 : i32 to index
        %get3A_587 = arith.constant 48 : index
        %get3A_588 = tpu.vector_load %arg10[%get3A_585, %get3A_586, %get3A_587] {strides = array<i32>} : memref<2x80x128xf32, #tpu.memory_space<vmem>>, vector<1x1x16xf32>,
        %get3A_589 = vector.shape_cast %get3A_588 : vector<1x1x16xf32> to vector<16xf32>
        %mul3A_590 = arith.mulf %get3A_583, %get3A_589 : vector<16xf32>
        %swap3A_591 = arith.constant 0 : i32
        %swap3A_592 = arith.index_cast %swap3A_591 : i32 to index
        %swap3A_593 = arith.index_cast %add3A_517 : i32 to index
        %swap3A_594 = arith.constant 48 : index
        %swap3A_595 = tpu.vector_load %arg9[%swap3A_592, %swap3A_593, %swap3A_594] {strides = array<i32>} : memref<2x80x128xf32, #tpu.memory_space<vmem>>, vector<1x1x16xf32>,
        %swap3A_596 = vector.shape_cast %swap3A_595 : vector<1x1x16xf32> to vector<16xf32>
        %swap3A_597 = vector.shape_cast %mul3A_590 : vector<16xf32> to vector<1x1x16xf32>
        tpu.vector_store %arg9[%swap3A_592, %swap3A_593, %swap3A_594], %swap3A_597 {strides = array<i32>} : memref<2x80x128xf32, #tpu.memory_space<vmem>>, vector<1x1x16xf32>,
        %get3A_598 = arith.constant 0 : i32
        %get3A_599 = arith.index_cast %get3A_598 : i32 to index
        %get3A_600 = arith.index_cast %add3A_517 : i32 to index
        %get3A_601 = arith.constant 64 : index
        %get3A_602 = tpu.vector_load %arg9[%get3A_599, %get3A_600, %get3A_601] {strides = array<i32>} : memref<2x80x128xf32, #tpu.memory_space<vmem>>, vector<1x1x16xf32>,
        %get3A_603 = vector.shape_cast %get3A_602 : vector<1x1x16xf32> to vector<16xf32>
        %get3A_604 = arith.constant 0 : i32
        %get3A_605 = arith.index_cast %get3A_604 : i32 to index
        %get3A_606 = arith.index_cast %add3A_517 : i32 to index
        %get3A_607 = arith.constant 64 : index
        %get3A_608 = tpu.vector_load %arg10[%get3A_605, %get3A_606, %get3A_607] {strides = array<i32>} : memref<2x80x128xf32, #tpu.memory_space<vmem>>, vector<1x1x16xf32>,
        %get3A_609 = vector.shape_cast %get3A_608 : vector<1x1x16xf32> to vector<16xf32>
        %mul3A_610 = arith.mulf %get3A_603, %get3A_609 : vector<16xf32>
        %swap3A_611 = arith.constant 0 : i32
        %swap3A_612 = arith.index_cast %swap3A_611 : i32 to index
        %swap3A_613 = arith.index_cast %add3A_517 : i32 to index
        %swap3A_614 = arith.constant 64 : index
        %swap3A_615 = tpu.vector_load %arg9[%swap3A_612, %swap3A_613, %swap3A_614] {strides = array<i32>} : memref<2x80x128xf32, #tpu.memory_space<vmem>>, vector<1x1x16xf32>,
        %swap3A_616 = vector.shape_cast %swap3A_615 : vector<1x1x16xf32> to vector<16xf32>
        %swap3A_617 = vector.shape_cast %mul3A_610 : vector<16xf32> to vector<1x1x16xf32>
        tpu.vector_store %arg9[%swap3A_612, %swap3A_613, %swap3A_614], %swap3A_617 {strides = array<i32>} : memref<2x80x128xf32, #tpu.memory_space<vmem>>, vector<1x1x16xf32>,
        %get3A_618 = arith.constant 0 : i32
        %get3A_619 = arith.index_cast %get3A_618 : i32 to index
        %get3A_620 = arith.index_cast %add3A_517 : i32 to index
        %get3A_621 = arith.constant 80 : index
        %get3A_622 = tpu.vector_load %arg9[%get3A_619, %get3A_620, %get3A_621] {strides = array<i32>} : memref<2x80x128xf32, #tpu.memory_space<vmem>>, vector<1x1x16xf32>,
        %get3A_623 = vector.shape_cast %get3A_622 : vector<1x1x16xf32> to vector<16xf32>
        %get3A_624 = arith.constant 0 : i32
        %get3A_625 = arith.index_cast %get3A_624 : i32 to index
        %get3A_626 = arith.index_cast %add3A_517 : i32 to index
        %get3A_627 = arith.constant 80 : index
        %get3A_628 = tpu.vector_load %arg10[%get3A_625, %get3A_626, %get3A_627] {strides = array<i32>} : memref<2x80x128xf32, #tpu.memory_space<vmem>>, vector<1x1x16xf32>,
        %get3A_629 = vector.shape_cast %get3A_628 : vector<1x1x16xf32> to vector<16xf32>
        %mul3A_630 = arith.mulf %get3A_623, %get3A_629 : vector<16xf32>
        %swap3A_631 = arith.constant 0 : i32
        %swap3A_632 = arith.index_cast %swap3A_631 : i32 to index
        %swap3A_633 = arith.index_cast %add3A_517 : i32 to index
        %swap3A_634 = arith.constant 80 : index
        %swap3A_635 = tpu.vector_load %arg9[%swap3A_632, %swap3A_633, %swap3A_634] {strides = array<i32>} : memref<2x80x128xf32, #tpu.memory_space<vmem>>, vector<1x1x16xf32>,
        %swap3A_636 = vector.shape_cast %swap3A_635 : vector<1x1x16xf32> to vector<16xf32>
        %swap3A_637 = vector.shape_cast %mul3A_630 : vector<16xf32> to vector<1x1x16xf32>
        tpu.vector_store %arg9[%swap3A_632, %swap3A_633, %swap3A_634], %swap3A_637 {strides = array<i32>} : memref<2x80x128xf32, #tpu.memory_space<vmem>>, vector<1x1x16xf32>,
        %get3A_638 = arith.constant 0 : i32
        %get3A_639 = arith.index_cast %get3A_638 : i32 to index
        %get3A_640 = arith.index_cast %add3A_517 : i32 to index
        %get3A_641 = arith.constant 96 : index
        %get3A_642 = tpu.vector_load %arg9[%get3A_639, %get3A_640, %get3A_641] {strides = array<i32>} : memref<2x80x128xf32, #tpu.memory_space<vmem>>, vector<1x1x16xf32>,
        %get3A_643 = vector.shape_cast %get3A_642 : vector<1x1x16xf32> to vector<16xf32>
        %get3A_644 = arith.constant 0 : i32
        %get3A_645 = arith.index_cast %get3A_644 : i32 to index
        %get3A_646 = arith.index_cast %add3A_517 : i32 to index
        %get3A_647 = arith.constant 96 : index
        %get3A_648 = tpu.vector_load %arg10[%get3A_645, %get3A_646, %get3A_647] {strides = array<i32>} : memref<2x80x128xf32, #tpu.memory_space<vmem>>, vector<1x1x16xf32>,
        %get3A_649 = vector.shape_cast %get3A_648 : vector<1x1x16xf32> to vector<16xf32>
        %mul3A_650 = arith.mulf %get3A_643, %get3A_649 : vector<16xf32>
        %swap3A_651 = arith.constant 0 : i32
        %swap3A_652 = arith.index_cast %swap3A_651 : i32 to index
        %swap3A_653 = arith.index_cast %add3A_517 : i32 to index
        %swap3A_654 = arith.constant 96 : index
        %swap3A_655 = tpu.vector_load %arg9[%swap3A_652, %swap3A_653, %swap3A_654] {strides = array<i32>} : memref<2x80x128xf32, #tpu.memory_space<vmem>>, vector<1x1x16xf32>,
        %swap3A_656 = vector.shape_cast %swap3A_655 : vector<1x1x16xf32> to vector<16xf32>
        %swap3A_657 = vector.shape_cast %mul3A_650 : vector<16xf32> to vector<1x1x16xf32>
        tpu.vector_store %arg9[%swap3A_652, %swap3A_653, %swap3A_654], %swap3A_657 {strides = array<i32>} : memref<2x80x128xf32, #tpu.memory_space<vmem>>, vector<1x1x16xf32>,
        %get3A_658 = arith.constant 0 : i32
        %get3A_659 = arith.index_cast %get3A_658 : i32 to index
        %get3A_660 = arith.index_cast %add3A_517 : i32 to index
        %get3A_661 = arith.constant 112 : index
        %get3A_662 = tpu.vector_load %arg9[%get3A_659, %get3A_660, %get3A_661] {strides = array<i32>} : memref<2x80x128xf32, #tpu.memory_space<vmem>>, vector<1x1x16xf32>,
        %get3A_663 = vector.shape_cast %get3A_662 : vector<1x1x16xf32> to vector<16xf32>
        %get3A_664 = arith.constant 0 : i32
        %get3A_665 = arith.index_cast %get3A_664 : i32 to index
        %get3A_666 = arith.index_cast %add3A_517 : i32 to index
        %get3A_667 = arith.constant 112 : index
        %get3A_668 = tpu.vector_load %arg10[%get3A_665, %get3A_666, %get3A_667] {strides = array<i32>} : memref<2x80x128xf32, #tpu.memory_space<vmem>>, vector<1x1x16xf32>,
        %get3A_669 = vector.shape_cast %get3A_668 : vector<1x1x16xf32> to vector<16xf32>
        %mul3A_670 = arith.mulf %get3A_663, %get3A_669 : vector<16xf32>
        %swap3A_671 = arith.constant 0 : i32
        %swap3A_672 = arith.index_cast %swap3A_671 : i32 to index
        %swap3A_673 = arith.index_cast %add3A_517 : i32 to index
        %swap3A_674 = arith.constant 112 : index
        %swap3A_675 = tpu.vector_load %arg9[%swap3A_672, %swap3A_673, %swap3A_674] {strides = array<i32>} : memref<2x80x128xf32, #tpu.memory_space<vmem>>, vector<1x1x16xf32>,
        %swap3A_676 = vector.shape_cast %swap3A_675 : vector<1x1x16xf32> to vector<16xf32>
        %swap3A_677 = vector.shape_cast %mul3A_670 : vector<16xf32> to vector<1x1x16xf32>
        tpu.vector_store %arg9[%swap3A_672, %swap3A_673, %swap3A_674], %swap3A_677 {strides = array<i32>} : memref<2x80x128xf32, #tpu.memory_space<vmem>>, vector<1x1x16xf32>,
        %scan3A_678 = arith.constant 0 : i32
        scf.yield %scan3A_678 : i32
      }
      %scan3A_245 = arith.constant 40 : i32
      %run_scoped3A_246 = arith.constant 0 : i32
      %run_scoped3A_247 = arith.constant 0 : i32
      "tpu.region"() ({
        %run_scoped3A_350 = tpu.sem_alloc : memref<!tpu.dma_semaphore, #tpu.memory_space<semaphore_mem>>
        %dma_start3A_351 = arith.constant 0 : i32
        %dma_start3A_352 = arith.constant 0 : i32
        %dma_start3A_353 = tpu.memref_slice %arg9[%run_scoped3A_246, %dma_start3A_351, %dma_start3A_352] : memref<2x80x128xf32, #tpu.memory_space<vmem>> -> memref<1x80x128xf32, #tpu.memory_space<vmem>>
        %dma_start3A_354 = tpu.memref_squeeze %dma_start3A_353 : memref<1x80x128xf32, #tpu.memory_space<vmem>> -> memref<80x128xf32, #tpu.memory_space<vmem>>
        %dma_start3A_355 = arith.constant 0 : i32
        %dma_start3A_356 = tpu.memref_slice %arg8[%run_scoped3A_247, %dma_start3A_355] : memref<2x80xi32, #tpu.memory_space<vmem>> -> memref<1x80xi32, #tpu.memory_space<vmem>>
        %dma_start3A_357 = tpu.memref_squeeze %dma_start3A_356 : memref<1x80xi32, #tpu.memory_space<vmem>> -> memref<80xi32, #tpu.memory_space<vmem>>
        %dma_start3A_358 = arith.constant 0 : i32
        %dma_start3A_359 = arith.constant 0 : i32
        %dma_start3A_360 = tpu.memref_slice %arg11[%dma_start3A_358, %dma_start3A_359] : memref<10000x128xf32, #tpu.memory_space<vmem_shared>> -> memref<10000x128xf32, #tpu.memory_space<vmem_shared>>
        tpu.enqueue_indirect_dma source(%dma_start3A_354 : memref<80x128xf32, #tpu.memory_space<vmem>>) target(%dma_start3A_360 : memref<10000x128xf32, #tpu.memory_space<vmem_shared>>) offsets(%dma_start3A_357 : memref<80xi32, #tpu.memory_space<vmem>>) semaphore(%run_scoped3A_350 : memref<!tpu.dma_semaphore, #tpu.memory_space<semaphore_mem>>) {add = true}
        %dma_wait3A_361 = arith.constant 0 : i32
        %dma_wait3A_362 = arith.constant 0 : i32
        %dma_wait3A_363 = tpu.memref_slice %arg9[%run_scoped3A_246, %dma_wait3A_361, %dma_wait3A_362] : memref<2x80x128xf32, #tpu.memory_space<vmem>> -> memref<1x80x128xf32, #tpu.memory_space<vmem>>
        %dma_wait3A_364 = tpu.memref_squeeze %dma_wait3A_363 : memref<1x80x128xf32, #tpu.memory_space<vmem>> -> memref<80x128xf32, #tpu.memory_space<vmem>>
        %dma_wait3A_365 = arith.constant 0 : i32
        %dma_wait3A_366 = tpu.memref_slice %arg8[%run_scoped3A_247, %dma_wait3A_365] : memref<2x80xi32, #tpu.memory_space<vmem>> -> memref<1x80xi32, #tpu.memory_space<vmem>>
        %dma_wait3A_367 = tpu.memref_squeeze %dma_wait3A_366 : memref<1x80xi32, #tpu.memory_space<vmem>> -> memref<80xi32, #tpu.memory_space<vmem>>
        %dma_wait3A_368 = arith.constant 0 : i32
        %dma_wait3A_369 = arith.constant 0 : i32
        %dma_wait3A_370 = tpu.memref_slice %arg11[%dma_wait3A_368, %dma_wait3A_369] : memref<10000x128xf32, #tpu.memory_space<vmem_shared>> -> memref<10000x128xf32, #tpu.memory_space<vmem_shared>>
        tpu.wait_indirect_dma semaphore(%run_scoped3A_350 : memref<!tpu.dma_semaphore, #tpu.memory_space<semaphore_mem>>) src(%dma_wait3A_364 : memref<80x128xf32, #tpu.memory_space<vmem>>) dst(%dma_wait3A_370 : memref<10000x128xf32, #tpu.memory_space<vmem_shared>>)
        tpu.yield
      }) : () -> ()
      %add3A_248 = arith.constant 2 : i32
      %add3A_249 = arith.addi %mul3A_169, %add3A_248 : i32
      %mul3A_250 = arith.constant 80 : i32
      %mul3A_251 = arith.muli %add3A_249, %mul3A_250 : i32
      %add3A_252 = arith.addi %mul3A_15, %mul3A_251 : i32
      %dma_start3A_253 = arith.constant 0 : i32
      %dma_start3A_254 = arith.constant 0 : i32
      %dma_start3A_255 = tpu.memref_slice %arg8[%dma_start3A_253, %dma_start3A_254] : memref<2x80xi32, #tpu.memory_space<vmem>> -> memref<1x80xi32, #tpu.memory_space<vmem>>
      %dma_start3A_256 = tpu.memref_squeeze %dma_start3A_255 : memref<1x80xi32, #tpu.memory_space<vmem>> -> memref<80xi32, #tpu.memory_space<vmem>>
      %dma_start3A_257 = tpu.memref_slice %arg4[%add3A_252] : memref<320000xi32, #tpu.memory_space<hbm>> -> memref<80xi32, #tpu.memory_space<hbm>>
      %dma_start3A_258 = arith.constant 0 : i32
      %dma_start3A_259 = tpu.memref_slice %arg8[%dma_start3A_253, %dma_start3A_258] : memref<2x80xi32, #tpu.memory_space<vmem>> -> memref<1x80xi32, #tpu.memory_space<vmem>>
      %dma_start3A_260 = tpu.memref_squeeze %dma_start3A_259 : memref<1x80xi32, #tpu.memory_space<vmem>> -> memref<80xi32, #tpu.memory_space<vmem>>
      %dma_start3A_261 = tpu.memref_slice %arg4[%add3A_252] : memref<320000xi32, #tpu.memory_space<hbm>> -> memref<80xi32, #tpu.memory_space<hbm>>
      tpu.enqueue_dma source(%dma_start3A_261 : memref<80xi32, #tpu.memory_space<hbm>>) target(%dma_start3A_260 : memref<80xi32, #tpu.memory_space<vmem>>) target_semaphore(%arg14 : memref<!tpu.dma_semaphore, #tpu.memory_space<semaphore_mem>>)
      %mul3A_262 = arith.constant 80 : i32
      %mul3A_263 = arith.muli %add3A_249, %mul3A_262 : i32
      %add3A_264 = arith.addi %mul3A_15, %mul3A_263 : i32
      %dma_start3A_265 = arith.constant 0 : i32
      %dma_start3A_266 = arith.constant 0 : i32
      %dma_start3A_267 = arith.constant 0 : i32
      %dma_start3A_268 = tpu.memref_slice %arg10[%dma_start3A_265, %dma_start3A_266, %dma_start3A_267] : memref<2x80x128xf32, #tpu.memory_space<vmem>> -> memref<1x80x128xf32, #tpu.memory_space<vmem>>
      %dma_start3A_269 = tpu.memref_squeeze %dma_start3A_268 : memref<1x80x128xf32, #tpu.memory_space<vmem>> -> memref<80x128xf32, #tpu.memory_space<vmem>>
      %dma_start3A_270 = arith.constant 0 : i32
      %dma_start3A_271 = tpu.memref_slice %arg3[%add3A_264, %dma_start3A_270] : memref<320000x128xf32, #tpu.memory_space<hbm>> -> memref<80x128xf32, #tpu.memory_space<hbm>>
      %dma_start3A_272 = arith.constant 0 : i32
      %dma_start3A_273 = arith.constant 0 : i32
      %dma_start3A_274 = tpu.memref_slice %arg10[%dma_start3A_265, %dma_start3A_272, %dma_start3A_273] : memref<2x80x128xf32, #tpu.memory_space<vmem>> -> memref<1x80x128xf32, #tpu.memory_space<vmem>>
      %dma_start3A_275 = tpu.memref_squeeze %dma_start3A_274 : memref<1x80x128xf32, #tpu.memory_space<vmem>> -> memref<80x128xf32, #tpu.memory_space<vmem>>
      %dma_start3A_276 = arith.constant 0 : i32
      %dma_start3A_277 = tpu.memref_slice %arg3[%add3A_264, %dma_start3A_276] : memref<320000x128xf32, #tpu.memory_space<hbm>> -> memref<80x128xf32, #tpu.memory_space<hbm>>
      tpu.enqueue_dma source(%dma_start3A_277 : memref<80x128xf32, #tpu.memory_space<hbm>>) target(%dma_start3A_275 : memref<80x128xf32, #tpu.memory_space<vmem>>) target_semaphore(%arg16 : memref<!tpu.dma_semaphore, #tpu.memory_space<semaphore_mem>>)
      %dma_wait3A_278 = arith.constant 1 : i32
      %dma_wait3A_279 = arith.constant 1 : i32
      %dma_wait3A_280 = arith.constant 0 : i32
      %dma_wait3A_281 = arith.constant 0 : i32
      %dma_wait3A_282 = tpu.memref_slice %arg9[%dma_wait3A_279, %dma_wait3A_280, %dma_wait3A_281] : memref<2x80x128xf32, #tpu.memory_space<vmem>> -> memref<1x80x128xf32, #tpu.memory_space<vmem>>
      %dma_wait3A_283 = tpu.memref_squeeze %dma_wait3A_282 : memref<1x80x128xf32, #tpu.memory_space<vmem>> -> memref<80x128xf32, #tpu.memory_space<vmem>>
      %dma_wait3A_284 = arith.constant 0 : i32
      %dma_wait3A_285 = tpu.memref_slice %arg7[%dma_wait3A_278, %dma_wait3A_284] : memref<2x80xi32, #tpu.memory_space<vmem>> -> memref<1x80xi32, #tpu.memory_space<vmem>>
      %dma_wait3A_286 = tpu.memref_squeeze %dma_wait3A_285 : memref<1x80xi32, #tpu.memory_space<vmem>> -> memref<80xi32, #tpu.memory_space<vmem>>
      %dma_wait3A_287 = arith.constant 0 : i32
      %dma_wait3A_288 = arith.constant 0 : i32
      %dma_wait3A_289 = tpu.memref_slice %arg2[%dma_wait3A_287, %dma_wait3A_288] : memref<10000x128xf32, #tpu.memory_space<hbm>> -> memref<10000x128xf32, #tpu.memory_space<hbm>>
      tpu.wait_indirect_dma semaphore(%arg19 : memref<!tpu.dma_semaphore, #tpu.memory_space<semaphore_mem>>) src(%dma_wait3A_289 : memref<10000x128xf32, #tpu.memory_space<hbm>>) dst(%dma_wait3A_283 : memref<80x128xf32, #tpu.memory_space<vmem>>)
      %dma_wait3A_290 = arith.constant 0 : i32
      %dma_wait3A_291 = arith.constant 0 : i32
      %dma_wait3A_292 = tpu.memref_slice %arg7[%dma_wait3A_290, %dma_wait3A_291] : memref<2x80xi32, #tpu.memory_space<vmem>> -> memref<1x80xi32, #tpu.memory_space<vmem>>
      %dma_wait3A_293 = tpu.memref_squeeze %dma_wait3A_292 : memref<1x80xi32, #tpu.memory_space<vmem>> -> memref<80xi32, #tpu.memory_space<vmem>>
      %dma_wait3A_294 = tpu.memref_slice %arg5[%mul3A_15] : memref<320000xi32, #tpu.memory_space<hbm>> -> memref<80xi32, #tpu.memory_space<hbm>>
      %dma_wait3A_295 = arith.constant 0 : i32
      %dma_wait3A_296 = tpu.memref_slice %arg7[%dma_wait3A_290, %dma_wait3A_295] : memref<2x80xi32, #tpu.memory_space<vmem>> -> memref<1x80xi32, #tpu.memory_space<vmem>>
      %dma_wait3A_297 = tpu.memref_squeeze %dma_wait3A_296 : memref<1x80xi32, #tpu.memory_space<vmem>> -> memref<80xi32, #tpu.memory_space<vmem>>
      %dma_wait3A_298 = tpu.memref_slice %arg5[%mul3A_15] : memref<320000xi32, #tpu.memory_space<hbm>> -> memref<80xi32, #tpu.memory_space<hbm>>
      tpu.wait_dma2 semaphore(%arg12 : memref<!tpu.dma_semaphore, #tpu.memory_space<semaphore_mem>>) src(%dma_wait3A_298 : memref<80xi32, #tpu.memory_space<hbm>>) dst(%dma_wait3A_297 : memref<80xi32, #tpu.memory_space<vmem>>)
      %dma_start3A_299 = arith.constant 0 : i32
      %dma_start3A_300 = arith.constant 0 : i32
      %dma_start3A_301 = arith.constant 0 : i32
      %dma_start3A_302 = arith.constant 0 : i32
      %dma_start3A_303 = tpu.memref_slice %arg9[%dma_start3A_300, %dma_start3A_301, %dma_start3A_302] : memref<2x80x128xf32, #tpu.memory_space<vmem>> -> memref<1x80x128xf32, #tpu.memory_space<vmem>>
      %dma_start3A_304 = tpu.memref_squeeze %dma_start3A_303 : memref<1x80x128xf32, #tpu.memory_space<vmem>> -> memref<80x128xf32, #tpu.memory_space<vmem>>
      %dma_start3A_305 = arith.constant 0 : i32
      %dma_start3A_306 = tpu.memref_slice %arg7[%dma_start3A_299, %dma_start3A_305] : memref<2x80xi32, #tpu.memory_space<vmem>> -> memref<1x80xi32, #tpu.memory_space<vmem>>
      %dma_start3A_307 = tpu.memref_squeeze %dma_start3A_306 : memref<1x80xi32, #tpu.memory_space<vmem>> -> memref<80xi32, #tpu.memory_space<vmem>>
      %dma_start3A_308 = arith.constant 0 : i32
      %dma_start3A_309 = arith.constant 0 : i32
      %dma_start3A_310 = tpu.memref_slice %arg2[%dma_start3A_308, %dma_start3A_309] : memref<10000x128xf32, #tpu.memory_space<hbm>> -> memref<10000x128xf32, #tpu.memory_space<hbm>>
      tpu.enqueue_indirect_dma source(%dma_start3A_310 : memref<10000x128xf32, #tpu.memory_space<hbm>>) target(%dma_start3A_304 : memref<80x128xf32, #tpu.memory_space<vmem>>) offsets(%dma_start3A_307 : memref<80xi32, #tpu.memory_space<vmem>>) semaphore(%arg18 : memref<!tpu.dma_semaphore, #tpu.memory_space<semaphore_mem>>)
      %lt3A = arith.constant 61 : i32
      %lt3A_311 = arith.cmpi slt, %scan3A_166, %lt3A : i32
      %convert_element_type3A = arith.extui %lt3A_311 : i1 to i32
      %cond3A = arith.constant 0 : i32
      %cond3A_312 = arith.cmpi ne, %convert_element_type3A, %cond3A : i32
      scf.if %cond3A_312 {
        %add3A_350 = arith.constant 3 : i32
        %add3A_351 = arith.addi %mul3A_169, %add3A_350 : i32
        %mul3A_352 = arith.constant 80 : i32
        %mul3A_353 = arith.muli %add3A_351, %mul3A_352 : i32
        %add3A_354 = arith.addi %mul3A_15, %mul3A_353 : i32
        %dma_start3A_355 = arith.constant 1 : i32
        %dma_start3A_356 = arith.constant 0 : i32
        %dma_start3A_357 = tpu.memref_slice %arg7[%dma_start3A_355, %dma_start3A_356] : memref<2x80xi32, #tpu.memory_space<vmem>> -> memref<1x80xi32, #tpu.memory_space<vmem>>
        %dma_start3A_358 = tpu.memref_squeeze %dma_start3A_357 : memref<1x80xi32, #tpu.memory_space<vmem>> -> memref<80xi32, #tpu.memory_space<vmem>>
        %dma_start3A_359 = tpu.memref_slice %arg5[%add3A_354] : memref<320000xi32, #tpu.memory_space<hbm>> -> memref<80xi32, #tpu.memory_space<hbm>>
        %dma_start3A_360 = arith.constant 0 : i32
        %dma_start3A_361 = tpu.memref_slice %arg7[%dma_start3A_355, %dma_start3A_360] : memref<2x80xi32, #tpu.memory_space<vmem>> -> memref<1x80xi32, #tpu.memory_space<vmem>>
        %dma_start3A_362 = tpu.memref_squeeze %dma_start3A_361 : memref<1x80xi32, #tpu.memory_space<vmem>> -> memref<80xi32, #tpu.memory_space<vmem>>
        %dma_start3A_363 = tpu.memref_slice %arg5[%add3A_354] : memref<320000xi32, #tpu.memory_space<hbm>> -> memref<80xi32, #tpu.memory_space<hbm>>
        tpu.enqueue_dma source(%dma_start3A_363 : memref<80xi32, #tpu.memory_space<hbm>>) target(%dma_start3A_362 : memref<80xi32, #tpu.memory_space<vmem>>) target_semaphore(%arg13 : memref<!tpu.dma_semaphore, #tpu.memory_space<semaphore_mem>>)
      } else {
      }
      %dma_wait3A_313 = arith.constant 1 : i32
      %dma_wait3A_314 = arith.constant 0 : i32
      %dma_wait3A_315 = arith.constant 0 : i32
      %dma_wait3A_316 = tpu.memref_slice %arg10[%dma_wait3A_313, %dma_wait3A_314, %dma_wait3A_315] : memref<2x80x128xf32, #tpu.memory_space<vmem>> -> memref<1x80x128xf32, #tpu.memory_space<vmem>>
      %dma_wait3A_317 = tpu.memref_squeeze %dma_wait3A_316 : memref<1x80x128xf32, #tpu.memory_space<vmem>> -> memref<80x128xf32, #tpu.memory_space<vmem>>
      %dma_wait3A_318 = arith.constant 0 : i32
      %dma_wait3A_319 = tpu.memref_slice %arg3[%mul3A_15, %dma_wait3A_318] : memref<320000x128xf32, #tpu.memory_space<hbm>> -> memref<80x128xf32, #tpu.memory_space<hbm>>
      %dma_wait3A_320 = arith.constant 0 : i32
      %dma_wait3A_321 = arith.constant 0 : i32
      %dma_wait3A_322 = tpu.memref_slice %arg10[%dma_wait3A_313, %dma_wait3A_320, %dma_wait3A_321] : memref<2x80x128xf32, #tpu.memory_space<vmem>> -> memref<1x80x128xf32, #tpu.memory_space<vmem>>
      %dma_wait3A_323 = tpu.memref_squeeze %dma_wait3A_322 : memref<1x80x128xf32, #tpu.memory_space<vmem>> -> memref<80x128xf32, #tpu.memory_space<vmem>>
      %dma_wait3A_324 = arith.constant 0 : i32
      %dma_wait3A_325 = tpu.memref_slice %arg3[%mul3A_15, %dma_wait3A_324] : memref<320000x128xf32, #tpu.memory_space<hbm>> -> memref<80x128xf32, #tpu.memory_space<hbm>>
      tpu.wait_dma2 semaphore(%arg17 : memref<!tpu.dma_semaphore, #tpu.memory_space<semaphore_mem>>) src(%dma_wait3A_325 : memref<80x128xf32, #tpu.memory_space<hbm>>) dst(%dma_wait3A_323 : memref<80x128xf32, #tpu.memory_space<vmem>>)
      %dma_wait3A_326 = arith.constant 1 : i32
      %dma_wait3A_327 = arith.constant 0 : i32
      %dma_wait3A_328 = tpu.memref_slice %arg8[%dma_wait3A_326, %dma_wait3A_327] : memref<2x80xi32, #tpu.memory_space<vmem>> -> memref<1x80xi32, #tpu.memory_space<vmem>>
      %dma_wait3A_329 = tpu.memref_squeeze %dma_wait3A_328 : memref<1x80xi32, #tpu.memory_space<vmem>> -> memref<80xi32, #tpu.memory_space<vmem>>
      %dma_wait3A_330 = tpu.memref_slice %arg4[%mul3A_15] : memref<320000xi32, #tpu.memory_space<hbm>> -> memref<80xi32, #tpu.memory_space<hbm>>
      %dma_wait3A_331 = arith.constant 0 : i32
      %dma_wait3A_332 = tpu.memref_slice %arg8[%dma_wait3A_326, %dma_wait3A_331] : memref<2x80xi32, #tpu.memory_space<vmem>> -> memref<1x80xi32, #tpu.memory_space<vmem>>
      %dma_wait3A_333 = tpu.memref_squeeze %dma_wait3A_332 : memref<1x80xi32, #tpu.memory_space<vmem>> -> memref<80xi32, #tpu.memory_space<vmem>>
      %dma_wait3A_334 = tpu.memref_slice %arg4[%mul3A_15] : memref<320000xi32, #tpu.memory_space<hbm>> -> memref<80xi32, #tpu.memory_space<hbm>>
      tpu.wait_dma2 semaphore(%arg15 : memref<!tpu.dma_semaphore, #tpu.memory_space<semaphore_mem>>) src(%dma_wait3A_334 : memref<80xi32, #tpu.memory_space<hbm>>) dst(%dma_wait3A_333 : memref<80xi32, #tpu.memory_space<vmem>>)
      %scan3A_335 = arith.constant 0 : i32
      %scan3A_336 = arith.constant 0 : i32
      %scan3A_337 = arith.constant 40 : i32
      %scan3A_338 = arith.addi %scan3A_336, %scan3A_337 : i32
      %scan3A_339 = arith.constant 1 : i32
      %scan3A_340 = scf.for %scan3A_350 = %scan3A_336 to %scan3A_338 step %scan3A_339 iter_args(%scan3A_351 = %scan3A_335) -> (i32)  : i32 {
        %mul3A_352 = arith.constant 2 : i32
        %mul3A_353 = arith.muli %mul3A_352, %scan3A_350 : i32
        %add3A_354 = arith.constant 0 : i32
        %add3A_355 = arith.addi %mul3A_353, %add3A_354 : i32
        %get3A = arith.constant 1 : i32
        %get3A_356 = arith.index_cast %get3A : i32 to index
        %get3A_357 = arith.index_cast %add3A_355 : i32 to index
        %get3A_358 = arith.constant 0 : index
        %get3A_359 = tpu.vector_load %arg9[%get3A_356, %get3A_357, %get3A_358] {strides = array<i32>} : memref<2x80x128xf32, #tpu.memory_space<vmem>>, vector<1x1x16xf32>,
        %get3A_360 = vector.shape_cast %get3A_359 : vector<1x1x16xf32> to vector<16xf32>
        %get3A_361 = arith.constant 1 : i32
        %get3A_362 = arith.index_cast %get3A_361 : i32 to index
        %get3A_363 = arith.index_cast %add3A_355 : i32 to index
        %get3A_364 = arith.constant 0 : index
        %get3A_365 = tpu.vector_load %arg10[%get3A_362, %get3A_363, %get3A_364] {strides = array<i32>} : memref<2x80x128xf32, #tpu.memory_space<vmem>>, vector<1x1x16xf32>,
        %get3A_366 = vector.shape_cast %get3A_365 : vector<1x1x16xf32> to vector<16xf32>
        %mul3A_367 = arith.mulf %get3A_360, %get3A_366 : vector<16xf32>
        %swap3A = arith.constant 1 : i32
        %swap3A_368 = arith.index_cast %swap3A : i32 to index
        %swap3A_369 = arith.index_cast %add3A_355 : i32 to index
        %swap3A_370 = arith.constant 0 : index
        %swap3A_371 = tpu.vector_load %arg9[%swap3A_368, %swap3A_369, %swap3A_370] {strides = array<i32>} : memref<2x80x128xf32, #tpu.memory_space<vmem>>, vector<1x1x16xf32>,
        %swap3A_372 = vector.shape_cast %swap3A_371 : vector<1x1x16xf32> to vector<16xf32>
        %swap3A_373 = vector.shape_cast %mul3A_367 : vector<16xf32> to vector<1x1x16xf32>
        tpu.vector_store %arg9[%swap3A_368, %swap3A_369, %swap3A_370], %swap3A_373 {strides = array<i32>} : memref<2x80x128xf32, #tpu.memory_space<vmem>>, vector<1x1x16xf32>,
        %get3A_374 = arith.constant 1 : i32
        %get3A_375 = arith.index_cast %get3A_374 : i32 to index
        %get3A_376 = arith.index_cast %add3A_355 : i32 to index
        %get3A_377 = arith.constant 16 : index
        %get3A_378 = tpu.vector_load %arg9[%get3A_375, %get3A_376, %get3A_377] {strides = array<i32>} : memref<2x80x128xf32, #tpu.memory_space<vmem>>, vector<1x1x16xf32>,
        %get3A_379 = vector.shape_cast %get3A_378 : vector<1x1x16xf32> to vector<16xf32>
        %get3A_380 = arith.constant 1 : i32
        %get3A_381 = arith.index_cast %get3A_380 : i32 to index
        %get3A_382 = arith.index_cast %add3A_355 : i32 to index
        %get3A_383 = arith.constant 16 : index
        %get3A_384 = tpu.vector_load %arg10[%get3A_381, %get3A_382, %get3A_383] {strides = array<i32>} : memref<2x80x128xf32, #tpu.memory_space<vmem>>, vector<1x1x16xf32>,
        %get3A_385 = vector.shape_cast %get3A_384 : vector<1x1x16xf32> to vector<16xf32>
        %mul3A_386 = arith.mulf %get3A_379, %get3A_385 : vector<16xf32>
        %swap3A_387 = arith.constant 1 : i32
        %swap3A_388 = arith.index_cast %swap3A_387 : i32 to index
        %swap3A_389 = arith.index_cast %add3A_355 : i32 to index
        %swap3A_390 = arith.constant 16 : index
        %swap3A_391 = tpu.vector_load %arg9[%swap3A_388, %swap3A_389, %swap3A_390] {strides = array<i32>} : memref<2x80x128xf32, #tpu.memory_space<vmem>>, vector<1x1x16xf32>,
        %swap3A_392 = vector.shape_cast %swap3A_391 : vector<1x1x16xf32> to vector<16xf32>
        %swap3A_393 = vector.shape_cast %mul3A_386 : vector<16xf32> to vector<1x1x16xf32>
        tpu.vector_store %arg9[%swap3A_388, %swap3A_389, %swap3A_390], %swap3A_393 {strides = array<i32>} : memref<2x80x128xf32, #tpu.memory_space<vmem>>, vector<1x1x16xf32>,
        %get3A_394 = arith.constant 1 : i32
        %get3A_395 = arith.index_cast %get3A_394 : i32 to index
        %get3A_396 = arith.index_cast %add3A_355 : i32 to index
        %get3A_397 = arith.constant 32 : index
        %get3A_398 = tpu.vector_load %arg9[%get3A_395, %get3A_396, %get3A_397] {strides = array<i32>} : memref<2x80x128xf32, #tpu.memory_space<vmem>>, vector<1x1x16xf32>,
        %get3A_399 = vector.shape_cast %get3A_398 : vector<1x1x16xf32> to vector<16xf32>
        %get3A_400 = arith.constant 1 : i32
        %get3A_401 = arith.index_cast %get3A_400 : i32 to index
        %get3A_402 = arith.index_cast %add3A_355 : i32 to index
        %get3A_403 = arith.constant 32 : index
        %get3A_404 = tpu.vector_load %arg10[%get3A_401, %get3A_402, %get3A_403] {strides = array<i32>} : memref<2x80x128xf32, #tpu.memory_space<vmem>>, vector<1x1x16xf32>,
        %get3A_405 = vector.shape_cast %get3A_404 : vector<1x1x16xf32> to vector<16xf32>
        %mul3A_406 = arith.mulf %get3A_399, %get3A_405 : vector<16xf32>
        %swap3A_407 = arith.constant 1 : i32
        %swap3A_408 = arith.index_cast %swap3A_407 : i32 to index
        %swap3A_409 = arith.index_cast %add3A_355 : i32 to index
        %swap3A_410 = arith.constant 32 : index
        %swap3A_411 = tpu.vector_load %arg9[%swap3A_408, %swap3A_409, %swap3A_410] {strides = array<i32>} : memref<2x80x128xf32, #tpu.memory_space<vmem>>, vector<1x1x16xf32>,
        %swap3A_412 = vector.shape_cast %swap3A_411 : vector<1x1x16xf32> to vector<16xf32>
        %swap3A_413 = vector.shape_cast %mul3A_406 : vector<16xf32> to vector<1x1x16xf32>
        tpu.vector_store %arg9[%swap3A_408, %swap3A_409, %swap3A_410], %swap3A_413 {strides = array<i32>} : memref<2x80x128xf32, #tpu.memory_space<vmem>>, vector<1x1x16xf32>,
        %get3A_414 = arith.constant 1 : i32
        %get3A_415 = arith.index_cast %get3A_414 : i32 to index
        %get3A_416 = arith.index_cast %add3A_355 : i32 to index
        %get3A_417 = arith.constant 48 : index
        %get3A_418 = tpu.vector_load %arg9[%get3A_415, %get3A_416, %get3A_417] {strides = array<i32>} : memref<2x80x128xf32, #tpu.memory_space<vmem>>, vector<1x1x16xf32>,
        %get3A_419 = vector.shape_cast %get3A_418 : vector<1x1x16xf32> to vector<16xf32>
        %get3A_420 = arith.constant 1 : i32
        %get3A_421 = arith.index_cast %get3A_420 : i32 to index
        %get3A_422 = arith.index_cast %add3A_355 : i32 to index
        %get3A_423 = arith.constant 48 : index
        %get3A_424 = tpu.vector_load %arg10[%get3A_421, %get3A_422, %get3A_423] {strides = array<i32>} : memref<2x80x128xf32, #tpu.memory_space<vmem>>, vector<1x1x16xf32>,
        %get3A_425 = vector.shape_cast %get3A_424 : vector<1x1x16xf32> to vector<16xf32>
        %mul3A_426 = arith.mulf %get3A_419, %get3A_425 : vector<16xf32>
        %swap3A_427 = arith.constant 1 : i32
        %swap3A_428 = arith.index_cast %swap3A_427 : i32 to index
        %swap3A_429 = arith.index_cast %add3A_355 : i32 to index
        %swap3A_430 = arith.constant 48 : index
        %swap3A_431 = tpu.vector_load %arg9[%swap3A_428, %swap3A_429, %swap3A_430] {strides = array<i32>} : memref<2x80x128xf32, #tpu.memory_space<vmem>>, vector<1x1x16xf32>,
        %swap3A_432 = vector.shape_cast %swap3A_431 : vector<1x1x16xf32> to vector<16xf32>
        %swap3A_433 = vector.shape_cast %mul3A_426 : vector<16xf32> to vector<1x1x16xf32>
        tpu.vector_store %arg9[%swap3A_428, %swap3A_429, %swap3A_430], %swap3A_433 {strides = array<i32>} : memref<2x80x128xf32, #tpu.memory_space<vmem>>, vector<1x1x16xf32>,
        %get3A_434 = arith.constant 1 : i32
        %get3A_435 = arith.index_cast %get3A_434 : i32 to index
        %get3A_436 = arith.index_cast %add3A_355 : i32 to index
        %get3A_437 = arith.constant 64 : index
        %get3A_438 = tpu.vector_load %arg9[%get3A_435, %get3A_436, %get3A_437] {strides = array<i32>} : memref<2x80x128xf32, #tpu.memory_space<vmem>>, vector<1x1x16xf32>,
        %get3A_439 = vector.shape_cast %get3A_438 : vector<1x1x16xf32> to vector<16xf32>
        %get3A_440 = arith.constant 1 : i32
        %get3A_441 = arith.index_cast %get3A_440 : i32 to index
        %get3A_442 = arith.index_cast %add3A_355 : i32 to index
        %get3A_443 = arith.constant 64 : index
        %get3A_444 = tpu.vector_load %arg10[%get3A_441, %get3A_442, %get3A_443] {strides = array<i32>} : memref<2x80x128xf32, #tpu.memory_space<vmem>>, vector<1x1x16xf32>,
        %get3A_445 = vector.shape_cast %get3A_444 : vector<1x1x16xf32> to vector<16xf32>
        %mul3A_446 = arith.mulf %get3A_439, %get3A_445 : vector<16xf32>
        %swap3A_447 = arith.constant 1 : i32
        %swap3A_448 = arith.index_cast %swap3A_447 : i32 to index
        %swap3A_449 = arith.index_cast %add3A_355 : i32 to index
        %swap3A_450 = arith.constant 64 : index
        %swap3A_451 = tpu.vector_load %arg9[%swap3A_448, %swap3A_449, %swap3A_450] {strides = array<i32>} : memref<2x80x128xf32, #tpu.memory_space<vmem>>, vector<1x1x16xf32>,
        %swap3A_452 = vector.shape_cast %swap3A_451 : vector<1x1x16xf32> to vector<16xf32>
        %swap3A_453 = vector.shape_cast %mul3A_446 : vector<16xf32> to vector<1x1x16xf32>
        tpu.vector_store %arg9[%swap3A_448, %swap3A_449, %swap3A_450], %swap3A_453 {strides = array<i32>} : memref<2x80x128xf32, #tpu.memory_space<vmem>>, vector<1x1x16xf32>,
        %get3A_454 = arith.constant 1 : i32
        %get3A_455 = arith.index_cast %get3A_454 : i32 to index
        %get3A_456 = arith.index_cast %add3A_355 : i32 to index
        %get3A_457 = arith.constant 80 : index
        %get3A_458 = tpu.vector_load %arg9[%get3A_455, %get3A_456, %get3A_457] {strides = array<i32>} : memref<2x80x128xf32, #tpu.memory_space<vmem>>, vector<1x1x16xf32>,
        %get3A_459 = vector.shape_cast %get3A_458 : vector<1x1x16xf32> to vector<16xf32>
        %get3A_460 = arith.constant 1 : i32
        %get3A_461 = arith.index_cast %get3A_460 : i32 to index
        %get3A_462 = arith.index_cast %add3A_355 : i32 to index
        %get3A_463 = arith.constant 80 : index
        %get3A_464 = tpu.vector_load %arg10[%get3A_461, %get3A_462, %get3A_463] {strides = array<i32>} : memref<2x80x128xf32, #tpu.memory_space<vmem>>, vector<1x1x16xf32>,
        %get3A_465 = vector.shape_cast %get3A_464 : vector<1x1x16xf32> to vector<16xf32>
        %mul3A_466 = arith.mulf %get3A_459, %get3A_465 : vector<16xf32>
        %swap3A_467 = arith.constant 1 : i32
        %swap3A_468 = arith.index_cast %swap3A_467 : i32 to index
        %swap3A_469 = arith.index_cast %add3A_355 : i32 to index
        %swap3A_470 = arith.constant 80 : index
        %swap3A_471 = tpu.vector_load %arg9[%swap3A_468, %swap3A_469, %swap3A_470] {strides = array<i32>} : memref<2x80x128xf32, #tpu.memory_space<vmem>>, vector<1x1x16xf32>,
        %swap3A_472 = vector.shape_cast %swap3A_471 : vector<1x1x16xf32> to vector<16xf32>
        %swap3A_473 = vector.shape_cast %mul3A_466 : vector<16xf32> to vector<1x1x16xf32>
        tpu.vector_store %arg9[%swap3A_468, %swap3A_469, %swap3A_470], %swap3A_473 {strides = array<i32>} : memref<2x80x128xf32, #tpu.memory_space<vmem>>, vector<1x1x16xf32>,
        %get3A_474 = arith.constant 1 : i32
        %get3A_475 = arith.index_cast %get3A_474 : i32 to index
        %get3A_476 = arith.index_cast %add3A_355 : i32 to index
        %get3A_477 = arith.constant 96 : index
        %get3A_478 = tpu.vector_load %arg9[%get3A_475, %get3A_476, %get3A_477] {strides = array<i32>} : memref<2x80x128xf32, #tpu.memory_space<vmem>>, vector<1x1x16xf32>,
        %get3A_479 = vector.shape_cast %get3A_478 : vector<1x1x16xf32> to vector<16xf32>
        %get3A_480 = arith.constant 1 : i32
        %get3A_481 = arith.index_cast %get3A_480 : i32 to index
        %get3A_482 = arith.index_cast %add3A_355 : i32 to index
        %get3A_483 = arith.constant 96 : index
        %get3A_484 = tpu.vector_load %arg10[%get3A_481, %get3A_482, %get3A_483] {strides = array<i32>} : memref<2x80x128xf32, #tpu.memory_space<vmem>>, vector<1x1x16xf32>,
        %get3A_485 = vector.shape_cast %get3A_484 : vector<1x1x16xf32> to vector<16xf32>
        %mul3A_486 = arith.mulf %get3A_479, %get3A_485 : vector<16xf32>
        %swap3A_487 = arith.constant 1 : i32
        %swap3A_488 = arith.index_cast %swap3A_487 : i32 to index
        %swap3A_489 = arith.index_cast %add3A_355 : i32 to index
        %swap3A_490 = arith.constant 96 : index
        %swap3A_491 = tpu.vector_load %arg9[%swap3A_488, %swap3A_489, %swap3A_490] {strides = array<i32>} : memref<2x80x128xf32, #tpu.memory_space<vmem>>, vector<1x1x16xf32>,
        %swap3A_492 = vector.shape_cast %swap3A_491 : vector<1x1x16xf32> to vector<16xf32>
        %swap3A_493 = vector.shape_cast %mul3A_486 : vector<16xf32> to vector<1x1x16xf32>
        tpu.vector_store %arg9[%swap3A_488, %swap3A_489, %swap3A_490], %swap3A_493 {strides = array<i32>} : memref<2x80x128xf32, #tpu.memory_space<vmem>>, vector<1x1x16xf32>,
        %get3A_494 = arith.constant 1 : i32
        %get3A_495 = arith.index_cast %get3A_494 : i32 to index
        %get3A_496 = arith.index_cast %add3A_355 : i32 to index
        %get3A_497 = arith.constant 112 : index
        %get3A_498 = tpu.vector_load %arg9[%get3A_495, %get3A_496, %get3A_497] {strides = array<i32>} : memref<2x80x128xf32, #tpu.memory_space<vmem>>, vector<1x1x16xf32>,
        %get3A_499 = vector.shape_cast %get3A_498 : vector<1x1x16xf32> to vector<16xf32>
        %get3A_500 = arith.constant 1 : i32
        %get3A_501 = arith.index_cast %get3A_500 : i32 to index
        %get3A_502 = arith.index_cast %add3A_355 : i32 to index
        %get3A_503 = arith.constant 112 : index
        %get3A_504 = tpu.vector_load %arg10[%get3A_501, %get3A_502, %get3A_503] {strides = array<i32>} : memref<2x80x128xf32, #tpu.memory_space<vmem>>, vector<1x1x16xf32>,
        %get3A_505 = vector.shape_cast %get3A_504 : vector<1x1x16xf32> to vector<16xf32>
        %mul3A_506 = arith.mulf %get3A_499, %get3A_505 : vector<16xf32>
        %swap3A_507 = arith.constant 1 : i32
        %swap3A_508 = arith.index_cast %swap3A_507 : i32 to index
        %swap3A_509 = arith.index_cast %add3A_355 : i32 to index
        %swap3A_510 = arith.constant 112 : index
        %swap3A_511 = tpu.vector_load %arg9[%swap3A_508, %swap3A_509, %swap3A_510] {strides = array<i32>} : memref<2x80x128xf32, #tpu.memory_space<vmem>>, vector<1x1x16xf32>,
        %swap3A_512 = vector.shape_cast %swap3A_511 : vector<1x1x16xf32> to vector<16xf32>
        %swap3A_513 = vector.shape_cast %mul3A_506 : vector<16xf32> to vector<1x1x16xf32>
        tpu.vector_store %arg9[%swap3A_508, %swap3A_509, %swap3A_510], %swap3A_513 {strides = array<i32>} : memref<2x80x128xf32, #tpu.memory_space<vmem>>, vector<1x1x16xf32>,
        %mul3A_514 = arith.constant 2 : i32
        %mul3A_515 = arith.muli %mul3A_514, %scan3A_350 : i32
        %add3A_516 = arith.constant 1 : i32
        %add3A_517 = arith.addi %mul3A_515, %add3A_516 : i32
        %get3A_518 = arith.constant 1 : i32
        %get3A_519 = arith.index_cast %get3A_518 : i32 to index
        %get3A_520 = arith.index_cast %add3A_517 : i32 to index
        %get3A_521 = arith.constant 0 : index
        %get3A_522 = tpu.vector_load %arg9[%get3A_519, %get3A_520, %get3A_521] {strides = array<i32>} : memref<2x80x128xf32, #tpu.memory_space<vmem>>, vector<1x1x16xf32>,
        %get3A_523 = vector.shape_cast %get3A_522 : vector<1x1x16xf32> to vector<16xf32>
        %get3A_524 = arith.constant 1 : i32
        %get3A_525 = arith.index_cast %get3A_524 : i32 to index
        %get3A_526 = arith.index_cast %add3A_517 : i32 to index
        %get3A_527 = arith.constant 0 : index
        %get3A_528 = tpu.vector_load %arg10[%get3A_525, %get3A_526, %get3A_527] {strides = array<i32>} : memref<2x80x128xf32, #tpu.memory_space<vmem>>, vector<1x1x16xf32>,
        %get3A_529 = vector.shape_cast %get3A_528 : vector<1x1x16xf32> to vector<16xf32>
        %mul3A_530 = arith.mulf %get3A_523, %get3A_529 : vector<16xf32>
        %swap3A_531 = arith.constant 1 : i32
        %swap3A_532 = arith.index_cast %swap3A_531 : i32 to index
        %swap3A_533 = arith.index_cast %add3A_517 : i32 to index
        %swap3A_534 = arith.constant 0 : index
        %swap3A_535 = tpu.vector_load %arg9[%swap3A_532, %swap3A_533, %swap3A_534] {strides = array<i32>} : memref<2x80x128xf32, #tpu.memory_space<vmem>>, vector<1x1x16xf32>,
        %swap3A_536 = vector.shape_cast %swap3A_535 : vector<1x1x16xf32> to vector<16xf32>
        %swap3A_537 = vector.shape_cast %mul3A_530 : vector<16xf32> to vector<1x1x16xf32>
        tpu.vector_store %arg9[%swap3A_532, %swap3A_533, %swap3A_534], %swap3A_537 {strides = array<i32>} : memref<2x80x128xf32, #tpu.memory_space<vmem>>, vector<1x1x16xf32>,
        %get3A_538 = arith.constant 1 : i32
        %get3A_539 = arith.index_cast %get3A_538 : i32 to index
        %get3A_540 = arith.index_cast %add3A_517 : i32 to index
        %get3A_541 = arith.constant 16 : index
        %get3A_542 = tpu.vector_load %arg9[%get3A_539, %get3A_540, %get3A_541] {strides = array<i32>} : memref<2x80x128xf32, #tpu.memory_space<vmem>>, vector<1x1x16xf32>,
        %get3A_543 = vector.shape_cast %get3A_542 : vector<1x1x16xf32> to vector<16xf32>
        %get3A_544 = arith.constant 1 : i32
        %get3A_545 = arith.index_cast %get3A_544 : i32 to index
        %get3A_546 = arith.index_cast %add3A_517 : i32 to index
        %get3A_547 = arith.constant 16 : index
        %get3A_548 = tpu.vector_load %arg10[%get3A_545, %get3A_546, %get3A_547] {strides = array<i32>} : memref<2x80x128xf32, #tpu.memory_space<vmem>>, vector<1x1x16xf32>,
        %get3A_549 = vector.shape_cast %get3A_548 : vector<1x1x16xf32> to vector<16xf32>
        %mul3A_550 = arith.mulf %get3A_543, %get3A_549 : vector<16xf32>
        %swap3A_551 = arith.constant 1 : i32
        %swap3A_552 = arith.index_cast %swap3A_551 : i32 to index
        %swap3A_553 = arith.index_cast %add3A_517 : i32 to index
        %swap3A_554 = arith.constant 16 : index
        %swap3A_555 = tpu.vector_load %arg9[%swap3A_552, %swap3A_553, %swap3A_554] {strides = array<i32>} : memref<2x80x128xf32, #tpu.memory_space<vmem>>, vector<1x1x16xf32>,
        %swap3A_556 = vector.shape_cast %swap3A_555 : vector<1x1x16xf32> to vector<16xf32>
        %swap3A_557 = vector.shape_cast %mul3A_550 : vector<16xf32> to vector<1x1x16xf32>
        tpu.vector_store %arg9[%swap3A_552, %swap3A_553, %swap3A_554], %swap3A_557 {strides = array<i32>} : memref<2x80x128xf32, #tpu.memory_space<vmem>>, vector<1x1x16xf32>,
        %get3A_558 = arith.constant 1 : i32
        %get3A_559 = arith.index_cast %get3A_558 : i32 to index
        %get3A_560 = arith.index_cast %add3A_517 : i32 to index
        %get3A_561 = arith.constant 32 : index
        %get3A_562 = tpu.vector_load %arg9[%get3A_559, %get3A_560, %get3A_561] {strides = array<i32>} : memref<2x80x128xf32, #tpu.memory_space<vmem>>, vector<1x1x16xf32>,
        %get3A_563 = vector.shape_cast %get3A_562 : vector<1x1x16xf32> to vector<16xf32>
        %get3A_564 = arith.constant 1 : i32
        %get3A_565 = arith.index_cast %get3A_564 : i32 to index
        %get3A_566 = arith.index_cast %add3A_517 : i32 to index
        %get3A_567 = arith.constant 32 : index
        %get3A_568 = tpu.vector_load %arg10[%get3A_565, %get3A_566, %get3A_567] {strides = array<i32>} : memref<2x80x128xf32, #tpu.memory_space<vmem>>, vector<1x1x16xf32>,
        %get3A_569 = vector.shape_cast %get3A_568 : vector<1x1x16xf32> to vector<16xf32>
        %mul3A_570 = arith.mulf %get3A_563, %get3A_569 : vector<16xf32>
        %swap3A_571 = arith.constant 1 : i32
        %swap3A_572 = arith.index_cast %swap3A_571 : i32 to index
        %swap3A_573 = arith.index_cast %add3A_517 : i32 to index
        %swap3A_574 = arith.constant 32 : index
        %swap3A_575 = tpu.vector_load %arg9[%swap3A_572, %swap3A_573, %swap3A_574] {strides = array<i32>} : memref<2x80x128xf32, #tpu.memory_space<vmem>>, vector<1x1x16xf32>,
        %swap3A_576 = vector.shape_cast %swap3A_575 : vector<1x1x16xf32> to vector<16xf32>
        %swap3A_577 = vector.shape_cast %mul3A_570 : vector<16xf32> to vector<1x1x16xf32>
        tpu.vector_store %arg9[%swap3A_572, %swap3A_573, %swap3A_574], %swap3A_577 {strides = array<i32>} : memref<2x80x128xf32, #tpu.memory_space<vmem>>, vector<1x1x16xf32>,
        %get3A_578 = arith.constant 1 : i32
        %get3A_579 = arith.index_cast %get3A_578 : i32 to index
        %get3A_580 = arith.index_cast %add3A_517 : i32 to index
        %get3A_581 = arith.constant 48 : index
        %get3A_582 = tpu.vector_load %arg9[%get3A_579, %get3A_580, %get3A_581] {strides = array<i32>} : memref<2x80x128xf32, #tpu.memory_space<vmem>>, vector<1x1x16xf32>,
        %get3A_583 = vector.shape_cast %get3A_582 : vector<1x1x16xf32> to vector<16xf32>
        %get3A_584 = arith.constant 1 : i32
        %get3A_585 = arith.index_cast %get3A_584 : i32 to index
        %get3A_586 = arith.index_cast %add3A_517 : i32 to index
        %get3A_587 = arith.constant 48 : index
        %get3A_588 = tpu.vector_load %arg10[%get3A_585, %get3A_586, %get3A_587] {strides = array<i32>} : memref<2x80x128xf32, #tpu.memory_space<vmem>>, vector<1x1x16xf32>,
        %get3A_589 = vector.shape_cast %get3A_588 : vector<1x1x16xf32> to vector<16xf32>
        %mul3A_590 = arith.mulf %get3A_583, %get3A_589 : vector<16xf32>
        %swap3A_591 = arith.constant 1 : i32
        %swap3A_592 = arith.index_cast %swap3A_591 : i32 to index
        %swap3A_593 = arith.index_cast %add3A_517 : i32 to index
        %swap3A_594 = arith.constant 48 : index
        %swap3A_595 = tpu.vector_load %arg9[%swap3A_592, %swap3A_593, %swap3A_594] {strides = array<i32>} : memref<2x80x128xf32, #tpu.memory_space<vmem>>, vector<1x1x16xf32>,
        %swap3A_596 = vector.shape_cast %swap3A_595 : vector<1x1x16xf32> to vector<16xf32>
        %swap3A_597 = vector.shape_cast %mul3A_590 : vector<16xf32> to vector<1x1x16xf32>
        tpu.vector_store %arg9[%swap3A_592, %swap3A_593, %swap3A_594], %swap3A_597 {strides = array<i32>} : memref<2x80x128xf32, #tpu.memory_space<vmem>>, vector<1x1x16xf32>,
        %get3A_598 = arith.constant 1 : i32
        %get3A_599 = arith.index_cast %get3A_598 : i32 to index
        %get3A_600 = arith.index_cast %add3A_517 : i32 to index
        %get3A_601 = arith.constant 64 : index
        %get3A_602 = tpu.vector_load %arg9[%get3A_599, %get3A_600, %get3A_601] {strides = array<i32>} : memref<2x80x128xf32, #tpu.memory_space<vmem>>, vector<1x1x16xf32>,
        %get3A_603 = vector.shape_cast %get3A_602 : vector<1x1x16xf32> to vector<16xf32>
        %get3A_604 = arith.constant 1 : i32
        %get3A_605 = arith.index_cast %get3A_604 : i32 to index
        %get3A_606 = arith.index_cast %add3A_517 : i32 to index
        %get3A_607 = arith.constant 64 : index
        %get3A_608 = tpu.vector_load %arg10[%get3A_605, %get3A_606, %get3A_607] {strides = array<i32>} : memref<2x80x128xf32, #tpu.memory_space<vmem>>, vector<1x1x16xf32>,
        %get3A_609 = vector.shape_cast %get3A_608 : vector<1x1x16xf32> to vector<16xf32>
        %mul3A_610 = arith.mulf %get3A_603, %get3A_609 : vector<16xf32>
        %swap3A_611 = arith.constant 1 : i32
        %swap3A_612 = arith.index_cast %swap3A_611 : i32 to index
        %swap3A_613 = arith.index_cast %add3A_517 : i32 to index
        %swap3A_614 = arith.constant 64 : index
        %swap3A_615 = tpu.vector_load %arg9[%swap3A_612, %swap3A_613, %swap3A_614] {strides = array<i32>} : memref<2x80x128xf32, #tpu.memory_space<vmem>>, vector<1x1x16xf32>,
        %swap3A_616 = vector.shape_cast %swap3A_615 : vector<1x1x16xf32> to vector<16xf32>
        %swap3A_617 = vector.shape_cast %mul3A_610 : vector<16xf32> to vector<1x1x16xf32>
        tpu.vector_store %arg9[%swap3A_612, %swap3A_613, %swap3A_614], %swap3A_617 {strides = array<i32>} : memref<2x80x128xf32, #tpu.memory_space<vmem>>, vector<1x1x16xf32>,
        %get3A_618 = arith.constant 1 : i32
        %get3A_619 = arith.index_cast %get3A_618 : i32 to index
        %get3A_620 = arith.index_cast %add3A_517 : i32 to index
        %get3A_621 = arith.constant 80 : index
        %get3A_622 = tpu.vector_load %arg9[%get3A_619, %get3A_620, %get3A_621] {strides = array<i32>} : memref<2x80x128xf32, #tpu.memory_space<vmem>>, vector<1x1x16xf32>,
        %get3A_623 = vector.shape_cast %get3A_622 : vector<1x1x16xf32> to vector<16xf32>
        %get3A_624 = arith.constant 1 : i32
        %get3A_625 = arith.index_cast %get3A_624 : i32 to index
        %get3A_626 = arith.index_cast %add3A_517 : i32 to index
        %get3A_627 = arith.constant 80 : index
        %get3A_628 = tpu.vector_load %arg10[%get3A_625, %get3A_626, %get3A_627] {strides = array<i32>} : memref<2x80x128xf32, #tpu.memory_space<vmem>>, vector<1x1x16xf32>,
        %get3A_629 = vector.shape_cast %get3A_628 : vector<1x1x16xf32> to vector<16xf32>
        %mul3A_630 = arith.mulf %get3A_623, %get3A_629 : vector<16xf32>
        %swap3A_631 = arith.constant 1 : i32
        %swap3A_632 = arith.index_cast %swap3A_631 : i32 to index
        %swap3A_633 = arith.index_cast %add3A_517 : i32 to index
        %swap3A_634 = arith.constant 80 : index
        %swap3A_635 = tpu.vector_load %arg9[%swap3A_632, %swap3A_633, %swap3A_634] {strides = array<i32>} : memref<2x80x128xf32, #tpu.memory_space<vmem>>, vector<1x1x16xf32>,
        %swap3A_636 = vector.shape_cast %swap3A_635 : vector<1x1x16xf32> to vector<16xf32>
        %swap3A_637 = vector.shape_cast %mul3A_630 : vector<16xf32> to vector<1x1x16xf32>
        tpu.vector_store %arg9[%swap3A_632, %swap3A_633, %swap3A_634], %swap3A_637 {strides = array<i32>} : memref<2x80x128xf32, #tpu.memory_space<vmem>>, vector<1x1x16xf32>,
        %get3A_638 = arith.constant 1 : i32
        %get3A_639 = arith.index_cast %get3A_638 : i32 to index
        %get3A_640 = arith.index_cast %add3A_517 : i32 to index
        %get3A_641 = arith.constant 96 : index
        %get3A_642 = tpu.vector_load %arg9[%get3A_639, %get3A_640, %get3A_641] {strides = array<i32>} : memref<2x80x128xf32, #tpu.memory_space<vmem>>, vector<1x1x16xf32>,
        %get3A_643 = vector.shape_cast %get3A_642 : vector<1x1x16xf32> to vector<16xf32>
        %get3A_644 = arith.constant 1 : i32
        %get3A_645 = arith.index_cast %get3A_644 : i32 to index
        %get3A_646 = arith.index_cast %add3A_517 : i32 to index
        %get3A_647 = arith.constant 96 : index
        %get3A_648 = tpu.vector_load %arg10[%get3A_645, %get3A_646, %get3A_647] {strides = array<i32>} : memref<2x80x128xf32, #tpu.memory_space<vmem>>, vector<1x1x16xf32>,
        %get3A_649 = vector.shape_cast %get3A_648 : vector<1x1x16xf32> to vector<16xf32>
        %mul3A_650 = arith.mulf %get3A_643, %get3A_649 : vector<16xf32>
        %swap3A_651 = arith.constant 1 : i32
        %swap3A_652 = arith.index_cast %swap3A_651 : i32 to index
        %swap3A_653 = arith.index_cast %add3A_517 : i32 to index
        %swap3A_654 = arith.constant 96 : index
        %swap3A_655 = tpu.vector_load %arg9[%swap3A_652, %swap3A_653, %swap3A_654] {strides = array<i32>} : memref<2x80x128xf32, #tpu.memory_space<vmem>>, vector<1x1x16xf32>,
        %swap3A_656 = vector.shape_cast %swap3A_655 : vector<1x1x16xf32> to vector<16xf32>
        %swap3A_657 = vector.shape_cast %mul3A_650 : vector<16xf32> to vector<1x1x16xf32>
        tpu.vector_store %arg9[%swap3A_652, %swap3A_653, %swap3A_654], %swap3A_657 {strides = array<i32>} : memref<2x80x128xf32, #tpu.memory_space<vmem>>, vector<1x1x16xf32>,
        %get3A_658 = arith.constant 1 : i32
        %get3A_659 = arith.index_cast %get3A_658 : i32 to index
        %get3A_660 = arith.index_cast %add3A_517 : i32 to index
        %get3A_661 = arith.constant 112 : index
        %get3A_662 = tpu.vector_load %arg9[%get3A_659, %get3A_660, %get3A_661] {strides = array<i32>} : memref<2x80x128xf32, #tpu.memory_space<vmem>>, vector<1x1x16xf32>,
        %get3A_663 = vector.shape_cast %get3A_662 : vector<1x1x16xf32> to vector<16xf32>
        %get3A_664 = arith.constant 1 : i32
        %get3A_665 = arith.index_cast %get3A_664 : i32 to index
        %get3A_666 = arith.index_cast %add3A_517 : i32 to index
        %get3A_667 = arith.constant 112 : index
        %get3A_668 = tpu.vector_load %arg10[%get3A_665, %get3A_666, %get3A_667] {strides = array<i32>} : memref<2x80x128xf32, #tpu.memory_space<vmem>>, vector<1x1x16xf32>,
        %get3A_669 = vector.shape_cast %get3A_668 : vector<1x1x16xf32> to vector<16xf32>
        %mul3A_670 = arith.mulf %get3A_663, %get3A_669 : vector<16xf32>
        %swap3A_671 = arith.constant 1 : i32
        %swap3A_672 = arith.index_cast %swap3A_671 : i32 to index
        %swap3A_673 = arith.index_cast %add3A_517 : i32 to index
        %swap3A_674 = arith.constant 112 : index
        %swap3A_675 = tpu.vector_load %arg9[%swap3A_672, %swap3A_673, %swap3A_674] {strides = array<i32>} : memref<2x80x128xf32, #tpu.memory_space<vmem>>, vector<1x1x16xf32>,
        %swap3A_676 = vector.shape_cast %swap3A_675 : vector<1x1x16xf32> to vector<16xf32>
        %swap3A_677 = vector.shape_cast %mul3A_670 : vector<16xf32> to vector<1x1x16xf32>
        tpu.vector_store %arg9[%swap3A_672, %swap3A_673, %swap3A_674], %swap3A_677 {strides = array<i32>} : memref<2x80x128xf32, #tpu.memory_space<vmem>>, vector<1x1x16xf32>,
        %scan3A_678 = arith.constant 0 : i32
        scf.yield %scan3A_678 : i32
      }
      %scan3A_341 = arith.constant 40 : i32
      %run_scoped3A_342 = arith.constant 1 : i32
      %run_scoped3A_343 = arith.constant 1 : i32
      "tpu.region"() ({
        %run_scoped3A_350 = tpu.sem_alloc : memref<!tpu.dma_semaphore, #tpu.memory_space<semaphore_mem>>
        %dma_start3A_351 = arith.constant 0 : i32
        %dma_start3A_352 = arith.constant 0 : i32
        %dma_start3A_353 = tpu.memref_slice %arg9[%run_scoped3A_342, %dma_start3A_351, %dma_start3A_352] : memref<2x80x128xf32, #tpu.memory_space<vmem>> -> memref<1x80x128xf32, #tpu.memory_space<vmem>>
        %dma_start3A_354 = tpu.memref_squeeze %dma_start3A_353 : memref<1x80x128xf32, #tpu.memory_space<vmem>> -> memref<80x128xf32, #tpu.memory_space<vmem>>
        %dma_start3A_355 = arith.constant 0 : i32
        %dma_start3A_356 = tpu.memref_slice %arg8[%run_scoped3A_343, %dma_start3A_355] : memref<2x80xi32, #tpu.memory_space<vmem>> -> memref<1x80xi32, #tpu.memory_space<vmem>>
        %dma_start3A_357 = tpu.memref_squeeze %dma_start3A_356 : memref<1x80xi32, #tpu.memory_space<vmem>> -> memref<80xi32, #tpu.memory_space<vmem>>
        %dma_start3A_358 = arith.constant 0 : i32
        %dma_start3A_359 = arith.constant 0 : i32
        %dma_start3A_360 = tpu.memref_slice %arg11[%dma_start3A_358, %dma_start3A_359] : memref<10000x128xf32, #tpu.memory_space<vmem_shared>> -> memref<10000x128xf32, #tpu.memory_space<vmem_shared>>
        tpu.enqueue_indirect_dma source(%dma_start3A_354 : memref<80x128xf32, #tpu.memory_space<vmem>>) target(%dma_start3A_360 : memref<10000x128xf32, #tpu.memory_space<vmem_shared>>) offsets(%dma_start3A_357 : memref<80xi32, #tpu.memory_space<vmem>>) semaphore(%run_scoped3A_350 : memref<!tpu.dma_semaphore, #tpu.memory_space<semaphore_mem>>) {add = true}
        %dma_wait3A_361 = arith.constant 0 : i32
        %dma_wait3A_362 = arith.constant 0 : i32
        %dma_wait3A_363 = tpu.memref_slice %arg9[%run_scoped3A_342, %dma_wait3A_361, %dma_wait3A_362] : memref<2x80x128xf32, #tpu.memory_space<vmem>> -> memref<1x80x128xf32, #tpu.memory_space<vmem>>
        %dma_wait3A_364 = tpu.memref_squeeze %dma_wait3A_363 : memref<1x80x128xf32, #tpu.memory_space<vmem>> -> memref<80x128xf32, #tpu.memory_space<vmem>>
        %dma_wait3A_365 = arith.constant 0 : i32
        %dma_wait3A_366 = tpu.memref_slice %arg8[%run_scoped3A_343, %dma_wait3A_365] : memref<2x80xi32, #tpu.memory_space<vmem>> -> memref<1x80xi32, #tpu.memory_space<vmem>>
        %dma_wait3A_367 = tpu.memref_squeeze %dma_wait3A_366 : memref<1x80xi32, #tpu.memory_space<vmem>> -> memref<80xi32, #tpu.memory_space<vmem>>
        %dma_wait3A_368 = arith.constant 0 : i32
        %dma_wait3A_369 = arith.constant 0 : i32
        %dma_wait3A_370 = tpu.memref_slice %arg11[%dma_wait3A_368, %dma_wait3A_369] : memref<10000x128xf32, #tpu.memory_space<vmem_shared>> -> memref<10000x128xf32, #tpu.memory_space<vmem_shared>>
        tpu.wait_indirect_dma semaphore(%run_scoped3A_350 : memref<!tpu.dma_semaphore, #tpu.memory_space<semaphore_mem>>) src(%dma_wait3A_364 : memref<80x128xf32, #tpu.memory_space<vmem>>) dst(%dma_wait3A_370 : memref<10000x128xf32, #tpu.memory_space<vmem_shared>>)
        tpu.yield
      }) : () -> ()
      %lt3A_344 = arith.constant 61 : i32
      %lt3A_345 = arith.cmpi slt, %scan3A_166, %lt3A_344 : i32
      %convert_element_type3A_346 = arith.extui %lt3A_345 : i1 to i32
      %cond3A_347 = arith.constant 0 : i32
      %cond3A_348 = arith.cmpi ne, %convert_element_type3A_346, %cond3A_347 : i32
      scf.if %cond3A_348 {
        %add3A_350 = arith.constant 3 : i32
        %add3A_351 = arith.addi %mul3A_169, %add3A_350 : i32
        %mul3A_352 = arith.constant 80 : i32
        %mul3A_353 = arith.muli %add3A_351, %mul3A_352 : i32
        %add3A_354 = arith.addi %mul3A_15, %mul3A_353 : i32
        %dma_start3A_355 = arith.constant 1 : i32
        %dma_start3A_356 = arith.constant 0 : i32
        %dma_start3A_357 = tpu.memref_slice %arg8[%dma_start3A_355, %dma_start3A_356] : memref<2x80xi32, #tpu.memory_space<vmem>> -> memref<1x80xi32, #tpu.memory_space<vmem>>
        %dma_start3A_358 = tpu.memref_squeeze %dma_start3A_357 : memref<1x80xi32, #tpu.memory_space<vmem>> -> memref<80xi32, #tpu.memory_space<vmem>>
        %dma_start3A_359 = tpu.memref_slice %arg4[%add3A_354] : memref<320000xi32, #tpu.memory_space<hbm>> -> memref<80xi32, #tpu.memory_space<hbm>>
        %dma_start3A_360 = arith.constant 0 : i32
        %dma_start3A_361 = tpu.memref_slice %arg8[%dma_start3A_355, %dma_start3A_360] : memref<2x80xi32, #tpu.memory_space<vmem>> -> memref<1x80xi32, #tpu.memory_space<vmem>>
        %dma_start3A_362 = tpu.memref_squeeze %dma_start3A_361 : memref<1x80xi32, #tpu.memory_space<vmem>> -> memref<80xi32, #tpu.memory_space<vmem>>
        %dma_start3A_363 = tpu.memref_slice %arg4[%add3A_354] : memref<320000xi32, #tpu.memory_space<hbm>> -> memref<80xi32, #tpu.memory_space<hbm>>
        tpu.enqueue_dma source(%dma_start3A_363 : memref<80xi32, #tpu.memory_space<hbm>>) target(%dma_start3A_362 : memref<80xi32, #tpu.memory_space<vmem>>) target_semaphore(%arg15 : memref<!tpu.dma_semaphore, #tpu.memory_space<semaphore_mem>>)
        %mul3A_364 = arith.constant 80 : i32
        %mul3A_365 = arith.muli %add3A_351, %mul3A_364 : i32
        %add3A_366 = arith.addi %mul3A_15, %mul3A_365 : i32
        %dma_start3A_367 = arith.constant 1 : i32
        %dma_start3A_368 = arith.constant 0 : i32
        %dma_start3A_369 = arith.constant 0 : i32
        %dma_start3A_370 = tpu.memref_slice %arg10[%dma_start3A_367, %dma_start3A_368, %dma_start3A_369] : memref<2x80x128xf32, #tpu.memory_space<vmem>> -> memref<1x80x128xf32, #tpu.memory_space<vmem>>
        %dma_start3A_371 = tpu.memref_squeeze %dma_start3A_370 : memref<1x80x128xf32, #tpu.memory_space<vmem>> -> memref<80x128xf32, #tpu.memory_space<vmem>>
        %dma_start3A_372 = arith.constant 0 : i32
        %dma_start3A_373 = tpu.memref_slice %arg3[%add3A_366, %dma_start3A_372] : memref<320000x128xf32, #tpu.memory_space<hbm>> -> memref<80x128xf32, #tpu.memory_space<hbm>>
        %dma_start3A_374 = arith.constant 0 : i32
        %dma_start3A_375 = arith.constant 0 : i32
        %dma_start3A_376 = tpu.memref_slice %arg10[%dma_start3A_367, %dma_start3A_374, %dma_start3A_375] : memref<2x80x128xf32, #tpu.memory_space<vmem>> -> memref<1x80x128xf32, #tpu.memory_space<vmem>>
        %dma_start3A_377 = tpu.memref_squeeze %dma_start3A_376 : memref<1x80x128xf32, #tpu.memory_space<vmem>> -> memref<80x128xf32, #tpu.memory_space<vmem>>
        %dma_start3A_378 = arith.constant 0 : i32
        %dma_start3A_379 = tpu.memref_slice %arg3[%add3A_366, %dma_start3A_378] : memref<320000x128xf32, #tpu.memory_space<hbm>> -> memref<80x128xf32, #tpu.memory_space<hbm>>
        tpu.enqueue_dma source(%dma_start3A_379 : memref<80x128xf32, #tpu.memory_space<hbm>>) target(%dma_start3A_377 : memref<80x128xf32, #tpu.memory_space<vmem>>) target_semaphore(%arg17 : memref<!tpu.dma_semaphore, #tpu.memory_space<semaphore_mem>>)
      } else {
      }
      %scan3A_349 = arith.constant 0 : i32
      scf.yield %scan3A_349 : i32
    }
    %scan3A_115 = arith.constant 62 : i32
    %dma_wait3A_116 = arith.constant 0 : i32
    %dma_wait3A_117 = arith.constant 0 : i32
    %dma_wait3A_118 = arith.constant 0 : i32
    %dma_wait3A_119 = arith.constant 0 : i32
    %dma_wait3A_120 = tpu.memref_slice %arg9[%dma_wait3A_117, %dma_wait3A_118, %dma_wait3A_119] : memref<2x80x128xf32, #tpu.memory_space<vmem>> -> memref<1x80x128xf32, #tpu.memory_space<vmem>>
    %dma_wait3A_121 = tpu.memref_squeeze %dma_wait3A_120 : memref<1x80x128xf32, #tpu.memory_space<vmem>> -> memref<80x128xf32, #tpu.memory_space<vmem>>
    %dma_wait3A_122 = arith.constant 0 : i32
    %dma_wait3A_123 = tpu.memref_slice %arg7[%dma_wait3A_116, %dma_wait3A_122] : memref<2x80xi32, #tpu.memory_space<vmem>> -> memref<1x80xi32, #tpu.memory_space<vmem>>
    %dma_wait3A_124 = tpu.memref_squeeze %dma_wait3A_123 : memref<1x80xi32, #tpu.memory_space<vmem>> -> memref<80xi32, #tpu.memory_space<vmem>>
    %dma_wait3A_125 = arith.constant 0 : i32
    %dma_wait3A_126 = arith.constant 0 : i32
    %dma_wait3A_127 = tpu.memref_slice %arg2[%dma_wait3A_125, %dma_wait3A_126] : memref<10000x128xf32, #tpu.memory_space<hbm>> -> memref<10000x128xf32, #tpu.memory_space<hbm>>
    tpu.wait_indirect_dma semaphore(%arg18 : memref<!tpu.dma_semaphore, #tpu.memory_space<semaphore_mem>>) src(%dma_wait3A_127 : memref<10000x128xf32, #tpu.memory_space<hbm>>) dst(%dma_wait3A_121 : memref<80x128xf32, #tpu.memory_space<vmem>>)
    %dma_wait3A_128 = arith.constant 0 : i32
    %dma_wait3A_129 = arith.constant 0 : i32
    %dma_wait3A_130 = arith.constant 0 : i32
    %dma_wait3A_131 = tpu.memref_slice %arg10[%dma_wait3A_128, %dma_wait3A_129, %dma_wait3A_130] : memref<2x80x128xf32, #tpu.memory_space<vmem>> -> memref<1x80x128xf32, #tpu.memory_space<vmem>>
    %dma_wait3A_132 = tpu.memref_squeeze %dma_wait3A_131 : memref<1x80x128xf32, #tpu.memory_space<vmem>> -> memref<80x128xf32, #tpu.memory_space<vmem>>
    %dma_wait3A_133 = arith.constant 0 : i32
    %dma_wait3A_134 = tpu.memref_slice %arg3[%mul3A_15, %dma_wait3A_133] : memref<320000x128xf32, #tpu.memory_space<hbm>> -> memref<80x128xf32, #tpu.memory_space<hbm>>
    %dma_wait3A_135 = arith.constant 0 : i32
    %dma_wait3A_136 = arith.constant 0 : i32
    %dma_wait3A_137 = tpu.memref_slice %arg10[%dma_wait3A_128, %dma_wait3A_135, %dma_wait3A_136] : memref<2x80x128xf32, #tpu.memory_space<vmem>> -> memref<1x80x128xf32, #tpu.memory_space<vmem>>
    %dma_wait3A_138 = tpu.memref_squeeze %dma_wait3A_137 : memref<1x80x128xf32, #tpu.memory_space<vmem>> -> memref<80x128xf32, #tpu.memory_space<vmem>>
    %dma_wait3A_139 = arith.constant 0 : i32
    %dma_wait3A_140 = tpu.memref_slice %arg3[%mul3A_15, %dma_wait3A_139] : memref<320000x128xf32, #tpu.memory_space<hbm>> -> memref<80x128xf32, #tpu.memory_space<hbm>>
    tpu.wait_dma2 semaphore(%arg16 : memref<!tpu.dma_semaphore, #tpu.memory_space<semaphore_mem>>) src(%dma_wait3A_140 : memref<80x128xf32, #tpu.memory_space<hbm>>) dst(%dma_wait3A_138 : memref<80x128xf32, #tpu.memory_space<vmem>>)
    %dma_wait3A_141 = arith.constant 0 : i32
    %dma_wait3A_142 = arith.constant 0 : i32
    %dma_wait3A_143 = tpu.memref_slice %arg8[%dma_wait3A_141, %dma_wait3A_142] : memref<2x80xi32, #tpu.memory_space<vmem>> -> memref<1x80xi32, #tpu.memory_space<vmem>>
    %dma_wait3A_144 = tpu.memref_squeeze %dma_wait3A_143 : memref<1x80xi32, #tpu.memory_space<vmem>> -> memref<80xi32, #tpu.memory_space<vmem>>
    %dma_wait3A_145 = tpu.memref_slice %arg4[%mul3A_15] : memref<320000xi32, #tpu.memory_space<hbm>> -> memref<80xi32, #tpu.memory_space<hbm>>
    %dma_wait3A_146 = arith.constant 0 : i32
    %dma_wait3A_147 = tpu.memref_slice %arg8[%dma_wait3A_141, %dma_wait3A_146] : memref<2x80xi32, #tpu.memory_space<vmem>> -> memref<1x80xi32, #tpu.memory_space<vmem>>
    %dma_wait3A_148 = tpu.memref_squeeze %dma_wait3A_147 : memref<1x80xi32, #tpu.memory_space<vmem>> -> memref<80xi32, #tpu.memory_space<vmem>>
    %dma_wait3A_149 = tpu.memref_slice %arg4[%mul3A_15] : memref<320000xi32, #tpu.memory_space<hbm>> -> memref<80xi32, #tpu.memory_space<hbm>>
    tpu.wait_dma2 semaphore(%arg14 : memref<!tpu.dma_semaphore, #tpu.memory_space<semaphore_mem>>) src(%dma_wait3A_149 : memref<80xi32, #tpu.memory_space<hbm>>) dst(%dma_wait3A_148 : memref<80xi32, #tpu.memory_space<vmem>>)
    %scan3A_150 = arith.constant 0 : i32
    %scan3A_151 = arith.constant 0 : i32
    %scan3A_152 = arith.constant 40 : i32
    %scan3A_153 = arith.addi %scan3A_151, %scan3A_152 : i32
    %scan3A_154 = arith.constant 1 : i32
    %scan3A_155 = scf.for %scan3A_166 = %scan3A_151 to %scan3A_153 step %scan3A_154 iter_args(%scan3A_167 = %scan3A_150) -> (i32)  : i32 {
      %mul3A_168 = arith.constant 2 : i32
      %mul3A_169 = arith.muli %mul3A_168, %scan3A_166 : i32
      %add3A_170 = arith.constant 0 : i32
      %add3A_171 = arith.addi %mul3A_169, %add3A_170 : i32
      %get3A = arith.constant 0 : i32
      %get3A_172 = arith.index_cast %get3A : i32 to index
      %get3A_173 = arith.index_cast %add3A_171 : i32 to index
      %get3A_174 = arith.constant 0 : index
      %get3A_175 = tpu.vector_load %arg9[%get3A_172, %get3A_173, %get3A_174] {strides = array<i32>} : memref<2x80x128xf32, #tpu.memory_space<vmem>>, vector<1x1x16xf32>,
      %get3A_176 = vector.shape_cast %get3A_175 : vector<1x1x16xf32> to vector<16xf32>
      %get3A_177 = arith.constant 0 : i32
      %get3A_178 = arith.index_cast %get3A_177 : i32 to index
      %get3A_179 = arith.index_cast %add3A_171 : i32 to index
      %get3A_180 = arith.constant 0 : index
      %get3A_181 = tpu.vector_load %arg10[%get3A_178, %get3A_179, %get3A_180] {strides = array<i32>} : memref<2x80x128xf32, #tpu.memory_space<vmem>>, vector<1x1x16xf32>,
      %get3A_182 = vector.shape_cast %get3A_181 : vector<1x1x16xf32> to vector<16xf32>
      %mul3A_183 = arith.mulf %get3A_176, %get3A_182 : vector<16xf32>
      %swap3A = arith.constant 0 : i32
      %swap3A_184 = arith.index_cast %swap3A : i32 to index
      %swap3A_185 = arith.index_cast %add3A_171 : i32 to index
      %swap3A_186 = arith.constant 0 : index
      %swap3A_187 = tpu.vector_load %arg9[%swap3A_184, %swap3A_185, %swap3A_186] {strides = array<i32>} : memref<2x80x128xf32, #tpu.memory_space<vmem>>, vector<1x1x16xf32>,
      %swap3A_188 = vector.shape_cast %swap3A_187 : vector<1x1x16xf32> to vector<16xf32>
      %swap3A_189 = vector.shape_cast %mul3A_183 : vector<16xf32> to vector<1x1x16xf32>
      tpu.vector_store %arg9[%swap3A_184, %swap3A_185, %swap3A_186], %swap3A_189 {strides = array<i32>} : memref<2x80x128xf32, #tpu.memory_space<vmem>>, vector<1x1x16xf32>,
      %get3A_190 = arith.constant 0 : i32
      %get3A_191 = arith.index_cast %get3A_190 : i32 to index
      %get3A_192 = arith.index_cast %add3A_171 : i32 to index
      %get3A_193 = arith.constant 16 : index
      %get3A_194 = tpu.vector_load %arg9[%get3A_191, %get3A_192, %get3A_193] {strides = array<i32>} : memref<2x80x128xf32, #tpu.memory_space<vmem>>, vector<1x1x16xf32>,
      %get3A_195 = vector.shape_cast %get3A_194 : vector<1x1x16xf32> to vector<16xf32>
      %get3A_196 = arith.constant 0 : i32
      %get3A_197 = arith.index_cast %get3A_196 : i32 to index
      %get3A_198 = arith.index_cast %add3A_171 : i32 to index
      %get3A_199 = arith.constant 16 : index
      %get3A_200 = tpu.vector_load %arg10[%get3A_197, %get3A_198, %get3A_199] {strides = array<i32>} : memref<2x80x128xf32, #tpu.memory_space<vmem>>, vector<1x1x16xf32>,
      %get3A_201 = vector.shape_cast %get3A_200 : vector<1x1x16xf32> to vector<16xf32>
      %mul3A_202 = arith.mulf %get3A_195, %get3A_201 : vector<16xf32>
      %swap3A_203 = arith.constant 0 : i32
      %swap3A_204 = arith.index_cast %swap3A_203 : i32 to index
      %swap3A_205 = arith.index_cast %add3A_171 : i32 to index
      %swap3A_206 = arith.constant 16 : index
      %swap3A_207 = tpu.vector_load %arg9[%swap3A_204, %swap3A_205, %swap3A_206] {strides = array<i32>} : memref<2x80x128xf32, #tpu.memory_space<vmem>>, vector<1x1x16xf32>,
      %swap3A_208 = vector.shape_cast %swap3A_207 : vector<1x1x16xf32> to vector<16xf32>
      %swap3A_209 = vector.shape_cast %mul3A_202 : vector<16xf32> to vector<1x1x16xf32>
      tpu.vector_store %arg9[%swap3A_204, %swap3A_205, %swap3A_206], %swap3A_209 {strides = array<i32>} : memref<2x80x128xf32, #tpu.memory_space<vmem>>, vector<1x1x16xf32>,
      %get3A_210 = arith.constant 0 : i32
      %get3A_211 = arith.index_cast %get3A_210 : i32 to index
      %get3A_212 = arith.index_cast %add3A_171 : i32 to index
      %get3A_213 = arith.constant 32 : index
      %get3A_214 = tpu.vector_load %arg9[%get3A_211, %get3A_212, %get3A_213] {strides = array<i32>} : memref<2x80x128xf32, #tpu.memory_space<vmem>>, vector<1x1x16xf32>,
      %get3A_215 = vector.shape_cast %get3A_214 : vector<1x1x16xf32> to vector<16xf32>
      %get3A_216 = arith.constant 0 : i32
      %get3A_217 = arith.index_cast %get3A_216 : i32 to index
      %get3A_218 = arith.index_cast %add3A_171 : i32 to index
      %get3A_219 = arith.constant 32 : index
      %get3A_220 = tpu.vector_load %arg10[%get3A_217, %get3A_218, %get3A_219] {strides = array<i32>} : memref<2x80x128xf32, #tpu.memory_space<vmem>>, vector<1x1x16xf32>,
      %get3A_221 = vector.shape_cast %get3A_220 : vector<1x1x16xf32> to vector<16xf32>
      %mul3A_222 = arith.mulf %get3A_215, %get3A_221 : vector<16xf32>
      %swap3A_223 = arith.constant 0 : i32
      %swap3A_224 = arith.index_cast %swap3A_223 : i32 to index
      %swap3A_225 = arith.index_cast %add3A_171 : i32 to index
      %swap3A_226 = arith.constant 32 : index
      %swap3A_227 = tpu.vector_load %arg9[%swap3A_224, %swap3A_225, %swap3A_226] {strides = array<i32>} : memref<2x80x128xf32, #tpu.memory_space<vmem>>, vector<1x1x16xf32>,
      %swap3A_228 = vector.shape_cast %swap3A_227 : vector<1x1x16xf32> to vector<16xf32>
      %swap3A_229 = vector.shape_cast %mul3A_222 : vector<16xf32> to vector<1x1x16xf32>
      tpu.vector_store %arg9[%swap3A_224, %swap3A_225, %swap3A_226], %swap3A_229 {strides = array<i32>} : memref<2x80x128xf32, #tpu.memory_space<vmem>>, vector<1x1x16xf32>,
      %get3A_230 = arith.constant 0 : i32
      %get3A_231 = arith.index_cast %get3A_230 : i32 to index
      %get3A_232 = arith.index_cast %add3A_171 : i32 to index
      %get3A_233 = arith.constant 48 : index
      %get3A_234 = tpu.vector_load %arg9[%get3A_231, %get3A_232, %get3A_233] {strides = array<i32>} : memref<2x80x128xf32, #tpu.memory_space<vmem>>, vector<1x1x16xf32>,
      %get3A_235 = vector.shape_cast %get3A_234 : vector<1x1x16xf32> to vector<16xf32>
      %get3A_236 = arith.constant 0 : i32
      %get3A_237 = arith.index_cast %get3A_236 : i32 to index
      %get3A_238 = arith.index_cast %add3A_171 : i32 to index
      %get3A_239 = arith.constant 48 : index
      %get3A_240 = tpu.vector_load %arg10[%get3A_237, %get3A_238, %get3A_239] {strides = array<i32>} : memref<2x80x128xf32, #tpu.memory_space<vmem>>, vector<1x1x16xf32>,
      %get3A_241 = vector.shape_cast %get3A_240 : vector<1x1x16xf32> to vector<16xf32>
      %mul3A_242 = arith.mulf %get3A_235, %get3A_241 : vector<16xf32>
      %swap3A_243 = arith.constant 0 : i32
      %swap3A_244 = arith.index_cast %swap3A_243 : i32 to index
      %swap3A_245 = arith.index_cast %add3A_171 : i32 to index
      %swap3A_246 = arith.constant 48 : index
      %swap3A_247 = tpu.vector_load %arg9[%swap3A_244, %swap3A_245, %swap3A_246] {strides = array<i32>} : memref<2x80x128xf32, #tpu.memory_space<vmem>>, vector<1x1x16xf32>,
      %swap3A_248 = vector.shape_cast %swap3A_247 : vector<1x1x16xf32> to vector<16xf32>
      %swap3A_249 = vector.shape_cast %mul3A_242 : vector<16xf32> to vector<1x1x16xf32>
      tpu.vector_store %arg9[%swap3A_244, %swap3A_245, %swap3A_246], %swap3A_249 {strides = array<i32>} : memref<2x80x128xf32, #tpu.memory_space<vmem>>, vector<1x1x16xf32>,
      %get3A_250 = arith.constant 0 : i32
      %get3A_251 = arith.index_cast %get3A_250 : i32 to index
      %get3A_252 = arith.index_cast %add3A_171 : i32 to index
      %get3A_253 = arith.constant 64 : index
      %get3A_254 = tpu.vector_load %arg9[%get3A_251, %get3A_252, %get3A_253] {strides = array<i32>} : memref<2x80x128xf32, #tpu.memory_space<vmem>>, vector<1x1x16xf32>,
      %get3A_255 = vector.shape_cast %get3A_254 : vector<1x1x16xf32> to vector<16xf32>
      %get3A_256 = arith.constant 0 : i32
      %get3A_257 = arith.index_cast %get3A_256 : i32 to index
      %get3A_258 = arith.index_cast %add3A_171 : i32 to index
      %get3A_259 = arith.constant 64 : index
      %get3A_260 = tpu.vector_load %arg10[%get3A_257, %get3A_258, %get3A_259] {strides = array<i32>} : memref<2x80x128xf32, #tpu.memory_space<vmem>>, vector<1x1x16xf32>,
      %get3A_261 = vector.shape_cast %get3A_260 : vector<1x1x16xf32> to vector<16xf32>
      %mul3A_262 = arith.mulf %get3A_255, %get3A_261 : vector<16xf32>
      %swap3A_263 = arith.constant 0 : i32
      %swap3A_264 = arith.index_cast %swap3A_263 : i32 to index
      %swap3A_265 = arith.index_cast %add3A_171 : i32 to index
      %swap3A_266 = arith.constant 64 : index
      %swap3A_267 = tpu.vector_load %arg9[%swap3A_264, %swap3A_265, %swap3A_266] {strides = array<i32>} : memref<2x80x128xf32, #tpu.memory_space<vmem>>, vector<1x1x16xf32>,
      %swap3A_268 = vector.shape_cast %swap3A_267 : vector<1x1x16xf32> to vector<16xf32>
      %swap3A_269 = vector.shape_cast %mul3A_262 : vector<16xf32> to vector<1x1x16xf32>
      tpu.vector_store %arg9[%swap3A_264, %swap3A_265, %swap3A_266], %swap3A_269 {strides = array<i32>} : memref<2x80x128xf32, #tpu.memory_space<vmem>>, vector<1x1x16xf32>,
      %get3A_270 = arith.constant 0 : i32
      %get3A_271 = arith.index_cast %get3A_270 : i32 to index
      %get3A_272 = arith.index_cast %add3A_171 : i32 to index
      %get3A_273 = arith.constant 80 : index
      %get3A_274 = tpu.vector_load %arg9[%get3A_271, %get3A_272, %get3A_273] {strides = array<i32>} : memref<2x80x128xf32, #tpu.memory_space<vmem>>, vector<1x1x16xf32>,
      %get3A_275 = vector.shape_cast %get3A_274 : vector<1x1x16xf32> to vector<16xf32>
      %get3A_276 = arith.constant 0 : i32
      %get3A_277 = arith.index_cast %get3A_276 : i32 to index
      %get3A_278 = arith.index_cast %add3A_171 : i32 to index
      %get3A_279 = arith.constant 80 : index
      %get3A_280 = tpu.vector_load %arg10[%get3A_277, %get3A_278, %get3A_279] {strides = array<i32>} : memref<2x80x128xf32, #tpu.memory_space<vmem>>, vector<1x1x16xf32>,
      %get3A_281 = vector.shape_cast %get3A_280 : vector<1x1x16xf32> to vector<16xf32>
      %mul3A_282 = arith.mulf %get3A_275, %get3A_281 : vector<16xf32>
      %swap3A_283 = arith.constant 0 : i32
      %swap3A_284 = arith.index_cast %swap3A_283 : i32 to index
      %swap3A_285 = arith.index_cast %add3A_171 : i32 to index
      %swap3A_286 = arith.constant 80 : index
      %swap3A_287 = tpu.vector_load %arg9[%swap3A_284, %swap3A_285, %swap3A_286] {strides = array<i32>} : memref<2x80x128xf32, #tpu.memory_space<vmem>>, vector<1x1x16xf32>,
      %swap3A_288 = vector.shape_cast %swap3A_287 : vector<1x1x16xf32> to vector<16xf32>
      %swap3A_289 = vector.shape_cast %mul3A_282 : vector<16xf32> to vector<1x1x16xf32>
      tpu.vector_store %arg9[%swap3A_284, %swap3A_285, %swap3A_286], %swap3A_289 {strides = array<i32>} : memref<2x80x128xf32, #tpu.memory_space<vmem>>, vector<1x1x16xf32>,
      %get3A_290 = arith.constant 0 : i32
      %get3A_291 = arith.index_cast %get3A_290 : i32 to index
      %get3A_292 = arith.index_cast %add3A_171 : i32 to index
      %get3A_293 = arith.constant 96 : index
      %get3A_294 = tpu.vector_load %arg9[%get3A_291, %get3A_292, %get3A_293] {strides = array<i32>} : memref<2x80x128xf32, #tpu.memory_space<vmem>>, vector<1x1x16xf32>,
      %get3A_295 = vector.shape_cast %get3A_294 : vector<1x1x16xf32> to vector<16xf32>
      %get3A_296 = arith.constant 0 : i32
      %get3A_297 = arith.index_cast %get3A_296 : i32 to index
      %get3A_298 = arith.index_cast %add3A_171 : i32 to index
      %get3A_299 = arith.constant 96 : index
      %get3A_300 = tpu.vector_load %arg10[%get3A_297, %get3A_298, %get3A_299] {strides = array<i32>} : memref<2x80x128xf32, #tpu.memory_space<vmem>>, vector<1x1x16xf32>,
      %get3A_301 = vector.shape_cast %get3A_300 : vector<1x1x16xf32> to vector<16xf32>
      %mul3A_302 = arith.mulf %get3A_295, %get3A_301 : vector<16xf32>
      %swap3A_303 = arith.constant 0 : i32
      %swap3A_304 = arith.index_cast %swap3A_303 : i32 to index
      %swap3A_305 = arith.index_cast %add3A_171 : i32 to index
      %swap3A_306 = arith.constant 96 : index
      %swap3A_307 = tpu.vector_load %arg9[%swap3A_304, %swap3A_305, %swap3A_306] {strides = array<i32>} : memref<2x80x128xf32, #tpu.memory_space<vmem>>, vector<1x1x16xf32>,
      %swap3A_308 = vector.shape_cast %swap3A_307 : vector<1x1x16xf32> to vector<16xf32>
      %swap3A_309 = vector.shape_cast %mul3A_302 : vector<16xf32> to vector<1x1x16xf32>
      tpu.vector_store %arg9[%swap3A_304, %swap3A_305, %swap3A_306], %swap3A_309 {strides = array<i32>} : memref<2x80x128xf32, #tpu.memory_space<vmem>>, vector<1x1x16xf32>,
      %get3A_310 = arith.constant 0 : i32
      %get3A_311 = arith.index_cast %get3A_310 : i32 to index
      %get3A_312 = arith.index_cast %add3A_171 : i32 to index
      %get3A_313 = arith.constant 112 : index
      %get3A_314 = tpu.vector_load %arg9[%get3A_311, %get3A_312, %get3A_313] {strides = array<i32>} : memref<2x80x128xf32, #tpu.memory_space<vmem>>, vector<1x1x16xf32>,
      %get3A_315 = vector.shape_cast %get3A_314 : vector<1x1x16xf32> to vector<16xf32>
      %get3A_316 = arith.constant 0 : i32
      %get3A_317 = arith.index_cast %get3A_316 : i32 to index
      %get3A_318 = arith.index_cast %add3A_171 : i32 to index
      %get3A_319 = arith.constant 112 : index
      %get3A_320 = tpu.vector_load %arg10[%get3A_317, %get3A_318, %get3A_319] {strides = array<i32>} : memref<2x80x128xf32, #tpu.memory_space<vmem>>, vector<1x1x16xf32>,
      %get3A_321 = vector.shape_cast %get3A_320 : vector<1x1x16xf32> to vector<16xf32>
      %mul3A_322 = arith.mulf %get3A_315, %get3A_321 : vector<16xf32>
      %swap3A_323 = arith.constant 0 : i32
      %swap3A_324 = arith.index_cast %swap3A_323 : i32 to index
      %swap3A_325 = arith.index_cast %add3A_171 : i32 to index
      %swap3A_326 = arith.constant 112 : index
      %swap3A_327 = tpu.vector_load %arg9[%swap3A_324, %swap3A_325, %swap3A_326] {strides = array<i32>} : memref<2x80x128xf32, #tpu.memory_space<vmem>>, vector<1x1x16xf32>,
      %swap3A_328 = vector.shape_cast %swap3A_327 : vector<1x1x16xf32> to vector<16xf32>
      %swap3A_329 = vector.shape_cast %mul3A_322 : vector<16xf32> to vector<1x1x16xf32>
      tpu.vector_store %arg9[%swap3A_324, %swap3A_325, %swap3A_326], %swap3A_329 {strides = array<i32>} : memref<2x80x128xf32, #tpu.memory_space<vmem>>, vector<1x1x16xf32>,
      %mul3A_330 = arith.constant 2 : i32
      %mul3A_331 = arith.muli %mul3A_330, %scan3A_166 : i32
      %add3A_332 = arith.constant 1 : i32
      %add3A_333 = arith.addi %mul3A_331, %add3A_332 : i32
      %get3A_334 = arith.constant 0 : i32
      %get3A_335 = arith.index_cast %get3A_334 : i32 to index
      %get3A_336 = arith.index_cast %add3A_333 : i32 to index
      %get3A_337 = arith.constant 0 : index
      %get3A_338 = tpu.vector_load %arg9[%get3A_335, %get3A_336, %get3A_337] {strides = array<i32>} : memref<2x80x128xf32, #tpu.memory_space<vmem>>, vector<1x1x16xf32>,
      %get3A_339 = vector.shape_cast %get3A_338 : vector<1x1x16xf32> to vector<16xf32>
      %get3A_340 = arith.constant 0 : i32
      %get3A_341 = arith.index_cast %get3A_340 : i32 to index
      %get3A_342 = arith.index_cast %add3A_333 : i32 to index
      %get3A_343 = arith.constant 0 : index
      %get3A_344 = tpu.vector_load %arg10[%get3A_341, %get3A_342, %get3A_343] {strides = array<i32>} : memref<2x80x128xf32, #tpu.memory_space<vmem>>, vector<1x1x16xf32>,
      %get3A_345 = vector.shape_cast %get3A_344 : vector<1x1x16xf32> to vector<16xf32>
      %mul3A_346 = arith.mulf %get3A_339, %get3A_345 : vector<16xf32>
      %swap3A_347 = arith.constant 0 : i32
      %swap3A_348 = arith.index_cast %swap3A_347 : i32 to index
      %swap3A_349 = arith.index_cast %add3A_333 : i32 to index
      %swap3A_350 = arith.constant 0 : index
      %swap3A_351 = tpu.vector_load %arg9[%swap3A_348, %swap3A_349, %swap3A_350] {strides = array<i32>} : memref<2x80x128xf32, #tpu.memory_space<vmem>>, vector<1x1x16xf32>,
      %swap3A_352 = vector.shape_cast %swap3A_351 : vector<1x1x16xf32> to vector<16xf32>
      %swap3A_353 = vector.shape_cast %mul3A_346 : vector<16xf32> to vector<1x1x16xf32>
      tpu.vector_store %arg9[%swap3A_348, %swap3A_349, %swap3A_350], %swap3A_353 {strides = array<i32>} : memref<2x80x128xf32, #tpu.memory_space<vmem>>, vector<1x1x16xf32>,
      %get3A_354 = arith.constant 0 : i32
      %get3A_355 = arith.index_cast %get3A_354 : i32 to index
      %get3A_356 = arith.index_cast %add3A_333 : i32 to index
      %get3A_357 = arith.constant 16 : index
      %get3A_358 = tpu.vector_load %arg9[%get3A_355, %get3A_356, %get3A_357] {strides = array<i32>} : memref<2x80x128xf32, #tpu.memory_space<vmem>>, vector<1x1x16xf32>,
      %get3A_359 = vector.shape_cast %get3A_358 : vector<1x1x16xf32> to vector<16xf32>
      %get3A_360 = arith.constant 0 : i32
      %get3A_361 = arith.index_cast %get3A_360 : i32 to index
      %get3A_362 = arith.index_cast %add3A_333 : i32 to index
      %get3A_363 = arith.constant 16 : index
      %get3A_364 = tpu.vector_load %arg10[%get3A_361, %get3A_362, %get3A_363] {strides = array<i32>} : memref<2x80x128xf32, #tpu.memory_space<vmem>>, vector<1x1x16xf32>,
      %get3A_365 = vector.shape_cast %get3A_364 : vector<1x1x16xf32> to vector<16xf32>
      %mul3A_366 = arith.mulf %get3A_359, %get3A_365 : vector<16xf32>
      %swap3A_367 = arith.constant 0 : i32
      %swap3A_368 = arith.index_cast %swap3A_367 : i32 to index
      %swap3A_369 = arith.index_cast %add3A_333 : i32 to index
      %swap3A_370 = arith.constant 16 : index
      %swap3A_371 = tpu.vector_load %arg9[%swap3A_368, %swap3A_369, %swap3A_370] {strides = array<i32>} : memref<2x80x128xf32, #tpu.memory_space<vmem>>, vector<1x1x16xf32>,
      %swap3A_372 = vector.shape_cast %swap3A_371 : vector<1x1x16xf32> to vector<16xf32>
      %swap3A_373 = vector.shape_cast %mul3A_366 : vector<16xf32> to vector<1x1x16xf32>
      tpu.vector_store %arg9[%swap3A_368, %swap3A_369, %swap3A_370], %swap3A_373 {strides = array<i32>} : memref<2x80x128xf32, #tpu.memory_space<vmem>>, vector<1x1x16xf32>,
      %get3A_374 = arith.constant 0 : i32
      %get3A_375 = arith.index_cast %get3A_374 : i32 to index
      %get3A_376 = arith.index_cast %add3A_333 : i32 to index
      %get3A_377 = arith.constant 32 : index
      %get3A_378 = tpu.vector_load %arg9[%get3A_375, %get3A_376, %get3A_377] {strides = array<i32>} : memref<2x80x128xf32, #tpu.memory_space<vmem>>, vector<1x1x16xf32>,
      %get3A_379 = vector.shape_cast %get3A_378 : vector<1x1x16xf32> to vector<16xf32>
      %get3A_380 = arith.constant 0 : i32
      %get3A_381 = arith.index_cast %get3A_380 : i32 to index
      %get3A_382 = arith.index_cast %add3A_333 : i32 to index
      %get3A_383 = arith.constant 32 : index
      %get3A_384 = tpu.vector_load %arg10[%get3A_381, %get3A_382, %get3A_383] {strides = array<i32>} : memref<2x80x128xf32, #tpu.memory_space<vmem>>, vector<1x1x16xf32>,
      %get3A_385 = vector.shape_cast %get3A_384 : vector<1x1x16xf32> to vector<16xf32>
      %mul3A_386 = arith.mulf %get3A_379, %get3A_385 : vector<16xf32>
      %swap3A_387 = arith.constant 0 : i32
      %swap3A_388 = arith.index_cast %swap3A_387 : i32 to index
      %swap3A_389 = arith.index_cast %add3A_333 : i32 to index
      %swap3A_390 = arith.constant 32 : index
      %swap3A_391 = tpu.vector_load %arg9[%swap3A_388, %swap3A_389, %swap3A_390] {strides = array<i32>} : memref<2x80x128xf32, #tpu.memory_space<vmem>>, vector<1x1x16xf32>,
      %swap3A_392 = vector.shape_cast %swap3A_391 : vector<1x1x16xf32> to vector<16xf32>
      %swap3A_393 = vector.shape_cast %mul3A_386 : vector<16xf32> to vector<1x1x16xf32>
      tpu.vector_store %arg9[%swap3A_388, %swap3A_389, %swap3A_390], %swap3A_393 {strides = array<i32>} : memref<2x80x128xf32, #tpu.memory_space<vmem>>, vector<1x1x16xf32>,
      %get3A_394 = arith.constant 0 : i32
      %get3A_395 = arith.index_cast %get3A_394 : i32 to index
      %get3A_396 = arith.index_cast %add3A_333 : i32 to index
      %get3A_397 = arith.constant 48 : index
      %get3A_398 = tpu.vector_load %arg9[%get3A_395, %get3A_396, %get3A_397] {strides = array<i32>} : memref<2x80x128xf32, #tpu.memory_space<vmem>>, vector<1x1x16xf32>,
      %get3A_399 = vector.shape_cast %get3A_398 : vector<1x1x16xf32> to vector<16xf32>
      %get3A_400 = arith.constant 0 : i32
      %get3A_401 = arith.index_cast %get3A_400 : i32 to index
      %get3A_402 = arith.index_cast %add3A_333 : i32 to index
      %get3A_403 = arith.constant 48 : index
      %get3A_404 = tpu.vector_load %arg10[%get3A_401, %get3A_402, %get3A_403] {strides = array<i32>} : memref<2x80x128xf32, #tpu.memory_space<vmem>>, vector<1x1x16xf32>,
      %get3A_405 = vector.shape_cast %get3A_404 : vector<1x1x16xf32> to vector<16xf32>
      %mul3A_406 = arith.mulf %get3A_399, %get3A_405 : vector<16xf32>
      %swap3A_407 = arith.constant 0 : i32
      %swap3A_408 = arith.index_cast %swap3A_407 : i32 to index
      %swap3A_409 = arith.index_cast %add3A_333 : i32 to index
      %swap3A_410 = arith.constant 48 : index
      %swap3A_411 = tpu.vector_load %arg9[%swap3A_408, %swap3A_409, %swap3A_410] {strides = array<i32>} : memref<2x80x128xf32, #tpu.memory_space<vmem>>, vector<1x1x16xf32>,
      %swap3A_412 = vector.shape_cast %swap3A_411 : vector<1x1x16xf32> to vector<16xf32>
      %swap3A_413 = vector.shape_cast %mul3A_406 : vector<16xf32> to vector<1x1x16xf32>
      tpu.vector_store %arg9[%swap3A_408, %swap3A_409, %swap3A_410], %swap3A_413 {strides = array<i32>} : memref<2x80x128xf32, #tpu.memory_space<vmem>>, vector<1x1x16xf32>,
      %get3A_414 = arith.constant 0 : i32
      %get3A_415 = arith.index_cast %get3A_414 : i32 to index
      %get3A_416 = arith.index_cast %add3A_333 : i32 to index
      %get3A_417 = arith.constant 64 : index
      %get3A_418 = tpu.vector_load %arg9[%get3A_415, %get3A_416, %get3A_417] {strides = array<i32>} : memref<2x80x128xf32, #tpu.memory_space<vmem>>, vector<1x1x16xf32>,
      %get3A_419 = vector.shape_cast %get3A_418 : vector<1x1x16xf32> to vector<16xf32>
      %get3A_420 = arith.constant 0 : i32
      %get3A_421 = arith.index_cast %get3A_420 : i32 to index
      %get3A_422 = arith.index_cast %add3A_333 : i32 to index
      %get3A_423 = arith.constant 64 : index
      %get3A_424 = tpu.vector_load %arg10[%get3A_421, %get3A_422, %get3A_423] {strides = array<i32>} : memref<2x80x128xf32, #tpu.memory_space<vmem>>, vector<1x1x16xf32>,
      %get3A_425 = vector.shape_cast %get3A_424 : vector<1x1x16xf32> to vector<16xf32>
      %mul3A_426 = arith.mulf %get3A_419, %get3A_425 : vector<16xf32>
      %swap3A_427 = arith.constant 0 : i32
      %swap3A_428 = arith.index_cast %swap3A_427 : i32 to index
      %swap3A_429 = arith.index_cast %add3A_333 : i32 to index
      %swap3A_430 = arith.constant 64 : index
      %swap3A_431 = tpu.vector_load %arg9[%swap3A_428, %swap3A_429, %swap3A_430] {strides = array<i32>} : memref<2x80x128xf32, #tpu.memory_space<vmem>>, vector<1x1x16xf32>,
      %swap3A_432 = vector.shape_cast %swap3A_431 : vector<1x1x16xf32> to vector<16xf32>
      %swap3A_433 = vector.shape_cast %mul3A_426 : vector<16xf32> to vector<1x1x16xf32>
      tpu.vector_store %arg9[%swap3A_428, %swap3A_429, %swap3A_430], %swap3A_433 {strides = array<i32>} : memref<2x80x128xf32, #tpu.memory_space<vmem>>, vector<1x1x16xf32>,
      %get3A_434 = arith.constant 0 : i32
      %get3A_435 = arith.index_cast %get3A_434 : i32 to index
      %get3A_436 = arith.index_cast %add3A_333 : i32 to index
      %get3A_437 = arith.constant 80 : index
      %get3A_438 = tpu.vector_load %arg9[%get3A_435, %get3A_436, %get3A_437] {strides = array<i32>} : memref<2x80x128xf32, #tpu.memory_space<vmem>>, vector<1x1x16xf32>,
      %get3A_439 = vector.shape_cast %get3A_438 : vector<1x1x16xf32> to vector<16xf32>
      %get3A_440 = arith.constant 0 : i32
      %get3A_441 = arith.index_cast %get3A_440 : i32 to index
      %get3A_442 = arith.index_cast %add3A_333 : i32 to index
      %get3A_443 = arith.constant 80 : index
      %get3A_444 = tpu.vector_load %arg10[%get3A_441, %get3A_442, %get3A_443] {strides = array<i32>} : memref<2x80x128xf32, #tpu.memory_space<vmem>>, vector<1x1x16xf32>,
      %get3A_445 = vector.shape_cast %get3A_444 : vector<1x1x16xf32> to vector<16xf32>
      %mul3A_446 = arith.mulf %get3A_439, %get3A_445 : vector<16xf32>
      %swap3A_447 = arith.constant 0 : i32
      %swap3A_448 = arith.index_cast %swap3A_447 : i32 to index
      %swap3A_449 = arith.index_cast %add3A_333 : i32 to index
      %swap3A_450 = arith.constant 80 : index
      %swap3A_451 = tpu.vector_load %arg9[%swap3A_448, %swap3A_449, %swap3A_450] {strides = array<i32>} : memref<2x80x128xf32, #tpu.memory_space<vmem>>, vector<1x1x16xf32>,
      %swap3A_452 = vector.shape_cast %swap3A_451 : vector<1x1x16xf32> to vector<16xf32>
      %swap3A_453 = vector.shape_cast %mul3A_446 : vector<16xf32> to vector<1x1x16xf32>
      tpu.vector_store %arg9[%swap3A_448, %swap3A_449, %swap3A_450], %swap3A_453 {strides = array<i32>} : memref<2x80x128xf32, #tpu.memory_space<vmem>>, vector<1x1x16xf32>,
      %get3A_454 = arith.constant 0 : i32
      %get3A_455 = arith.index_cast %get3A_454 : i32 to index
      %get3A_456 = arith.index_cast %add3A_333 : i32 to index
      %get3A_457 = arith.constant 96 : index
      %get3A_458 = tpu.vector_load %arg9[%get3A_455, %get3A_456, %get3A_457] {strides = array<i32>} : memref<2x80x128xf32, #tpu.memory_space<vmem>>, vector<1x1x16xf32>,
      %get3A_459 = vector.shape_cast %get3A_458 : vector<1x1x16xf32> to vector<16xf32>
      %get3A_460 = arith.constant 0 : i32
      %get3A_461 = arith.index_cast %get3A_460 : i32 to index
      %get3A_462 = arith.index_cast %add3A_333 : i32 to index
      %get3A_463 = arith.constant 96 : index
      %get3A_464 = tpu.vector_load %arg10[%get3A_461, %get3A_462, %get3A_463] {strides = array<i32>} : memref<2x80x128xf32, #tpu.memory_space<vmem>>, vector<1x1x16xf32>,
      %get3A_465 = vector.shape_cast %get3A_464 : vector<1x1x16xf32> to vector<16xf32>
      %mul3A_466 = arith.mulf %get3A_459, %get3A_465 : vector<16xf32>
      %swap3A_467 = arith.constant 0 : i32
      %swap3A_468 = arith.index_cast %swap3A_467 : i32 to index
      %swap3A_469 = arith.index_cast %add3A_333 : i32 to index
      %swap3A_470 = arith.constant 96 : index
      %swap3A_471 = tpu.vector_load %arg9[%swap3A_468, %swap3A_469, %swap3A_470] {strides = array<i32>} : memref<2x80x128xf32, #tpu.memory_space<vmem>>, vector<1x1x16xf32>,
      %swap3A_472 = vector.shape_cast %swap3A_471 : vector<1x1x16xf32> to vector<16xf32>
      %swap3A_473 = vector.shape_cast %mul3A_466 : vector<16xf32> to vector<1x1x16xf32>
      tpu.vector_store %arg9[%swap3A_468, %swap3A_469, %swap3A_470], %swap3A_473 {strides = array<i32>} : memref<2x80x128xf32, #tpu.memory_space<vmem>>, vector<1x1x16xf32>,
      %get3A_474 = arith.constant 0 : i32
      %get3A_475 = arith.index_cast %get3A_474 : i32 to index
      %get3A_476 = arith.index_cast %add3A_333 : i32 to index
      %get3A_477 = arith.constant 112 : index
      %get3A_478 = tpu.vector_load %arg9[%get3A_475, %get3A_476, %get3A_477] {strides = array<i32>} : memref<2x80x128xf32, #tpu.memory_space<vmem>>, vector<1x1x16xf32>,
      %get3A_479 = vector.shape_cast %get3A_478 : vector<1x1x16xf32> to vector<16xf32>
      %get3A_480 = arith.constant 0 : i32
      %get3A_481 = arith.index_cast %get3A_480 : i32 to index
      %get3A_482 = arith.index_cast %add3A_333 : i32 to index
      %get3A_483 = arith.constant 112 : index
      %get3A_484 = tpu.vector_load %arg10[%get3A_481, %get3A_482, %get3A_483] {strides = array<i32>} : memref<2x80x128xf32, #tpu.memory_space<vmem>>, vector<1x1x16xf32>,
      %get3A_485 = vector.shape_cast %get3A_484 : vector<1x1x16xf32> to vector<16xf32>
      %mul3A_486 = arith.mulf %get3A_479, %get3A_485 : vector<16xf32>
      %swap3A_487 = arith.constant 0 : i32
      %swap3A_488 = arith.index_cast %swap3A_487 : i32 to index
      %swap3A_489 = arith.index_cast %add3A_333 : i32 to index
      %swap3A_490 = arith.constant 112 : index
      %swap3A_491 = tpu.vector_load %arg9[%swap3A_488, %swap3A_489, %swap3A_490] {strides = array<i32>} : memref<2x80x128xf32, #tpu.memory_space<vmem>>, vector<1x1x16xf32>,
      %swap3A_492 = vector.shape_cast %swap3A_491 : vector<1x1x16xf32> to vector<16xf32>
      %swap3A_493 = vector.shape_cast %mul3A_486 : vector<16xf32> to vector<1x1x16xf32>
      tpu.vector_store %arg9[%swap3A_488, %swap3A_489, %swap3A_490], %swap3A_493 {strides = array<i32>} : memref<2x80x128xf32, #tpu.memory_space<vmem>>, vector<1x1x16xf32>,
      %scan3A_494 = arith.constant 0 : i32
      scf.yield %scan3A_494 : i32
    }
    %scan3A_156 = arith.constant 40 : i32
    %run_scoped3A = arith.constant 0 : i32
    %run_scoped3A_157 = arith.constant 0 : i32
    "tpu.region"() ({
      %run_scoped3A_166 = tpu.sem_alloc : memref<!tpu.dma_semaphore, #tpu.memory_space<semaphore_mem>>
      %dma_start3A_167 = arith.constant 0 : i32
      %dma_start3A_168 = arith.constant 0 : i32
      %dma_start3A_169 = tpu.memref_slice %arg9[%run_scoped3A, %dma_start3A_167, %dma_start3A_168] : memref<2x80x128xf32, #tpu.memory_space<vmem>> -> memref<1x80x128xf32, #tpu.memory_space<vmem>>
      %dma_start3A_170 = tpu.memref_squeeze %dma_start3A_169 : memref<1x80x128xf32, #tpu.memory_space<vmem>> -> memref<80x128xf32, #tpu.memory_space<vmem>>
      %dma_start3A_171 = arith.constant 0 : i32
      %dma_start3A_172 = tpu.memref_slice %arg8[%run_scoped3A_157, %dma_start3A_171] : memref<2x80xi32, #tpu.memory_space<vmem>> -> memref<1x80xi32, #tpu.memory_space<vmem>>
      %dma_start3A_173 = tpu.memref_squeeze %dma_start3A_172 : memref<1x80xi32, #tpu.memory_space<vmem>> -> memref<80xi32, #tpu.memory_space<vmem>>
      %dma_start3A_174 = arith.constant 0 : i32
      %dma_start3A_175 = arith.constant 0 : i32
      %dma_start3A_176 = tpu.memref_slice %arg11[%dma_start3A_174, %dma_start3A_175] : memref<10000x128xf32, #tpu.memory_space<vmem_shared>> -> memref<10000x128xf32, #tpu.memory_space<vmem_shared>>
      tpu.enqueue_indirect_dma source(%dma_start3A_170 : memref<80x128xf32, #tpu.memory_space<vmem>>) target(%dma_start3A_176 : memref<10000x128xf32, #tpu.memory_space<vmem_shared>>) offsets(%dma_start3A_173 : memref<80xi32, #tpu.memory_space<vmem>>) semaphore(%run_scoped3A_166 : memref<!tpu.dma_semaphore, #tpu.memory_space<semaphore_mem>>) {add = true}
      %dma_wait3A_177 = arith.constant 0 : i32
      %dma_wait3A_178 = arith.constant 0 : i32
      %dma_wait3A_179 = tpu.memref_slice %arg9[%run_scoped3A, %dma_wait3A_177, %dma_wait3A_178] : memref<2x80x128xf32, #tpu.memory_space<vmem>> -> memref<1x80x128xf32, #tpu.memory_space<vmem>>
      %dma_wait3A_180 = tpu.memref_squeeze %dma_wait3A_179 : memref<1x80x128xf32, #tpu.memory_space<vmem>> -> memref<80x128xf32, #tpu.memory_space<vmem>>
      %dma_wait3A_181 = arith.constant 0 : i32
      %dma_wait3A_182 = tpu.memref_slice %arg8[%run_scoped3A_157, %dma_wait3A_181] : memref<2x80xi32, #tpu.memory_space<vmem>> -> memref<1x80xi32, #tpu.memory_space<vmem>>
      %dma_wait3A_183 = tpu.memref_squeeze %dma_wait3A_182 : memref<1x80xi32, #tpu.memory_space<vmem>> -> memref<80xi32, #tpu.memory_space<vmem>>
      %dma_wait3A_184 = arith.constant 0 : i32
      %dma_wait3A_185 = arith.constant 0 : i32
      %dma_wait3A_186 = tpu.memref_slice %arg11[%dma_wait3A_184, %dma_wait3A_185] : memref<10000x128xf32, #tpu.memory_space<vmem_shared>> -> memref<10000x128xf32, #tpu.memory_space<vmem_shared>>
      tpu.wait_indirect_dma semaphore(%run_scoped3A_166 : memref<!tpu.dma_semaphore, #tpu.memory_space<semaphore_mem>>) src(%dma_wait3A_180 : memref<80x128xf32, #tpu.memory_space<vmem>>) dst(%dma_wait3A_186 : memref<10000x128xf32, #tpu.memory_space<vmem_shared>>)
      tpu.yield
    }) : () -> ()
    %barrier3A_158 = arith.constant 0 : index
    tpu.barrier barrier_id(%barrier3A_158)
    %scan3A_159 = arith.constant 0 : i32
    %scan3A_160 = arith.constant 0 : i32
    %scan3A_161 = arith.constant 8 : i32
    %scan3A_162 = arith.addi %scan3A_160, %scan3A_161 : i32
    %scan3A_163 = arith.constant 1 : i32
    %scan3A_164 = scf.for %scan3A_166 = %scan3A_160 to %scan3A_162 step %scan3A_163 iter_args(%scan3A_167 = %scan3A_159) -> (i32)  : i32 {
      %mul3A_168 = arith.constant 16 : i32
      %mul3A_169 = arith.muli %scan3A_166, %mul3A_168 : i32
      %add3A_170 = arith.addi %arg1, %mul3A_169 : i32
      %lt3A = arith.constant 125 : i32
      %lt3A_171 = arith.cmpi slt, %add3A_170, %lt3A : i32
      %convert_element_type3A = arith.extui %lt3A_171 : i1 to i32
      %cond3A = arith.constant 0 : i32
      %cond3A_172 = arith.cmpi ne, %convert_element_type3A, %cond3A : i32
      scf.if %cond3A_172 {
        %mul3A_174 = arith.constant 80 : i32
        %mul3A_175 = arith.muli %add3A_170, %mul3A_174 : i32
        %mul3A_176 = arith.constant 80 : i32
        %mul3A_177 = arith.muli %add3A_170, %mul3A_176 : i32
        "tpu.region"() ({
          %run_scoped3A_178 = tpu.sem_alloc : memref<!tpu.dma_semaphore, #tpu.memory_space<semaphore_mem>>
          %dma_start3A_179 = arith.constant 0 : i32
          %dma_start3A_180 = tpu.memref_slice %arg6[%arg0, %mul3A_177, %dma_start3A_179] : memref<2x10000x128xf32, #tpu.memory_space<hbm>> -> memref<1x80x128xf32, #tpu.memory_space<hbm>>
          %dma_start3A_181 = tpu.memref_squeeze %dma_start3A_180 : memref<1x80x128xf32, #tpu.memory_space<hbm>> -> memref<80x128xf32, #tpu.memory_space<hbm>>
          %dma_start3A_182 = arith.constant 0 : i32
          %dma_start3A_183 = tpu.memref_slice %arg11[%mul3A_175, %dma_start3A_182] : memref<10000x128xf32, #tpu.memory_space<vmem_shared>> -> memref<80x128xf32, #tpu.memory_space<vmem_shared>>
          tpu.enqueue_dma source(%dma_start3A_183 : memref<80x128xf32, #tpu.memory_space<vmem_shared>>) target(%dma_start3A_181 : memref<80x128xf32, #tpu.memory_space<hbm>>) target_semaphore(%run_scoped3A_178 : memref<!tpu.dma_semaphore, #tpu.memory_space<semaphore_mem>>)
          %dma_wait3A_184 = arith.constant 0 : i32
          %dma_wait3A_185 = tpu.memref_slice %arg6[%arg0, %mul3A_177, %dma_wait3A_184] : memref<2x10000x128xf32, #tpu.memory_space<hbm>> -> memref<1x80x128xf32, #tpu.memory_space<hbm>>
          %dma_wait3A_186 = tpu.memref_squeeze %dma_wait3A_185 : memref<1x80x128xf32, #tpu.memory_space<hbm>> -> memref<80x128xf32, #tpu.memory_space<hbm>>
          %dma_wait3A_187 = arith.constant 0 : i32
          %dma_wait3A_188 = tpu.memref_slice %arg11[%mul3A_175, %dma_wait3A_187] : memref<10000x128xf32, #tpu.memory_space<vmem_shared>> -> memref<80x128xf32, #tpu.memory_space<vmem_shared>>
          tpu.wait_dma2 semaphore(%run_scoped3A_178 : memref<!tpu.dma_semaphore, #tpu.memory_space<semaphore_mem>>) src(%dma_wait3A_188 : memref<80x128xf32, #tpu.memory_space<vmem_shared>>) dst(%dma_wait3A_186 : memref<80x128xf32, #tpu.memory_space<hbm>>)
          tpu.yield
        }) : () -> ()
      } else {
      }
      %scan3A_173 = arith.constant 0 : i32
      scf.yield %scan3A_173 : i32
    }
    %scan3A_165 = arith.constant 8 : i32
    return
  }
}

module attributes {stable_mosaic.version = 14 : i64} {
  func.func @_filt_body(%arg0: i32, %arg1: memref<8000x16xf32, #tpu.memory_space<vmem>>, %arg2: memref<8000x1xf32, #tpu.memory_space<vmem>>, %arg3: memref<16x128xf32, #tpu.memory_space<vmem>>, %arg4: memref<128xf32, #tpu.memory_space<vmem>>, %arg5: memref<128x128xf32, #tpu.memory_space<vmem>>, %arg6: memref<128xf32, #tpu.memory_space<vmem>>, %arg7: memref<8000x128xf32, #tpu.memory_space<vmem>>) attributes {dimension_semantics = [#tpu.dimension_semantics<arbitrary>], iteration_bounds = array<i64: 40>, scalar_prefetch = 0 : i64, scratch_operands = 0 : i64, tpu.core_type = #tpu.core_type<tc>, window_params = [{transform_indices = @transform_0, window_bounds = array<i64: 8000, 16>}, {transform_indices = @transform_1, window_bounds = array<i64: 8000, 1>}, {pipeline_mode = #tpu.pipeline_mode<synchronous>, transform_indices = @transform_2, window_bounds = array<i64: 16, 128>}, {pipeline_mode = #tpu.pipeline_mode<synchronous>, transform_indices = @transform_3, window_bounds = array<i64: 128>}, {pipeline_mode = #tpu.pipeline_mode<synchronous>, transform_indices = @transform_4, window_bounds = array<i64: 128, 128>}, {pipeline_mode = #tpu.pipeline_mode<synchronous>, transform_indices = @transform_5, window_bounds = array<i64: 128>}, {transform_indices = @transform_6, window_bounds = array<i64: 8000, 128>}]} {
    %get3A = arith.constant 0 : index
    %get3A_0 = arith.constant 0 : index
    %get3A_1 = vector.load %arg1[%get3A, %get3A_0] : memref<8000x16xf32, #tpu.memory_space<vmem>>, vector<8000x16xf32>
    %get3A_2 = arith.constant 0 : index
    %get3A_3 = arith.constant 0 : index
    %get3A_4 = vector.load %arg3[%get3A_2, %get3A_3] : memref<16x128xf32, #tpu.memory_space<vmem>>, vector<16x128xf32>
    %dot_general3A = arith.constant dense<0.000000e+00> : vector<8000x128xf32>
    %dot_general3A_5 = tpu.matmul %get3A_1, %get3A_4, %dot_general3A {dimension_numbers = #tpu.dot_dimension_numbers<[1], [0], [0], [1], [0, 0, 1, 1], [], []>, transpose_lhs_hint = false} : vector<8000x16xf32>, vector<16x128xf32>, vector<8000x128xf32> -> vector<8000x128xf32>
    %get3A_6 = arith.constant 0 : index
    %get3A_7 = vector.load %arg4[%get3A_6] : memref<128xf32, #tpu.memory_space<vmem>>, vector<128xf32>
    %broadcast_in_dim3A = vector.shape_cast %get3A_7 : vector<128xf32> to vector<1x128xf32>
    %add3A = vector.broadcast %broadcast_in_dim3A : vector<1x128xf32> to vector<8000x128xf32>
    %add3A_8 = arith.addf %dot_general3A_5, %add3A : vector<8000x128xf32>
    %custom_jvp_call3A = arith.constant 0.000000e+00 : f32
    %max3A = vector.broadcast %custom_jvp_call3A : f32 to vector<8000x128xf32>
    %max3A_9 = arith.maximumf %add3A_8, %max3A : vector<8000x128xf32>
    %sub3A = vector.broadcast %custom_jvp_call3A : f32 to vector<8000x128xf32>
    %sub3A_10 = arith.subf %add3A_8, %sub3A : vector<8000x128xf32>
    %ne3A = arith.cmpf one, %sub3A_10, %sub3A_10 : vector<8000x128xf32>
    %add3A_11 = vector.broadcast %custom_jvp_call3A : f32 to vector<8000x128xf32>
    %add3A_12 = arith.addf %add3A_8, %add3A_11 : vector<8000x128xf32>
    %abs3A = math.absf %sub3A_10 : vector<8000x128xf32>
    %neg3A = arith.constant 0.000000e+00 : f32
    %neg3A_13 = vector.broadcast %neg3A : f32 to vector<8000x128xf32>
    %neg3A_14 = arith.subf %neg3A_13, %abs3A : vector<8000x128xf32>
    %exp3A = math.exp %neg3A_14 : vector<8000x128xf32>
    %log1p3A = math.log1p %exp3A : vector<8000x128xf32>
    %add3A_15 = arith.addf %max3A_9, %log1p3A : vector<8000x128xf32>
    %select_n3A = arith.select %ne3A, %add3A_12, %add3A_15 : vector<8000x128xi1>, vector<8000x128xf32>
    %sub3A_16 = arith.constant 0.693147182 : f32
    %sub3A_17 = vector.broadcast %sub3A_16 : f32 to vector<8000x128xf32>
    %sub3A_18 = arith.subf %select_n3A, %sub3A_17 : vector<8000x128xf32>
    %get3A_19 = arith.constant 0 : index
    %get3A_20 = arith.constant 0 : index
    %get3A_21 = vector.load %arg5[%get3A_19, %get3A_20] : memref<128x128xf32, #tpu.memory_space<vmem>>, vector<128x128xf32>
    %dot_general3A_22 = arith.constant dense<0.000000e+00> : vector<8000x128xf32>
    %dot_general3A_23 = tpu.matmul %sub3A_18, %get3A_21, %dot_general3A_22 {dimension_numbers = #tpu.dot_dimension_numbers<[1], [0], [0], [1], [0, 0, 1, 1], [], []>, transpose_lhs_hint = false} : vector<8000x128xf32>, vector<128x128xf32>, vector<8000x128xf32> -> vector<8000x128xf32>
    %get3A_24 = arith.constant 0 : index
    %get3A_25 = vector.load %arg6[%get3A_24] : memref<128xf32, #tpu.memory_space<vmem>>, vector<128xf32>
    %broadcast_in_dim3A_26 = vector.shape_cast %get3A_25 : vector<128xf32> to vector<1x128xf32>
    %add3A_27 = vector.broadcast %broadcast_in_dim3A_26 : vector<1x128xf32> to vector<8000x128xf32>
    %add3A_28 = arith.addf %dot_general3A_23, %add3A_27 : vector<8000x128xf32>
    %get3A_29 = arith.constant 0 : index
    %get3A_30 = arith.constant 0 : index
    %get3A_31 = vector.load %arg2[%get3A_29, %get3A_30] : memref<8000x1xf32, #tpu.memory_space<vmem>>, vector<8000x1xf32>
    %mul3A = vector.broadcast %get3A_31 : vector<8000x1xf32> to vector<8000x128xf32>
    %mul3A_32 = arith.mulf %add3A_28, %mul3A : vector<8000x128xf32>
    %swap3A = arith.constant 0 : index
    %swap3A_33 = arith.constant 0 : index
    %swap3A_34 = vector.load %arg7[%swap3A, %swap3A_33] : memref<8000x128xf32, #tpu.memory_space<vmem>>, vector<8000x128xf32>
    tpu.vector_store %arg7[%swap3A, %swap3A_33], %mul3A_32 {strides = array<i32>} : memref<8000x128xf32, #tpu.memory_space<vmem>>, vector<8000x128xf32>,
    return
  }
  func.func @transform_0(%arg0: i32) -> (i32, i32) {
    %c0_i32 = arith.constant 0 : i32
    %c0_i32_0 = arith.constant 0 : i32
    return %arg0, %c0_i32 : i32, i32
  }
  func.func @transform_1(%arg0: i32) -> (i32, i32) {
    %c0_i32 = arith.constant 0 : i32
    %c0_i32_0 = arith.constant 0 : i32
    return %arg0, %c0_i32 : i32, i32
  }
  func.func @transform_2(%arg0: i32) -> (i32, i32) {
    %c0_i32 = arith.constant 0 : i32
    %c0_i32_0 = arith.constant 0 : i32
    %c0_i32_1 = arith.constant 0 : i32
    return %c0_i32, %c0_i32_0 : i32, i32
  }
  func.func @transform_3(%arg0: i32) -> i32 {
    %c0_i32 = arith.constant 0 : i32
    %c0_i32_0 = arith.constant 0 : i32
    return %c0_i32 : i32
  }
  func.func @transform_4(%arg0: i32) -> (i32, i32) {
    %c0_i32 = arith.constant 0 : i32
    %c0_i32_0 = arith.constant 0 : i32
    %c0_i32_1 = arith.constant 0 : i32
    return %c0_i32, %c0_i32_0 : i32, i32
  }
  func.func @transform_5(%arg0: i32) -> i32 {
    %c0_i32 = arith.constant 0 : i32
    %c0_i32_0 = arith.constant 0 : i32
    return %c0_i32 : i32
  }
  func.func @transform_6(%arg0: i32) -> (i32, i32) {
    %c0_i32 = arith.constant 0 : i32
    %c0_i32_0 = arith.constant 0 : i32
    return %arg0, %c0_i32 : i32, i32
  }
}

module attributes {stable_mosaic.version = 14 : i64} {
  func.func @_h_body(%arg0: i32, %arg1: memref<1000x128xf32, #tpu.memory_space<vmem>>, %arg2: memref<128x128xf32, #tpu.memory_space<vmem>>, %arg3: memref<1000x128xf32, #tpu.memory_space<vmem>>) attributes {dimension_semantics = [#tpu.dimension_semantics<arbitrary>], iteration_bounds = array<i64: 10>, scalar_prefetch = 0 : i64, scratch_operands = 0 : i64, tpu.core_type = #tpu.core_type<tc>, window_params = [{transform_indices = @transform_0, window_bounds = array<i64: 1000, 128>}, {pipeline_mode = #tpu.pipeline_mode<synchronous>, transform_indices = @transform_1, window_bounds = array<i64: 128, 128>}, {transform_indices = @transform_2, window_bounds = array<i64: 1000, 128>}]} {
    %get3A = arith.constant 0 : index
    %get3A_0 = arith.constant 0 : index
    %get3A_1 = vector.load %arg1[%get3A, %get3A_0] : memref<1000x128xf32, #tpu.memory_space<vmem>>, vector<1000x128xf32>
    %get3A_2 = arith.constant 0 : index
    %get3A_3 = arith.constant 0 : index
    %get3A_4 = vector.load %arg2[%get3A_2, %get3A_3] : memref<128x128xf32, #tpu.memory_space<vmem>>, vector<128x128xf32>
    %dot_general3A = arith.constant dense<0.000000e+00> : vector<1000x128xf32>
    %dot_general3A_5 = tpu.matmul %get3A_1, %get3A_4, %dot_general3A {dimension_numbers = #tpu.dot_dimension_numbers<[1], [0], [0], [1], [0, 0, 1, 1], [], []>, transpose_lhs_hint = false} : vector<1000x128xf32>, vector<128x128xf32>, vector<1000x128xf32> -> vector<1000x128xf32>
    %swap3A = arith.constant 0 : index
    %swap3A_6 = arith.constant 0 : index
    %swap3A_7 = vector.load %arg3[%swap3A, %swap3A_6] : memref<1000x128xf32, #tpu.memory_space<vmem>>, vector<1000x128xf32>
    tpu.vector_store %arg3[%swap3A, %swap3A_6], %dot_general3A_5 {strides = array<i32>} : memref<1000x128xf32, #tpu.memory_space<vmem>>, vector<1000x128xf32>,
    return
  }
  func.func @transform_0(%arg0: i32) -> (i32, i32) {
    %c0_i32 = arith.constant 0 : i32
    %c0_i32_0 = arith.constant 0 : i32
    return %arg0, %c0_i32 : i32, i32
  }
  func.func @transform_1(%arg0: i32) -> (i32, i32) {
    %c0_i32 = arith.constant 0 : i32
    %c0_i32_0 = arith.constant 0 : i32
    %c0_i32_1 = arith.constant 0 : i32
    return %c0_i32, %c0_i32_0 : i32, i32
  }
  func.func @transform_2(%arg0: i32) -> (i32, i32) {
    %c0_i32 = arith.constant 0 : i32
    %c0_i32_0 = arith.constant 0 : i32
    return %arg0, %c0_i32 : i32, i32
  }
}

module attributes {stable_mosaic.version = 14 : i64} {
  func.func @_out_body(%arg0: i32, %arg1: memref<2x1000x128xf32, #tpu.memory_space<vmem>>, %arg2: memref<128x128xf32, #tpu.memory_space<vmem>>, %arg3: memref<128xf32, #tpu.memory_space<vmem>>, %arg4: memref<128x128xf32, #tpu.memory_space<vmem>>, %arg5: memref<128xf32, #tpu.memory_space<vmem>>, %arg6: memref<1000x128xf32, #tpu.memory_space<vmem>>) attributes {dimension_semantics = [#tpu.dimension_semantics<arbitrary>], iteration_bounds = array<i64: 10>, scalar_prefetch = 0 : i64, scratch_operands = 0 : i64, tpu.core_type = #tpu.core_type<tc>, window_params = [{transform_indices = @transform_0, window_bounds = array<i64: 2, 1000, 128>}, {pipeline_mode = #tpu.pipeline_mode<synchronous>, transform_indices = @transform_1, window_bounds = array<i64: 128, 128>}, {pipeline_mode = #tpu.pipeline_mode<synchronous>, transform_indices = @transform_2, window_bounds = array<i64: 128>}, {pipeline_mode = #tpu.pipeline_mode<synchronous>, transform_indices = @transform_3, window_bounds = array<i64: 128, 128>}, {pipeline_mode = #tpu.pipeline_mode<synchronous>, transform_indices = @transform_4, window_bounds = array<i64: 128>}, {transform_indices = @transform_5, window_bounds = array<i64: 1000, 128>}]} {
    %get3A = arith.constant 0 : index
    %get3A_0 = arith.constant 0 : index
    %get3A_1 = arith.constant 0 : index
    %get3A_2 = vector.load %arg1[%get3A, %get3A_0, %get3A_1] : memref<2x1000x128xf32, #tpu.memory_space<vmem>>, vector<1x1000x128xf32>
    %get3A_3 = vector.shape_cast %get3A_2 : vector<1x1000x128xf32> to vector<1000x128xf32>
    %get3A_4 = arith.constant 1 : index
    %get3A_5 = arith.constant 0 : index
    %get3A_6 = arith.constant 0 : index
    %get3A_7 = vector.load %arg1[%get3A_4, %get3A_5, %get3A_6] : memref<2x1000x128xf32, #tpu.memory_space<vmem>>, vector<1x1000x128xf32>
    %get3A_8 = vector.shape_cast %get3A_7 : vector<1x1000x128xf32> to vector<1000x128xf32>
    %add3A = arith.addf %get3A_3, %get3A_8 : vector<1000x128xf32>
    %get3A_9 = arith.constant 0 : index
    %get3A_10 = arith.constant 0 : index
    %get3A_11 = vector.load %arg2[%get3A_9, %get3A_10] : memref<128x128xf32, #tpu.memory_space<vmem>>, vector<128x128xf32>
    %dot_general3A = arith.constant dense<0.000000e+00> : vector<1000x128xf32>
    %dot_general3A_12 = tpu.matmul %add3A, %get3A_11, %dot_general3A {dimension_numbers = #tpu.dot_dimension_numbers<[1], [0], [0], [1], [0, 0, 1, 1], [], []>, transpose_lhs_hint = false} : vector<1000x128xf32>, vector<128x128xf32>, vector<1000x128xf32> -> vector<1000x128xf32>
    %get3A_13 = arith.constant 0 : index
    %get3A_14 = vector.load %arg3[%get3A_13] : memref<128xf32, #tpu.memory_space<vmem>>, vector<128xf32>
    %broadcast_in_dim3A = vector.shape_cast %get3A_14 : vector<128xf32> to vector<1x128xf32>
    %add3A_15 = vector.broadcast %broadcast_in_dim3A : vector<1x128xf32> to vector<1000x128xf32>
    %add3A_16 = arith.addf %dot_general3A_12, %add3A_15 : vector<1000x128xf32>
    %custom_jvp_call3A = arith.constant 0.000000e+00 : f32
    %max3A = vector.broadcast %custom_jvp_call3A : f32 to vector<1000x128xf32>
    %max3A_17 = arith.maximumf %add3A_16, %max3A : vector<1000x128xf32>
    %sub3A = vector.broadcast %custom_jvp_call3A : f32 to vector<1000x128xf32>
    %sub3A_18 = arith.subf %add3A_16, %sub3A : vector<1000x128xf32>
    %ne3A = arith.cmpf one, %sub3A_18, %sub3A_18 : vector<1000x128xf32>
    %add3A_19 = vector.broadcast %custom_jvp_call3A : f32 to vector<1000x128xf32>
    %add3A_20 = arith.addf %add3A_16, %add3A_19 : vector<1000x128xf32>
    %abs3A = math.absf %sub3A_18 : vector<1000x128xf32>
    %neg3A = arith.constant 0.000000e+00 : f32
    %neg3A_21 = vector.broadcast %neg3A : f32 to vector<1000x128xf32>
    %neg3A_22 = arith.subf %neg3A_21, %abs3A : vector<1000x128xf32>
    %exp3A = math.exp %neg3A_22 : vector<1000x128xf32>
    %log1p3A = math.log1p %exp3A : vector<1000x128xf32>
    %add3A_23 = arith.addf %max3A_17, %log1p3A : vector<1000x128xf32>
    %select_n3A = arith.select %ne3A, %add3A_20, %add3A_23 : vector<1000x128xi1>, vector<1000x128xf32>
    %sub3A_24 = arith.constant 0.693147182 : f32
    %sub3A_25 = vector.broadcast %sub3A_24 : f32 to vector<1000x128xf32>
    %sub3A_26 = arith.subf %select_n3A, %sub3A_25 : vector<1000x128xf32>
    %get3A_27 = arith.constant 0 : index
    %get3A_28 = arith.constant 0 : index
    %get3A_29 = vector.load %arg4[%get3A_27, %get3A_28] : memref<128x128xf32, #tpu.memory_space<vmem>>, vector<128x128xf32>
    %dot_general3A_30 = arith.constant dense<0.000000e+00> : vector<1000x128xf32>
    %dot_general3A_31 = tpu.matmul %sub3A_26, %get3A_29, %dot_general3A_30 {dimension_numbers = #tpu.dot_dimension_numbers<[1], [0], [0], [1], [0, 0, 1, 1], [], []>, transpose_lhs_hint = false} : vector<1000x128xf32>, vector<128x128xf32>, vector<1000x128xf32> -> vector<1000x128xf32>
    %get3A_32 = arith.constant 0 : index
    %get3A_33 = vector.load %arg5[%get3A_32] : memref<128xf32, #tpu.memory_space<vmem>>, vector<128xf32>
    %broadcast_in_dim3A_34 = vector.shape_cast %get3A_33 : vector<128xf32> to vector<1x128xf32>
    %add3A_35 = vector.broadcast %broadcast_in_dim3A_34 : vector<1x128xf32> to vector<1000x128xf32>
    %add3A_36 = arith.addf %dot_general3A_31, %add3A_35 : vector<1000x128xf32>
    %swap3A = arith.constant 0 : index
    %swap3A_37 = arith.constant 0 : index
    %swap3A_38 = vector.load %arg6[%swap3A, %swap3A_37] : memref<1000x128xf32, #tpu.memory_space<vmem>>, vector<1000x128xf32>
    tpu.vector_store %arg6[%swap3A, %swap3A_37], %add3A_36 {strides = array<i32>} : memref<1000x128xf32, #tpu.memory_space<vmem>>, vector<1000x128xf32>,
    return
  }
  func.func @transform_0(%arg0: i32) -> (i32, i32, i32) {
    %c0_i32 = arith.constant 0 : i32
    %c0_i32_0 = arith.constant 0 : i32
    %c0_i32_1 = arith.constant 0 : i32
    return %c0_i32, %arg0, %c0_i32_0 : i32, i32, i32
  }
  func.func @transform_1(%arg0: i32) -> (i32, i32) {
    %c0_i32 = arith.constant 0 : i32
    %c0_i32_0 = arith.constant 0 : i32
    %c0_i32_1 = arith.constant 0 : i32
    return %c0_i32, %c0_i32_0 : i32, i32
  }
  func.func @transform_2(%arg0: i32) -> i32 {
    %c0_i32 = arith.constant 0 : i32
    %c0_i32_0 = arith.constant 0 : i32
    return %c0_i32 : i32
  }
  func.func @transform_3(%arg0: i32) -> (i32, i32) {
    %c0_i32 = arith.constant 0 : i32
    %c0_i32_0 = arith.constant 0 : i32
    %c0_i32_1 = arith.constant 0 : i32
    return %c0_i32, %c0_i32_0 : i32, i32
  }
  func.func @transform_4(%arg0: i32) -> i32 {
    %c0_i32 = arith.constant 0 : i32
    %c0_i32_0 = arith.constant 0 : i32
    return %c0_i32 : i32
  }
  func.func @transform_5(%arg0: i32) -> (i32, i32) {
    %c0_i32 = arith.constant 0 : i32
    %c0_i32_0 = arith.constant 0 : i32
    return %arg0, %c0_i32 : i32, i32
  }
}

</mosaic_0001>

<sc_bundles>
// kernel: kernel.6.cloned.1.call-start
scs
__scs_entry_jumppad:
0x0: {  	(pc) =	sbr.rel $0x88, $3  }
0x1: {  	(tag) =	ssettag $0x0;
	lr =	simm.s32 $0x1  }
0x2: {  	[smem:$0x3F93] =	sst lr;
	_ =	strace $0xD0000000  }
0x3: {  	_ = 	snop  }
0x4: {  	_ = 	snop  }
0x5: {  	_ = 	snop  }
0x6: {  	_ = 	snop  }
0x7: {  	_ = 	snop  }
__scs_overlays_trampoline_lowered:
0x8: {  	[smem:$0x3FA2] =	sst s0  }
0x9: {  	[smem:$0x3FA3] =	sst s1  }
0xa: {  	[smem:$0x3FA4] =	sst s2  }
0xb: {  	[smem:$0x3FA5] =	sst s3  }
0xc: {  	[smem:$0x3FA6] =	sst s4  }
0xd: {  	[smem:$0x3FA7] =	sst s5  }
0xe: {  	[smem:$0x3FA8] =	sst s6  }
0xf: {  	[smem:$0x3FA9] =	sst s7  }
0x10: {  	[smem:$0x3FAA] =	sst s8  }
0x11: {  	[smem:$0x3FAB] =	sst s9;
	s0 =	simm.s32 @!p0 $0x0  }
0x12: {  	s1 =	sld [smem:$0x3F91];
	s0 =	simm.s32 @p0 $0x1  }
0x13: {  	[smem:$0x3FAC] =	sst s0;
	s0 =	simm.s32 @!p1 $0x0  }
0x14: {  	s2 =	sld [smem:$0x3F90];
	s0 =	simm.s32 @p1 $0x1  }
0x15: {  	[smem:$0x3FAD] =	sst s0;
	s0 =	simm.s32 @!p2 $0x0  }
0x16: {  	s3 =	sld [smem:$0x3FDB];
	s0 =	simm.s32 @p2 $0x1  }
0x17: {  	s4 =	simm.s32 $0x1BF5;
	[smem:$0x3FAF] =	sst s0  }
0x18: {  	s0 =	sld [smem:$0x3F92];
	_ =	swait.ge [sflag:s4], $0x0  }
0x19: {  	s7 =	sld [smem:$0x3F93]  }
0x1a: {  	s8 =	sadd.s32 $0xFFFFE003, lr  }
0x1b: {  	s9 =	sadd.s32 $0xFFFFFEF7, lr;
	s5 =	simm.s32 $0xFFFFFFFF;
	p2 =	slt.u32 s8, $0xFFFFF086  }
0x1c: {  	p1 =	slt.u32 s9, $0xF7A;
	s5 =	simm.s32 @!p2 $0x0  }
0x1d: {  	s5 =	simm.s32 @p1 $0x1;
	p0 =	seq.s32 s7, s2  }
0x1e: {  	s7 =	smul.u32 @!p0 $0xF7A, s2;
	p2 =	seq.s32 @!p0 s5, $0x0  }
0x1f: {  	s9 =	smul.u32 $0xF7A, s1;
	s8 =	simm.s32 @!p0 $0x1BF5;
	p2 =	por !p2, p0  }
0x20: {  	[sflag:s8] =	ssyncset.s32 @!p0 $0xFFFFF086;
	s6 =	sadd.s32 @!p0 s3, s7;
	s7 =	simm.s32 @!p0 $0x108  }
0x21: {  	s3 =	sadd.s32 s3, s9;
	s6 =	sadd.s32 @!p0 $0x88, s6;
	s7 =	simm.s32 @p2 $0x1082  }
0x22: {  	[simem:s7], [sflag:s8] =	dma.local @!p0 [hbm:s6], $0xF7A  }
0x23: {  	s9 =	sor.u32 $0xD0000000, s2;
	s6 =	simm.s32 $0x108;
	_ =	swait.ge @!p0 [sflag:s8], $0x0  }
0x24: {  	s3 =	sadd.s32 $0x88, s3;
	s6 =	simm.s32 @!p1 $0x1082;
	[sflag:s4] =	ssyncset.s32 $0xFFFFF086  }
0x25: {  	[simem:s6], [sflag:s4] =	dma.local [hbm:s3], $0xF7A  }
0x26: {  	[smem:$0x3F93] =	sst s1;
	(tag) =	ssettag s2;
	_ =	strace s9  }
0x27: {  	s1 =	sld [smem:$0x3FA3]  }
0x28: {  	s2 =	sld [smem:$0x3FA4]  }
0x29: {  	s4 =	sld [smem:$0x3FA6]  }
0x2a: {  	p0 =	seq.s32 s5, $0x0;
	s5 =	sld [smem:$0x3FA7]  }
0x2b: {  	s6 =	sld [smem:$0x3FA8]  }
0x2c: {  	s7 =	sld [smem:$0x3FA9]  }
0x2d: {  	s3 =	simm.s32 $0x108;
	s8 =	sld [smem:$0x3FAA]  }
0x2e: {  	s3 =	simm.s32 @!p0 $0x1082;
	s9 =	sld [smem:$0x3FAB]  }
0x2f: {  	lr =	sadd.s32 s0, s3;
	s0 =	sld [smem:$0x3FA2]  }
0x30: {  	s3 =	sld [smem:$0x3FA5]  }
0x31: {  	[smem:$0x3FAE] =	sst s10  }
0x32: {  	s10 =	sld [smem:$0x3FAC];
	_ =	sdelay $0x3  }
0x33: {  	p0 =	seq.s32 s10, $0x1;
	s10 =	sld [smem:$0x3FAE];
	_ =	sdelay $0x3  }
0x34: {  	[smem:$0x3FAE] =	sst s10  }
0x35: {  	s10 =	sld [smem:$0x3FAD];
	_ =	sdelay $0x3  }
0x36: {  	p1 =	seq.s32 s10, $0x1;
	s10 =	sld [smem:$0x3FAE];
	_ =	sdelay $0x3  }
0x37: {  	[smem:$0x3FAE] =	sst s10  }
0x38: {  	s10 =	sld [smem:$0x3FAF]  }
0x39: {  	_ = 	snop;
	(pc) =	sbr.ind lr, $3  }
0x3a: {  	_ = 	snop  }
0x3b: {  	_ = 	snop  }
0x3c: {  	p2 =	seq.s32 s10, $0x1;
	s10 =	sld [smem:$0x3FAE]  }
0x3d: {  	_ =	shalt  }
0x3e: {  	_ =	shalt  }
0x3f: {  	_ =	shalt  }
0x40: {  	_ =	shalt  }
0x41: {  	_ =	shalt  }
0x42: {  	_ =	shalt  }
0x43: {  	_ =	shalt  }
0x44: {  	_ =	shalt  }
0x45: {  	_ =	shalt  }
0x46: {  	_ =	shalt  }
0x47: {  	_ =	shalt  }
0x48: {  	_ =	shalt  }
0x49: {  	_ =	shalt  }
0x4a: {  	_ =	shalt  }
0x4b: {  	_ =	shalt  }
0x4c: {  	_ =	shalt  }
0x4d: {  	_ =	shalt  }
0x4e: {  	_ =	shalt  }
0x4f: {  	_ =	shalt  }
0x50: {  	_ =	shalt  }
0x51: {  	_ =	shalt  }
0x52: {  	_ =	shalt  }
0x53: {  	_ =	shalt  }
0x54: {  	_ =	shalt  }
0x55: {  	_ =	shalt  }
0x56: {  	_ =	shalt  }
0x57: {  	_ =	shalt  }
0x58: {  	_ =	shalt  }
0x59: {  	_ =	shalt  }
0x5a: {  	_ =	shalt  }
0x5b: {  	_ =	shalt  }
0x5c: {  	_ =	shalt  }
0x5d: {  	_ =	shalt  }
0x5e: {  	_ =	shalt  }
0x5f: {  	_ =	shalt  }
0x60: {  	_ =	shalt  }
0x61: {  	_ =	shalt  }
0x62: {  	_ =	shalt  }
0x63: {  	_ =	shalt  }
0x64: {  	_ =	shalt  }
0x65: {  	_ =	shalt  }
0x66: {  	_ =	shalt  }
0x67: {  	_ =	shalt  }
0x68: {  	_ =	shalt  }
0x69: {  	_ =	shalt  }
0x6a: {  	_ =	shalt  }
0x6b: {  	_ =	shalt  }
0x6c: {  	_ =	shalt  }
0x6d: {  	_ =	shalt  }
0x6e: {  	_ =	shalt  }
0x6f: {  	_ =	shalt  }
0x70: {  	_ =	shalt  }
0x71: {  	_ =	shalt  }
0x72: {  	_ =	shalt  }
0x73: {  	_ =	shalt  }
0x74: {  	_ =	shalt  }
0x75: {  	_ =	shalt  }
0x76: {  	_ =	shalt  }
0x77: {  	_ =	shalt  }
0x78: {  	_ =	shalt  }
0x79: {  	_ =	shalt  }
0x7a: {  	_ =	shalt  }
0x7b: {  	_ =	shalt  }
0x7c: {  	_ =	shalt  }
0x7d: {  	_ =	shalt  }
0x7e: {  	_ =	shalt  }
0x7f: {  	_ =	shalt  }
0x80: {  	_ =	shalt  }
0x81: {  	_ =	shalt  }
0x82: {  	_ =	shalt  }
0x83: {  	_ =	shalt  }
0x84: {  	_ =	shalt  }
0x85: {  	_ =	shalt  }
0x86: {  	_ =	shalt  }
0x87: {  	_ =	shalt  }
.Lfunc_end0:
.L_simem_size_0:
called_computation_lowered:
.L_overlay_start_0:
0x88: {  	s2 =	sld [smem:$0x3FD9]  }
0x89: {  	s3 =	sld [smem:$0x3FFE];
	_ =	sdelay $0x1  }
0x8a: {  	s1 =	srdreg.scid  }
0x8b: {  	s0 =	sand.u32 $0x1, s1  }
0x8c: {  	s17 =	sshll.u32 s0, $0xA;
	s2 =	sadd.s32 s3, s2  }
0x8d: {  	s2 =	sadd.s32 s2, s17  }
0x8e: {  	[smem:$0x3FBA] =	sst s2  }
0x8f: {  	_ = 	snop  }
0x90: {  	s2 =	sld [smem:$0x3FC7]  }
0x91: {  	s18 =	sld [smem:$0x3FC6]  }
0x92: {  	s4 =	sld [smem:$0x3FD0];
	(tm) =	ssettm $0x1  }
0x93: {  	s5 =	sld [smem:$0x3FFB];
	_ =	sdelay $0x3  }
0x94: {  	_ =	strace s5  }
0x95: {  	s5 =	sld [smem:$0x3FFC];
	_ =	sdelay $0x3  }
0x96: {  	_ =	strace s5  }
0x97: {  	s5 =	sld [smem:$0x3FFD];
	_ =	sdelay $0x3  }
0x98: {  	_ =	strace s5  }
0x99: {  	_ =	strace $0x8FFFFFFF  }
0x9a: {  	s19 =	sld [smem:$0x3FDB];
	_ =	sdelay $0x1  }
0x9b: {  	s6 =	simm.s32 $_scs_section_size  }
0x9c: {  	s7 =	simm.s32 $_size__tile_overlayer_lowered;
	s8 =	simm.s32 $_tile_overlayer_lowered  }
0x9d: {  	s22 =	simm.s32 $0x1BFF;
	s21 =	sshll.u32 s8, $0x1;
	s5 =	sadd.s32 s6, s19  }
0x9e: {  	s9 =	simm.s32 $0x0;
	s20 =	sshll.u32 s7, $0x1;
	s7 =	sadd.s32 s21, s5  }
0x9f: {  	[timem:s9], [sflag:s22] =	dma.local [hbm:s7], s20  }
0xa0: {  	_ =	swait.ge [sflag:s22], s20  }
0xa1: {  	s6 =	ssub.s32 $0x0, s20;
	[sflag:s22] =	ssyncset.done $0x0  }
0xa2: {  	[sflag:s22] =	ssyncadd.s32 s6;
	_ =	sdelay $0x1  }
0xa3: {  	s23 =	simm.s32 $0x1B8B  }
0xa4: {  	_ =	swait.ge [sflag:s23], $0x1  }
0xa5: {  	[sflag:s23] =	ssyncset.done $0x0  }
0xa6: {  	s25 =	simm.s32 $0x1B8E;
	s24 =	sld [smem:$0x3FFE];
	[sflag:s23] =	ssyncadd.s32 $0xFFFFFFFF  }
0xa7: {  	s26 =	simm.s32 $execute0_lowered;
	[smem:$0x3FD2] =	sst s25  }
0xa8: {  	s7 =	sshll.u32 s26, $0x1;
	_ =	strace $0x80000046;
	[dreg:$0x1] =	wrdreg $0xFFFFFFFF  }
0xa9: {  	s28 =	simm.s32 $_size_execute0_lowered;
	s5 =	sadd.s32 s5, s7;
	[dreg:$0x0] =	wrdreg $0x0  }
0xaa: {  	s7 =	sshll.u32 s28, $0x1;
	[dreg:$0x2] =	wrdreg s5  }
0xab: {  	[dreg:$0x3] =	wrdreg s7  }
0xac: {  	[dreg:$0x4] =	wrdreg $0xC0  }
0xad: {  	_ =	task [dreg:s9], $0x5FFFF  }
0xae: {  	[dreg:$0x1] =	wrdreg $0xFFFFFFFF  }
0xaf: {  	[dreg:$0x0] =	wrdreg $0x60  }
0xb0: {  	[dreg:$0x2] =	wrdreg s4  }
0xb1: {  	[dreg:$0x3] =	wrdreg s24  }
0xb2: {  	[dreg:$0x4] =	wrdreg s2  }
0xb3: {  	[dreg:$0x5] =	wrdreg s18  }
0xb4: {  	[dreg:$0x6] =	wrdreg $0xA2000  }
0xb5: {  	[dreg:$0x7] =	wrdreg $0x9  }
0xb6: {  	_ =	task.clear_ibuf [dreg:s9], $0x8FFFF;
	_ =	strace $0x90000046  }
0xb7: {  	s29 =	simm.s32 $0x9;
	_ =	strace $0x80000048  }
0xb8: {  	_ =	swait.ge [sflag:s29], $0x1  }
0xb9: {  	[sflag:s29] =	ssyncadd.s32 $0xFFFFFFFF  }
0xba: {  	_ =	strace $0x90000048  }
0xbb: {  	_ =	sfence  }
0xbc: {  	s30 =	sld [smem:$0x0];
	_ =	sdelay $0x2  }
0xbd: {  	s31 =	sshll.u32 s1, $0xD;
	s1 =	sshrl.u32 s1, $0x2  }
0xbe: {  	s3 =	sand.u32 $0x4000, s31;
	s1 =	sadd.s32 s1, s30  }
0xbf: {  	s0 =	sor.u32 s3, s0;
	s1 =	sshll.u32 s1, $0x11  }
0xc0: {  	s0 =	sor.u32 s1, s0  }
0xc1: {  	s0 =	sadd.s32 $0x8F2B, s0  }
0xc2: {  	[sflag:s0] =	ssyncadd.remote.s32 $0x1  }
0xc3: {  	_ =	sfence.sel $0xFFFF  }
0xc4: {  	[dreg:$0x0] =	wrdreg $0xFFFFFFFF;
	(pc) =	sbr.abs _section_cstart, $3  }
0xc5: {  	[dreg:$0x1] =	wrdreg $0xFFFFFFFF  }
0xc6: {  	_ =	task.clear_ibuf [dreg:s9], $0x2FFFF;
	_ =	strace $0x9FFFFFFF  }
0xc7: {  	(tm) =	ssettm $0x7FFFFFFF  }
tec
execute0_lowered:
.L_overlay_start_1:
0x0: {  	(tag) =	ssettag $0x1  }
0x1: {  	s1 =	rddreg [dreg:$0x0]  }
0x2: {  	s0 =	rddreg [dreg:$0x1]  }
0x3: {  	s2 =	rddreg [dreg:$0x2]  }
0x4: {  	s3 =	rddreg [dreg:$0x3]  }
0x5: {  	s5 =	srdreg.scid;
	s24 =	stileid.u32  }
0x6: {  	s4 =	rddreg [dreg:$0x4];
	s5 =	sand.u32 $0x1, s5;
	s10 =	smul.u32 $0x2800, s24  }
0x7: {  	s6 =	simm.s32 $0x0;
	s9 =	sor.u32 $0x10, s24;
	s7 =	smul.u32 $0x138800, s5  }
0x8: {  	[smem:$0x7FF] =	sst s6;
	s12 =	sor.u32 $0x20, s24;
	s13 =	smul.u32 $0x2800, s9  }
0x9: {  	s15 =	sshll.u32 s24, $0x1;
	s16 =	sor.u32 $0x40, s24;
	s14 =	smul.u32 $0x2800, s12  }
0xa: {  	s18 =	sor.u32 $0x50, s24;
	s19 =	sor.u32 $0x60, s24;
	s31 =	smul.u32 $0x2800, s16  }
0xb: {  	s20 =	sor.u32 $0x70, s24;
	s25 =	sadd.s32 $0x1E00, s0;
	s21 =	smul.u32 $0x2800, s18  }
0xc: {  	s8 =	ssub.s32 $0x2, s5;
	s5 =	sor.u32 s5, s15;
	s22 =	smul.u32 $0x2800, s19  }
0xd: {  	s23 =	smul.u32 $0x2800, s20;
	p0 =	sgt.u32 s20, $0x7C;
	s11 =	sshrl.u32 s8, $0x1  }
0xe: {  	s8 =	ssub.s32 s8, s11;
	s11 =	sor.u32 $0x30, s24;
	s10 =	sadd.s32 s7, s10  }
0xf: {  	s13 =	sadd.s32 s7, s13;
	s14 =	sadd.s32 s7, s14;
	s15 =	sadd.s32 s7, s31  }
0x10: {  	s21 =	sadd.s32 s7, s21;
	s22 =	sadd.s32 s7, s22;
	s17 =	smul.u32 $0x2800, s11  }
0x11: {  	s10 =	sshrl.u32 s10, $0x3;
	s26 =	sshrl.u32 s13, $0x3;
	s31 =	sshrl.u32 s14, $0x3  }
0x12: {  	s15 =	sshrl.u32 s15, $0x3;
	s22 =	sshrl.u32 s22, $0x3;
	s8 =	smax.u32 s8, $0x1  }
0x13: {  	s10 =	sadd.s32 s25, s10;
	s13 =	sadd.s32 s25, s31;
	s17 =	sadd.s32 s7, s17  }
0x14: {  	s7 =	sadd.s32 s7, s23;
	[dreg:$0x6] =	wrdreg s10;
	s10 =	sadd.s32 s25, s26  }
0x15: {  	[dreg:$0x8] =	wrdreg s13;
	s13 =	smul.u32 $0xA000, s16;
	s14 =	sshrl.u32 s17, $0x3  }
0x16: {  	[dreg:$0x7] =	wrdreg s10;
	s17 =	sshrl.u32 s21, $0x3;
	s10 =	sadd.s32 s25, s14  }
0x17: {  	s7 =	sshrl.u32 s7, $0x3;
	s21 =	sadd.s32 s25, s17;
	[dreg:$0x9] =	wrdreg s10  }
0x18: {  	s7 =	sadd.s32 s25, s7;
	[dreg:$0xb] =	wrdreg s21;
	s21 =	smul.u32 $0xA000, s9  }
0x19: {  	s10 =	sadd.s32 s25, s15;
	[dreg:$0xd] =	wrdreg s7;
	s9 =	smul.u32 $0xA000, s24  }
0x1a: {  	[dreg:$0xa] =	wrdreg s10;
	s10 =	sadd.s32 s25, s22;
	s25 =	smul.u32 $0x27100, s5  }
0x1b: {  	s15 =	sadd.s32 $0x9C5E00, s0;
	[dreg:$0xc] =	wrdreg s10;
	s10 =	smul.u32 $0x2710, s5  }
0x1c: {  	s7 =	simm.s32 $0x200;
	_ =	strace $0x80000047;
	s0 =	sadd.s32 s15, s25  }
0x1d: {  	[dreg:$0x14] =	wrdreg s8;
	s8 =	simm.s32 $0x9;
	s26 =	sshrl.u32 s10, $0x3  }
0x1e: {  	s31 =	sadd.s32 $0x50, s10;
	[dreg:$0x10] =	wrdreg s0;
	s22 =	sadd.s32 $0xA0, s10  }
0x1f: {  	s23 =	sadd.s32 $0xF0, s10;
	s0 =	sshrl.u32 s21, $0x2;
	s10 =	simm.s32 $0x5200  }
0x20: {  	s14 =	sadd.s32 s3, s26;
	s5 =	sadd.s32 s2, s26;
	s17 =	sshrl.u32 s31, $0x3  }
0x21: {  	s26 =	sshll.u32 s31, $0x4;
	s31 =	smul.u32 $0xA000, s12;
	[dreg:$0xe] =	wrdreg s14  }
0x22: {  	s12 =	smul.u32 $0xA000, s11;
	s29 =	sadd.s32 s0, s4;
	[dreg:$0xf] =	wrdreg s5  }
0x23: {  	s25 =	sadd.s32 s3, s17;
	s14 =	smul.u32 $0xA000, s18;
	[dreg:$0x16] =	wrdreg s29  }
0x24: {  	s5 =	sadd.s32 s2, s17;
	s18 =	smul.u32 $0xA000, s19;
	[dreg:$0x11] =	wrdreg s25  }
0x25: {  	s11 =	simm.s32 $0x80;
	s19 =	smul.u32 $0xA000, s20;
	[dreg:$0x12] =	wrdreg s5  }
0x26: {  	s5 =	sadd.s32 s15, s26;
	s16 =	sshrl.u32 s31, $0x2;
	s17 =	sshrl.u32 s12, $0x2  }
0x27: {  	s12 =	simm.s32 $0x180;
	[dreg:$0x13] =	wrdreg s5;
	s5 =	sshrl.u32 s9, $0x2  }
0x28: {  	s9 =	sshrl.u32 s13, $0x2;
	s30 =	sadd.s32 s16, s4;
	s20 =	sadd.s32 s17, s4  }
0x29: {  	s0 =	sshrl.u32 s14, $0x2;
	s24 =	sshrl.u32 s18, $0x2;
	s25 =	sshrl.u32 s19, $0x2  }
0x2a: {  	s14 =	simm.s32 $0x1;
	s16 =	simm.s32 $0x50;
	s17 =	simm.s32 $0x7  }
0x2b: {  	s18 =	simm.s32 $0x2;
	s19 =	simm.s32 $0x2A00;
	[dreg:$0x18] =	wrdreg s20  }
0x2c: {  	s13 =	simm.s32 $0x0;
	s21 =	sadd.s32 s9, s4;
	[dreg:$0x17] =	wrdreg s30  }
0x2d: {  	s28 =	sadd.s32 s5, s4;
	s0 =	sadd.s32 s0, s4;
	[dreg:$0x19] =	wrdreg s21  }
0x2e: {  	s26 =	sadd.s32 s24, s4;
	s31 =	sadd.s32 s25, s4;
	[dreg:$0x1a] =	wrdreg s0  }
0x2f: {  	s9 =	simm.s32 $0x100;
	s20 =	simm.s32 $0x5;
	[dreg:$0x1b] =	wrdreg s26  }
0x30: {  	s24 =	simm.s32 $0x8;
	s25 =	simm.s32 $0x6;
	[dreg:$0x1c] =	wrdreg s31  }
0x31: {  	v0 =	vimm.f32 $0.0e+00;
	s21 =	simm.s32 $0x3;
	s26 =	simm.s32 $0x4;
	[dreg:$0x15] =	wrdreg s28  }
.LBB2_1:
0x32: {  	s0 =	simm.s32 $0x0;
	s5 =	simm.s32 $0x200  }
.LBB2_2:
0x33: {  	p1 =	sne.s32 s5, $0x9E00;
	[tilespmem:s0+$0x270] =	vst v0  }
0x34: {  	[tilespmem:s0+$0x200] =	vst v0  }
0x35: {  	[tilespmem:s0+$0x210] =	vst v0  }
.Ltmp0:
0x36: {  	[tilespmem:s0+$0x220] =	vst v0;
	(pc) =	sbr.rel @p1 .LBB2_2-.Ltmp0, $4  }
0x37: {  	[tilespmem:s0+$0x230] =	vst v0  }
0x38: {  	[tilespmem:s0+$0x240] =	vst v0  }
0x39: {  	[tilespmem:s0+$0x250] =	vst v0  }
0x3a: {  	[tilespmem:s0+$0x260] =	vst v0;
	s0 =	sshra.s32 s5, $0x2;
	s5 =	sadd.s32 $0x200, s5  }
0x3b: {  	[tilespmem:s0+$0x270] =	vst v0  }
0x3c: {  	[tilespmem:s0+$0x200] =	vst v0  }
0x3d: {  	[tilespmem:s0+$0x210] =	vst v0  }
0x3e: {  	[tilespmem:s0+$0x220] =	vst v0  }
0x3f: {  	[tilespmem:s0+$0x230] =	vst v0  }
0x40: {  	[tilespmem:s0+$0x240] =	vst v0  }
0x41: {  	[tilespmem:s0+$0x250] =	vst v0  }
0x42: {  	[dreg:$0x1d] =	wrdreg s13;
	[tilespmem:s0+$0x260] =	vst v0  }
0x43: {  	[spmem:s28] =	stream.linear.scatter [tilespmem:s7], [sflag:$0x9], $0x2800, $0x38;
	[tilespmem:$0x1DA80] =	vst v63  }
0x44: {  	_ =	swait.ge [sflag:s8], $0x2800  }
0x45: {  	[sflag:s8] =	ssyncset.done $0x0  }
0x46: {  	[sflag:s8] =	ssyncadd.s32 $0xFFFFD800  }
0x47: {  	[spmem:s29] =	stream.linear.scatter [tilespmem:s7], [sflag:$0x9], $0x2800, $0x38;
	[tilespmem:$0x1DA80] =	vst v63  }
0x48: {  	_ =	swait.ge [sflag:s8], $0x2800  }
0x49: {  	[sflag:s8] =	ssyncset.done $0x0  }
0x4a: {  	[sflag:s8] =	ssyncadd.s32 $0xFFFFD800  }
0x4b: {  	[spmem:s30] =	stream.linear.scatter [tilespmem:s7], [sflag:$0x9], $0x2800, $0x38;
	[tilespmem:$0x1DA80] =	vst v63  }
0x4c: {  	_ =	swait.ge [sflag:s8], $0x2800  }
0x4d: {  	[sflag:s8] =	ssyncset.done $0x0  }
0x4e: {  	s31 =	rddreg [dreg:$0x18];
	[sflag:s8] =	ssyncadd.s32 $0xFFFFD800  }
0x4f: {  	[spmem:s31] =	stream.linear.scatter [tilespmem:s7], [sflag:$0x9], $0x2800, $0x38;
	[tilespmem:$0x1DA80] =	vst v63  }
0x50: {  	_ =	swait.ge [sflag:s8], $0x2800  }
0x51: {  	[sflag:s8] =	ssyncset.done $0x0  }
0x52: {  	s5 =	rddreg [dreg:$0x19];
	[sflag:s8] =	ssyncadd.s32 $0xFFFFD800  }
0x53: {  	[spmem:s5] =	stream.linear.scatter [tilespmem:s7], [sflag:$0x9], $0x2800, $0x38;
	[tilespmem:$0x1DA80] =	vst v63  }
0x54: {  	_ =	swait.ge [sflag:s8], $0x2800  }
0x55: {  	[sflag:s8] =	ssyncset.done $0x0  }
0x56: {  	s13 =	rddreg [dreg:$0x1a];
	[sflag:s8] =	ssyncadd.s32 $0xFFFFD800  }
0x57: {  	[spmem:s13] =	stream.linear.scatter [tilespmem:s7], [sflag:$0x9], $0x2800, $0x38;
	[tilespmem:$0x1DA80] =	vst v63  }
0x58: {  	_ =	swait.ge [sflag:s8], $0x2800  }
0x59: {  	[sflag:s8] =	ssyncset.done $0x0  }
0x5a: {  	s28 =	rddreg [dreg:$0x1b];
	[sflag:s8] =	ssyncadd.s32 $0xFFFFD800  }
0x5b: {  	[spmem:s28] =	stream.linear.scatter [tilespmem:s7], [sflag:$0x9], $0x2800, $0x38;
	[tilespmem:$0x1DA80] =	vst v63  }
0x5c: {  	_ =	swait.ge [sflag:s8], $0x2800  }
0x5d: {  	[sflag:s8] =	ssyncset.done $0x0  }
0x5e: {  	s0 =	simm.s32 @!p0 $0x200;
	s5 =	rddreg [dreg:$0x1c];
	[sflag:s8] =	ssyncadd.s32 $0xFFFFD800  }
0x5f: {  	[spmem:s5] =	stream.linear.scatter @!p0 [tilespmem:s0], [sflag:$0x9], $0x2800, $0x38;
	[tilespmem:$0x1DA80] =	vst v63  }
0x60: {  	s0 =	simm.s32 @!p0 $0x9  }
0x61: {  	_ =	swait.ge @!p0 [sflag:s0], $0x2800  }
0x62: {  	[sflag:s0] =	ssyncset.done @!p0 $0x0  }
0x63: {  	[sflag:s0] =	ssyncadd.s32 @!p0 $0xFFFFD800  }
0x64: {  	[bflag:$0x0] =	sbarrier.arrive $0xFFFF  }
0x65: {  	s29 =	simm.s32 $0x0;
	s30 =	rddreg [dreg:$0xe]  }
0x66: {  	[tilespmem:s29], [sflag:$0x1] =	stream.linear.gather [hbm4b:s30+s29], $0x50, $0x38;
	[tilespmem:$0x1DA80] =	vst v63  }
0x67: {  	s31 =	rddreg [dreg:$0xf]  }
0x68: {  	[tilespmem:s9], [sflag:$0x3] =	stream.linear.gather [hbm4b:s31+s29], $0x50, $0x38;
	[tilespmem:$0x1DA80] =	vst v63  }
0x69: {  	s5 =	rddreg [dreg:$0x10]  }
0x6a: {  	[tilespmem:s10], [sflag:$0x5] =	stream.linear.gather [hbm4b:s5+s29], $0x2800, $0x38;
	[tilespmem:$0x1DA80] =	vst v63  }
0x6b: {  	s13 =	rddreg [dreg:$0x11]  }
0x6c: {  	[tilespmem:s11], [sflag:$0x2] =	stream.linear.gather [hbm4b:s13+s29], $0x50, $0x38;
	[tilespmem:$0x1DA80] =	vst v63  }
0x6d: {  	s28 =	rddreg [dreg:$0x12]  }
0x6e: {  	[tilespmem:s12], [sflag:$0x4] =	stream.linear.gather [hbm4b:s28+s29], $0x50, $0x38;
	[tilespmem:$0x1DA80] =	vst v63  }
0x6f: {  	s30 =	rddreg [dreg:$0x13];
	s31 =	simm.s32 $0x7A00  }
0x70: {  	[tilespmem:s31], [sflag:$0x6] =	stream.linear.gather [hbm4b:s30+s29], $0x2800, $0x38;
	[tilespmem:$0x1DA80] =	vst v63  }
0x71: {  	_ =	swait.ge [sflag:s14], $0x50  }
0x72: {  	[sflag:s14] =	ssyncset.done $0x0  }
0x73: {  	[sflag:s14] =	ssyncadd.s32 $0xFFFFFFB0  }
0x74: {  	[tilespmem:s7], [sflag:$0x7] =	stream.indirect.gather [hbm4b:s1+s16], $0x80, s29, s16, $0xb8;
	[tilespmem:$0x1DA80] =	vst v63  }
.LBB2_4:
0x75: {  	_ =	swait.ge [sflag:s17], $0x2800  }
0x76: {  	[sflag:s17] =	ssyncset.done $0x0  }
0x77: {  	s30 =	smul.u32 $0xA0, s29;
	[sflag:s17] =	ssyncadd.s32 $0xFFFFD800  }
0x78: {  	_ =	swait.ge [sflag:s18], $0x50  }
0x79: {  	s31 =	sadd.s32 s30, s22;
	[sflag:s18] =	ssyncset.done $0x0  }
0x7a: {  	s0 =	sshrl.u32 s31, $0x3;
	[sflag:s18] =	ssyncadd.s32 $0xFFFFFFB0  }
0x7b: {  	[tilespmem:s19], [sflag:$0x8] =	stream.indirect.gather [hbm4b:s1+s16], $0x80, s11, s16, $0xb8;
	[tilespmem:$0x1DA80] =	vst v63  }
0x7c: {  	s5 =	sadd.s32 s3, s0  }
0x7d: {  	[tilespmem:s6], [sflag:$0x1] =	stream.linear.gather [hbm4b:s5+s6], $0x50, $0x38;
	[tilespmem:$0x1DA80] =	vst v63  }
0x7e: {  	_ =	swait.ge [sflag:s20], $0x2800  }
0x7f: {  	[sflag:s20] =	ssyncset.done $0x0  }
0x80: {  	[sflag:s20] =	ssyncadd.s32 $0xFFFFD800  }
0x81: {  	_ =	swait.ge [sflag:s21], $0x50  }
0x82: {  	[sflag:s21] =	ssyncset.done $0x0  }
0x83: {  	s5 =	simm.s32 $0xF0;
	[sflag:s21] =	ssyncadd.s32 $0xFFFFFFB0  }
0x84: {  	v7 =	vld [tilespmem:s5+$0x5110]  }
0x85: {  	v8 =	vld [tilespmem:s5+$0x5120]  }
0x86: {  	v9 =	vld [tilespmem:s5+$0x5130]  }
0x87: {  	v10 =	vld [tilespmem:s5+$0x5140]  }
0x88: {  	v11 =	vld [tilespmem:s5+$0x5150]  }
0x89: {  	v12 =	vld [tilespmem:s5+$0x5160]  }
0x8a: {  	v13 =	vld [tilespmem:s5+$0x5170]  }
0x8b: {  	v14 =	vld [tilespmem:s5+$0x5180]  }
0x8c: {  	v15 =	vld [tilespmem:s5+$0x5190]  }
0x8d: {  	v16 =	vld [tilespmem:s5+$0x51A0]  }
0x8e: {  	v6 =	vld [tilespmem:s5+$0x51B0]  }
0x8f: {  	v5 =	vld [tilespmem:s5+$0x51C0]  }
0x90: {  	v4 =	vld [tilespmem:s5+$0x51D0]  }
0x91: {  	v3 =	vld [tilespmem:s5+$0x51E0]  }
0x92: {  	v2 =	vld [tilespmem:s5+$0x51F0]  }
0x93: {  	v1 =	vld [tilespmem:s5+$0x5200]  }
0x94: {  	v17 =	vld [tilespmem:s5+$0x110]  }
0x95: {  	v18 =	vld [tilespmem:s5+$0x120]  }
0x96: {  	v19 =	vld [tilespmem:s5+$0x130]  }
0x97: {  	v20 =	vld [tilespmem:s5+$0x140]  }
0x98: {  	v21 =	vld [tilespmem:s5+$0x150]  }
0x99: {  	v60 =	vld [tilespmem:s5+$0x160];
	v7 =	vmul.f32 v7, v17  }
0x9a: {  	v22 =	vld [tilespmem:s5+$0x170];
	v8 =	vmul.f32 v8, v18  }
0x9b: {  	v61 =	vld [tilespmem:s5+$0x180];
	[tilespmem:s5+$0x110] =	vst v7;
	v7 =	vmul.f32 v9, v19  }
0x9c: {  	v62 =	vld [tilespmem:s5+$0x190];
	[tilespmem:s5+$0x120] =	vst v8;
	v8 =	vmul.f32 v10, v20  }
0x9d: {  	v63 =	vld [tilespmem:s5+$0x1A0];
	[tilespmem:s5+$0x130] =	vst v7;
	v7 =	vmul.f32 v11, v21  }
0x9e: {  	v9 =	vmul.f32 v12, v60;
	[tilespmem:s5+$0x140] =	vst v8;
	v8 =	vld [tilespmem:s5+$0x1B0]  }
0x9f: {  	v10 =	vmul.f32 v13, v22;
	[tilespmem:s5+$0x150] =	vst v7;
	v7 =	vld [tilespmem:s5+$0x1C0]  }
0xa0: {  	[tilespmem:s5+$0x160] =	vst v9;
	v9 =	vld [tilespmem:s5+$0x1D0];
	v11 =	vmul.f32 v14, v61  }
0xa1: {  	v13 =	vmul.f32 v15, v62;
	[tilespmem:s5+$0x170] =	vst v10;
	v10 =	vld [tilespmem:s5+$0x1E0]  }
0xa2: {  	s28 =	simm.s32 $0x7C0;
	v12 =	vmul.f32 v16, v63;
	[tilespmem:s5+$0x180] =	vst v11;
	v11 =	vld [tilespmem:s5+$0x1F0]  }
.LBB2_5:
0xa3: {  	s13 =	sshra.s32 s28, $0x2;
	p1 =	sne.s32 s28, $0x9FC0;
	[tilespmem:s5+$0x190] =	vst v13;
	v6 =	vmul.f32 v6, v8;
	v8 =	vld [tilespmem:s5+$0x200]  }
0xa4: {  	v13 =	vld [tilespmem:s13+$0x5110];
	[tilespmem:s5+$0x1A0] =	vst v12;
	v5 =	vmul.f32 v5, v7  }
0xa5: {  	v7 =	vld [tilespmem:s13+$0x5120];
	[tilespmem:s5+$0x1B0] =	vst v6;
	v4 =	vmul.f32 v4, v9  }
0xa6: {  	v9 =	vld [tilespmem:s13+$0x5130];
	[tilespmem:s5+$0x1C0] =	vst v5;
	v3 =	vmul.f32 v3, v10  }
0xa7: {  	v10 =	vld [tilespmem:s13+$0x5140];
	[tilespmem:s5+$0x1D0] =	vst v4;
	v2 =	vmul.f32 v2, v11  }
0xa8: {  	v11 =	vld [tilespmem:s13+$0x5150];
	[tilespmem:s5+$0x1E0] =	vst v3;
	v1 =	vmul.f32 v1, v8  }
0xa9: {  	v8 =	vld [tilespmem:s13+$0x5160];
	[tilespmem:s5+$0x1F0] =	vst v2  }
0xaa: {  	v12 =	vld [tilespmem:s13+$0x5170];
	[tilespmem:s5+$0x200] =	vst v1;
	s5 =	smov.u32 s13  }
0xab: {  	v14 =	vld [tilespmem:s5+$0x5180]  }
0xac: {  	v15 =	vld [tilespmem:s5+$0x5190]  }
0xad: {  	v16 =	vld [tilespmem:s5+$0x51A0]  }
0xae: {  	v6 =	vld [tilespmem:s5+$0x51B0]  }
0xaf: {  	v5 =	vld [tilespmem:s5+$0x51C0]  }
0xb0: {  	v4 =	vld [tilespmem:s5+$0x51D0]  }
0xb1: {  	v3 =	vld [tilespmem:s5+$0x51E0]  }
0xb2: {  	v2 =	vld [tilespmem:s5+$0x51F0]  }
0xb3: {  	v1 =	vld [tilespmem:s5+$0x5200]  }
0xb4: {  	v17 =	vld [tilespmem:s5+$0x110]  }
0xb5: {  	v18 =	vld [tilespmem:s5+$0x120]  }
0xb6: {  	v19 =	vld [tilespmem:s5+$0x130]  }
0xb7: {  	v20 =	vld [tilespmem:s5+$0x140]  }
0xb8: {  	v21 =	vld [tilespmem:s5+$0x150]  }
0xb9: {  	v13 =	vmul.f32 v13, v17;
	v17 =	vld [tilespmem:s5+$0x160]  }
0xba: {  	v7 =	vmul.f32 v7, v18;
	v18 =	vld [tilespmem:s5+$0x170]  }
0xbb: {  	[tilespmem:s5+$0x110] =	vst v13;
	v9 =	vmul.f32 v9, v19;
	v13 =	vld [tilespmem:s5+$0x180]  }
0xbc: {  	[tilespmem:s5+$0x120] =	vst v7;
	v7 =	vmul.f32 v10, v20;
	v10 =	vld [tilespmem:s5+$0x190]  }
0xbd: {  	[tilespmem:s5+$0x130] =	vst v9;
	v9 =	vmul.f32 v11, v21;
	v11 =	vld [tilespmem:s5+$0x1A0]  }
.Ltmp1:
0xbe: {  	[tilespmem:s5+$0x140] =	vst v7;
	v17 =	vmul.f32 v8, v17;
	v8 =	vld [tilespmem:s5+$0x1B0];
	(pc) =	sbr.rel @p1 .LBB2_5-.Ltmp1, $4  }
0xbf: {  	[tilespmem:s5+$0x150] =	vst v9;
	v12 =	vmul.f32 v12, v18;
	v7 =	vld [tilespmem:s5+$0x1C0]  }
0xc0: {  	[tilespmem:s5+$0x160] =	vst v17;
	v14 =	vmul.f32 v14, v13;
	v9 =	vld [tilespmem:s5+$0x1D0]  }
0xc1: {  	[tilespmem:s5+$0x170] =	vst v12;
	v13 =	vmul.f32 v15, v10;
	v10 =	vld [tilespmem:s5+$0x1E0]  }
0xc2: {  	s28 =	sadd.s32 $0x400, s28;
	[tilespmem:s5+$0x180] =	vst v14;
	v12 =	vmul.f32 v16, v11;
	v11 =	vld [tilespmem:s5+$0x1F0]  }
0xc3: {  	[tilespmem:s5+$0x190] =	vst v13;
	v6 =	vmul.f32 v6, v8;
	v8 =	vld [tilespmem:s5+$0x200]  }
0xc4: {  	[tilespmem:s5+$0x1A0] =	vst v12;
	v5 =	vmul.f32 v5, v7  }
0xc5: {  	[tilespmem:s5+$0x1B0] =	vst v6;
	v4 =	vmul.f32 v4, v9  }
0xc6: {  	[tilespmem:s5+$0x1C0] =	vst v5;
	v3 =	vmul.f32 v3, v10  }
0xc7: {  	[tilespmem:s5+$0x1D0] =	vst v4;
	v2 =	vmul.f32 v2, v11  }
0xc8: {  	[tilespmem:s5+$0x1E0] =	vst v3;
	v1 =	vmul.f32 v1, v8  }
0xc9: {  	[tilespmem:s5+$0x1F0] =	vst v2  }
0xca: {  	[tilespmem:s5+$0x200] =	vst v1  }
0xcb: {  	[spmem:s4] =	stream.indirect.scatter.add.f32 [tilespmem:s7], [sflag:$0x9], $0x80, s9, s16, $0xb8;
	[tilespmem:$0x1DA80] =	vst v63  }
0xcc: {  	_ =	swait.ge [sflag:s8], $0x2800  }
0xcd: {  	[sflag:s8] =	ssyncset.done $0x0  }
0xce: {  	s0 =	sadd.s32 s2, s0;
	s31 =	sshll.u32 s31, $0x4;
	[sflag:s8] =	ssyncadd.s32 $0xFFFFD800  }
0xcf: {  	[tilespmem:s9], [sflag:$0x3] =	stream.linear.gather [hbm4b:s0+s6], $0x50, $0x38;
	[tilespmem:$0x1DA80] =	vst v63  }
0xd0: {  	s0 =	sadd.s32 s15, s31  }
0xd1: {  	[tilespmem:s10], [sflag:$0x5] =	stream.linear.gather [hbm4b:s0+s6], $0x2800, $0x38;
	[tilespmem:$0x1DA80] =	vst v63  }
0xd2: {  	_ =	swait.ge [sflag:s24], $0x2800  }
0xd3: {  	[sflag:s24] =	ssyncset.done $0x0  }
0xd4: {  	[sflag:s24] =	ssyncadd.s32 $0xFFFFD800  }
0xd5: {  	p1 =	seq.s32 s29, $0x3D;
	_ =	swait.ge [sflag:s14], $0x50  }
0xd6: {  	s0 =	sadd.s32 @!p1 s30, s23;
	[sflag:s14] =	ssyncset.done $0x0  }
0xd7: {  	s0 =	sshrl.u32 @!p1 s0, $0x3;
	[sflag:s14] =	ssyncadd.s32 $0xFFFFFFB0  }
0xd8: {  	[tilespmem:s7], [sflag:$0x7] =	stream.indirect.gather [hbm4b:s1+s16], $0x80, s6, s16, $0xb8;
	[tilespmem:$0x1DA80] =	vst v63  }
0xd9: {  	s13 =	simm.s32 @!p1 $0x80;
	s5 =	simm.s32 @!p1 $0x0;
	s0 =	sadd.s32 @!p1 s3, s0  }
0xda: {  	[tilespmem:s13], [sflag:$0x2] =	stream.linear.gather @!p1 [hbm4b:s0+s5], $0x50, $0x38;
	[tilespmem:$0x1DA80] =	vst v63  }
0xdb: {  	_ =	swait.ge [sflag:s25], $0x2800  }
0xdc: {  	[sflag:s25] =	ssyncset.done $0x0  }
0xdd: {  	[sflag:s25] =	ssyncadd.s32 $0xFFFFD800  }
0xde: {  	_ =	swait.ge [sflag:s26], $0x50  }
0xdf: {  	[sflag:s26] =	ssyncset.done $0x0  }
0xe0: {  	s0 =	simm.s32 $0x0;
	[sflag:s26] =	ssyncadd.s32 $0xFFFFFFB0  }
0xe1: {  	v7 =	vld [tilespmem:s0+$0x7A00]  }
0xe2: {  	v8 =	vld [tilespmem:s0+$0x7A10]  }
0xe3: {  	v9 =	vld [tilespmem:s0+$0x7A20]  }
0xe4: {  	v10 =	vld [tilespmem:s0+$0x7A30]  }
0xe5: {  	v11 =	vld [tilespmem:s0+$0x7A40]  }
0xe6: {  	v12 =	vld [tilespmem:s0+$0x7A50]  }
0xe7: {  	v13 =	vld [tilespmem:s0+$0x7A60]  }
0xe8: {  	v14 =	vld [tilespmem:s0+$0x7A70]  }
0xe9: {  	v15 =	vld [tilespmem:s0+$0x7A80]  }
0xea: {  	v16 =	vld [tilespmem:s0+$0x7A90]  }
0xeb: {  	v6 =	vld [tilespmem:s0+$0x7AA0]  }
0xec: {  	v5 =	vld [tilespmem:s0+$0x7AB0]  }
0xed: {  	v4 =	vld [tilespmem:s0+$0x7AC0]  }
0xee: {  	v3 =	vld [tilespmem:s0+$0x7AD0]  }
0xef: {  	v2 =	vld [tilespmem:s0+$0x7AE0]  }
0xf0: {  	v1 =	vld [tilespmem:s0+$0x7AF0]  }
0xf1: {  	v17 =	vld [tilespmem:s0+$0x2A00]  }
0xf2: {  	v18 =	vld [tilespmem:s0+$0x2A10]  }
0xf3: {  	v19 =	vld [tilespmem:s0+$0x2A20]  }
0xf4: {  	v20 =	vld [tilespmem:s0+$0x2A30]  }
0xf5: {  	v21 =	vld [tilespmem:s0+$0x2A40]  }
0xf6: {  	v60 =	vld [tilespmem:s0+$0x2A50];
	v7 =	vmul.f32 v7, v17  }
0xf7: {  	v22 =	vld [tilespmem:s0+$0x2A60];
	v8 =	vmul.f32 v8, v18  }
0xf8: {  	v61 =	vld [tilespmem:s0+$0x2A70];
	[tilespmem:s0+$0x2A00] =	vst v7;
	v7 =	vmul.f32 v9, v19  }
0xf9: {  	v62 =	vld [tilespmem:s0+$0x2A80];
	[tilespmem:s0+$0x2A10] =	vst v8;
	v8 =	vmul.f32 v10, v20  }
0xfa: {  	v63 =	vld [tilespmem:s0+$0x2A90];
	[tilespmem:s0+$0x2A20] =	vst v7;
	v7 =	vmul.f32 v11, v21  }
0xfb: {  	v9 =	vmul.f32 v12, v60;
	[tilespmem:s0+$0x2A30] =	vst v8;
	v8 =	vld [tilespmem:s0+$0x2AA0]  }
0xfc: {  	v10 =	vmul.f32 v13, v22;
	[tilespmem:s0+$0x2A40] =	vst v7;
	v7 =	vld [tilespmem:s0+$0x2AB0]  }
0xfd: {  	[tilespmem:s0+$0x2A50] =	vst v9;
	v9 =	vld [tilespmem:s0+$0x2AC0];
	v11 =	vmul.f32 v14, v61  }
0xfe: {  	v13 =	vmul.f32 v15, v62;
	[tilespmem:s0+$0x2A60] =	vst v10;
	v10 =	vld [tilespmem:s0+$0x2AD0]  }
0xff: {  	s5 =	simm.s32 $0x400;
	v12 =	vmul.f32 v16, v63;
	[tilespmem:s0+$0x2A70] =	vst v11;
	v11 =	vld [tilespmem:s0+$0x2AE0]  }
.LBB2_7:
0x100: {  	s13 =	sshra.s32 s5, $0x2;
	p2 =	sne.s32 s5, $0x9C00;
	[tilespmem:s0+$0x2A80] =	vst v13;
	v6 =	vmul.f32 v6, v8;
	v8 =	vld [tilespmem:s0+$0x2AF0]  }
0x101: {  	v13 =	vld [tilespmem:s13+$0x7A00];
	[tilespmem:s0+$0x2A90] =	vst v12;
	v5 =	vmul.f32 v5, v7  }
0x102: {  	v7 =	vld [tilespmem:s13+$0x7A10];
	[tilespmem:s0+$0x2AA0] =	vst v6;
	v4 =	vmul.f32 v4, v9  }
0x103: {  	v9 =	vld [tilespmem:s13+$0x7A20];
	[tilespmem:s0+$0x2AB0] =	vst v5;
	v3 =	vmul.f32 v3, v10  }
0x104: {  	v10 =	vld [tilespmem:s13+$0x7A30];
	[tilespmem:s0+$0x2AC0] =	vst v4;
	v2 =	vmul.f32 v2, v11  }
0x105: {  	v11 =	vld [tilespmem:s13+$0x7A40];
	[tilespmem:s0+$0x2AD0] =	vst v3;
	v1 =	vmul.f32 v1, v8  }
0x106: {  	v8 =	vld [tilespmem:s13+$0x7A50];
	[tilespmem:s0+$0x2AE0] =	vst v2  }
0x107: {  	v12 =	vld [tilespmem:s13+$0x7A60];
	[tilespmem:s0+$0x2AF0] =	vst v1;
	s0 =	smov.u32 s13  }
0x108: {  	v14 =	vld [tilespmem:s0+$0x7A70]  }
0x109: {  	v15 =	vld [tilespmem:s0+$0x7A80]  }
0x10a: {  	v16 =	vld [tilespmem:s0+$0x7A90]  }
0x10b: {  	v6 =	vld [tilespmem:s0+$0x7AA0]  }
0x10c: {  	v5 =	vld [tilespmem:s0+$0x7AB0]  }
0x10d: {  	v4 =	vld [tilespmem:s0+$0x7AC0]  }
0x10e: {  	v3 =	vld [tilespmem:s0+$0x7AD0]  }
0x10f: {  	v2 =	vld [tilespmem:s0+$0x7AE0]  }
0x110: {  	v1 =	vld [tilespmem:s0+$0x7AF0]  }
0x111: {  	v17 =	vld [tilespmem:s0+$0x2A00]  }
0x112: {  	v18 =	vld [tilespmem:s0+$0x2A10]  }
0x113: {  	v19 =	vld [tilespmem:s0+$0x2A20]  }
0x114: {  	v20 =	vld [tilespmem:s0+$0x2A30]  }
0x115: {  	v21 =	vld [tilespmem:s0+$0x2A40]  }
0x116: {  	v13 =	vmul.f32 v13, v17;
	v17 =	vld [tilespmem:s0+$0x2A50]  }
0x117: {  	v7 =	vmul.f32 v7, v18;
	v18 =	vld [tilespmem:s0+$0x2A60]  }
0x118: {  	[tilespmem:s0+$0x2A00] =	vst v13;
	v9 =	vmul.f32 v9, v19;
	v13 =	vld [tilespmem:s0+$0x2A70]  }
0x119: {  	[tilespmem:s0+$0x2A10] =	vst v7;
	v7 =	vmul.f32 v10, v20;
	v10 =	vld [tilespmem:s0+$0x2A80]  }
0x11a: {  	[tilespmem:s0+$0x2A20] =	vst v9;
	v9 =	vmul.f32 v11, v21;
	v11 =	vld [tilespmem:s0+$0x2A90]  }
.Ltmp2:
0x11b: {  	[tilespmem:s0+$0x2A30] =	vst v7;
	v17 =	vmul.f32 v8, v17;
	v8 =	vld [tilespmem:s0+$0x2AA0];
	(pc) =	sbr.rel @p2 .LBB2_7-.Ltmp2, $4  }
0x11c: {  	[tilespmem:s0+$0x2A40] =	vst v9;
	v12 =	vmul.f32 v12, v18;
	v7 =	vld [tilespmem:s0+$0x2AB0]  }
0x11d: {  	[tilespmem:s0+$0x2A50] =	vst v17;
	v14 =	vmul.f32 v14, v13;
	v9 =	vld [tilespmem:s0+$0x2AC0]  }
0x11e: {  	[tilespmem:s0+$0x2A60] =	vst v12;
	v13 =	vmul.f32 v15, v10;
	v10 =	vld [tilespmem:s0+$0x2AD0]  }
0x11f: {  	s5 =	sadd.s32 $0x400, s5;
	[tilespmem:s0+$0x2A70] =	vst v14;
	v12 =	vmul.f32 v16, v11;
	v11 =	vld [tilespmem:s0+$0x2AE0]  }
0x120: {  	[tilespmem:s0+$0x2A80] =	vst v13;
	v6 =	vmul.f32 v6, v8;
	v63 =	vld [tilespmem:s0+$0x2AF0]  }
0x121: {  	[tilespmem:s0+$0x2A90] =	vst v12;
	v5 =	vmul.f32 v5, v7  }
0x122: {  	[tilespmem:s0+$0x2AA0] =	vst v6;
	v4 =	vmul.f32 v4, v9  }
0x123: {  	[tilespmem:s0+$0x2AB0] =	vst v5;
	v3 =	vmul.f32 v3, v10  }
0x124: {  	[tilespmem:s0+$0x2AC0] =	vst v4;
	v2 =	vmul.f32 v2, v11  }
0x125: {  	[tilespmem:s0+$0x2AD0] =	vst v3;
	v1 =	vmul.f32 v1, v63  }
0x126: {  	[tilespmem:s0+$0x2AE0] =	vst v2  }
.Ltmp3:
0x127: {  	[tilespmem:s0+$0x2AF0] =	vst v1;
	(pc) =	sbr.rel @p1 .LBB2_10-.Ltmp3, $4  }
0x128: {  	[spmem:s4] =	stream.indirect.scatter.add.f32 [tilespmem:s19], [sflag:$0x9], $0x80, s12, s16, $0xb8;
	[tilespmem:$0x1DA80] =	vst v63  }
0x129: {  	_ =	swait.ge [sflag:s8], $0x2800  }
0x12a: {  	[sflag:s8] =	ssyncset.done $0x0  }
0x12b: {  	[sflag:s8] =	ssyncadd.s32 $0xFFFFD800  }
0x12c: {  	s0 =	sadd.s32 s30, s23  }
.Ltmp4:
0x12d: {  	s5 =	sshrl.u32 s0, $0x3;
	(pc) =	sbr.rel .LBB2_4-.Ltmp4, $4  }
0x12e: {  	s0 =	sshll.u32 s0, $0x4;
	s5 =	sadd.s32 s2, s5  }
0x12f: {  	[tilespmem:s12], [sflag:$0x4] =	stream.linear.gather [hbm4b:s5+s6], $0x50, $0x38;
	[tilespmem:$0x1DA80] =	vst v63  }
0x130: {  	s31 =	simm.s32 $0x7A00;
	s29 =	sadd.s32 $0x1, s29;
	s0 =	sadd.s32 s15, s0  }
0x131: {  	[tilespmem:s31], [sflag:$0x6] =	stream.linear.gather [hbm4b:s0+s6], $0x2800, $0x38;
	[tilespmem:$0x1DA80] =	vst v63  }
.LBB2_10:
0x132: {  	_ =	swait.ge [sflag:s17], $0x2800  }
0x133: {  	[sflag:s17] =	ssyncset.done $0x0  }
0x134: {  	[sflag:s17] =	ssyncadd.s32 $0xFFFFD800  }
0x135: {  	_ =	swait.ge [sflag:s20], $0x2800  }
0x136: {  	[sflag:s20] =	ssyncset.done $0x0  }
0x137: {  	[sflag:s20] =	ssyncadd.s32 $0xFFFFD800  }
0x138: {  	_ =	swait.ge [sflag:s21], $0x50  }
0x139: {  	[sflag:s21] =	ssyncset.done $0x0  }
0x13a: {  	s0 =	simm.s32 $0xF0;
	[sflag:s21] =	ssyncadd.s32 $0xFFFFFFB0  }
0x13b: {  	v7 =	vld [tilespmem:s0+$0x5110]  }
0x13c: {  	v8 =	vld [tilespmem:s0+$0x5120]  }
0x13d: {  	v9 =	vld [tilespmem:s0+$0x5130]  }
0x13e: {  	v10 =	vld [tilespmem:s0+$0x5140]  }
0x13f: {  	v11 =	vld [tilespmem:s0+$0x5150]  }
0x140: {  	v12 =	vld [tilespmem:s0+$0x5160]  }
0x141: {  	v13 =	vld [tilespmem:s0+$0x5170]  }
0x142: {  	v14 =	vld [tilespmem:s0+$0x5180]  }
0x143: {  	v15 =	vld [tilespmem:s0+$0x5190]  }
0x144: {  	v16 =	vld [tilespmem:s0+$0x51A0]  }
0x145: {  	v6 =	vld [tilespmem:s0+$0x51B0]  }
0x146: {  	v5 =	vld [tilespmem:s0+$0x51C0]  }
0x147: {  	v4 =	vld [tilespmem:s0+$0x51D0]  }
0x148: {  	v3 =	vld [tilespmem:s0+$0x51E0]  }
0x149: {  	v2 =	vld [tilespmem:s0+$0x51F0]  }
0x14a: {  	v1 =	vld [tilespmem:s0+$0x5200]  }
0x14b: {  	v17 =	vld [tilespmem:s0+$0x110]  }
0x14c: {  	v18 =	vld [tilespmem:s0+$0x120]  }
0x14d: {  	v19 =	vld [tilespmem:s0+$0x130]  }
0x14e: {  	v20 =	vld [tilespmem:s0+$0x140]  }
0x14f: {  	v21 =	vld [tilespmem:s0+$0x150]  }
0x150: {  	v60 =	vld [tilespmem:s0+$0x160];
	v7 =	vmul.f32 v7, v17  }
0x151: {  	v22 =	vld [tilespmem:s0+$0x170];
	v8 =	vmul.f32 v8, v18  }
0x152: {  	v61 =	vld [tilespmem:s0+$0x180];
	[tilespmem:s0+$0x110] =	vst v7;
	v7 =	vmul.f32 v9, v19  }
0x153: {  	v62 =	vld [tilespmem:s0+$0x190];
	[tilespmem:s0+$0x120] =	vst v8;
	v8 =	vmul.f32 v10, v20  }
0x154: {  	v63 =	vld [tilespmem:s0+$0x1A0];
	[tilespmem:s0+$0x130] =	vst v7;
	v7 =	vmul.f32 v11, v21  }
0x155: {  	v9 =	vmul.f32 v12, v60;
	[tilespmem:s0+$0x140] =	vst v8;
	v8 =	vld [tilespmem:s0+$0x1B0]  }
0x156: {  	v10 =	vmul.f32 v13, v22;
	[tilespmem:s0+$0x150] =	vst v7;
	v7 =	vld [tilespmem:s0+$0x1C0]  }
0x157: {  	[tilespmem:s0+$0x160] =	vst v9;
	v9 =	vld [tilespmem:s0+$0x1D0];
	v11 =	vmul.f32 v14, v61  }
0x158: {  	v13 =	vmul.f32 v15, v62;
	[tilespmem:s0+$0x170] =	vst v10;
	v10 =	vld [tilespmem:s0+$0x1E0]  }
0x159: {  	s5 =	simm.s32 $0x7C0;
	v12 =	vmul.f32 v16, v63;
	[tilespmem:s0+$0x180] =	vst v11;
	v11 =	vld [tilespmem:s0+$0x1F0]  }
.LBB2_11:
0x15a: {  	s13 =	sshra.s32 s5, $0x2;
	p1 =	sne.s32 s5, $0x9FC0;
	[tilespmem:s0+$0x190] =	vst v13;
	v6 =	vmul.f32 v6, v8;
	v8 =	vld [tilespmem:s0+$0x200]  }
0x15b: {  	v13 =	vld [tilespmem:s13+$0x5110];
	[tilespmem:s0+$0x1A0] =	vst v12;
	v5 =	vmul.f32 v5, v7  }
0x15c: {  	v7 =	vld [tilespmem:s13+$0x5120];
	[tilespmem:s0+$0x1B0] =	vst v6;
	v4 =	vmul.f32 v4, v9  }
0x15d: {  	v9 =	vld [tilespmem:s13+$0x5130];
	[tilespmem:s0+$0x1C0] =	vst v5;
	v3 =	vmul.f32 v3, v10  }
0x15e: {  	v10 =	vld [tilespmem:s13+$0x5140];
	[tilespmem:s0+$0x1D0] =	vst v4;
	v2 =	vmul.f32 v2, v11  }
0x15f: {  	v11 =	vld [tilespmem:s13+$0x5150];
	[tilespmem:s0+$0x1E0] =	vst v3;
	v1 =	vmul.f32 v1, v8  }
0x160: {  	v8 =	vld [tilespmem:s13+$0x5160];
	[tilespmem:s0+$0x1F0] =	vst v2  }
0x161: {  	v12 =	vld [tilespmem:s13+$0x5170];
	[tilespmem:s0+$0x200] =	vst v1;
	s0 =	smov.u32 s13  }
0x162: {  	v14 =	vld [tilespmem:s0+$0x5180]  }
0x163: {  	v15 =	vld [tilespmem:s0+$0x5190]  }
0x164: {  	v16 =	vld [tilespmem:s0+$0x51A0]  }
0x165: {  	v6 =	vld [tilespmem:s0+$0x51B0]  }
0x166: {  	v5 =	vld [tilespmem:s0+$0x51C0]  }
0x167: {  	v4 =	vld [tilespmem:s0+$0x51D0]  }
0x168: {  	v3 =	vld [tilespmem:s0+$0x51E0]  }
0x169: {  	v2 =	vld [tilespmem:s0+$0x51F0]  }
0x16a: {  	v1 =	vld [tilespmem:s0+$0x5200]  }
0x16b: {  	v17 =	vld [tilespmem:s0+$0x110]  }
0x16c: {  	v18 =	vld [tilespmem:s0+$0x120]  }
0x16d: {  	v19 =	vld [tilespmem:s0+$0x130]  }
0x16e: {  	v20 =	vld [tilespmem:s0+$0x140]  }
0x16f: {  	v21 =	vld [tilespmem:s0+$0x150]  }
0x170: {  	v13 =	vmul.f32 v13, v17;
	v17 =	vld [tilespmem:s0+$0x160]  }
0x171: {  	v7 =	vmul.f32 v7, v18;
	v18 =	vld [tilespmem:s0+$0x170]  }
0x172: {  	[tilespmem:s0+$0x110] =	vst v13;
	v9 =	vmul.f32 v9, v19;
	v13 =	vld [tilespmem:s0+$0x180]  }
0x173: {  	[tilespmem:s0+$0x120] =	vst v7;
	v7 =	vmul.f32 v10, v20;
	v10 =	vld [tilespmem:s0+$0x190]  }
0x174: {  	[tilespmem:s0+$0x130] =	vst v9;
	v9 =	vmul.f32 v11, v21;
	v11 =	vld [tilespmem:s0+$0x1A0]  }
.Ltmp5:
0x175: {  	[tilespmem:s0+$0x140] =	vst v7;
	v17 =	vmul.f32 v8, v17;
	v8 =	vld [tilespmem:s0+$0x1B0];
	(pc) =	sbr.rel @p1 .LBB2_11-.Ltmp5, $4  }
0x176: {  	[tilespmem:s0+$0x150] =	vst v9;
	v12 =	vmul.f32 v12, v18;
	v7 =	vld [tilespmem:s0+$0x1C0]  }
0x177: {  	[tilespmem:s0+$0x160] =	vst v17;
	v14 =	vmul.f32 v14, v13;
	v9 =	vld [tilespmem:s0+$0x1D0]  }
0x178: {  	[tilespmem:s0+$0x170] =	vst v12;
	v13 =	vmul.f32 v15, v10;
	v10 =	vld [tilespmem:s0+$0x1E0]  }
0x179: {  	s5 =	sadd.s32 $0x400, s5;
	[tilespmem:s0+$0x180] =	vst v14;
	v12 =	vmul.f32 v16, v11;
	v11 =	vld [tilespmem:s0+$0x1F0]  }
0x17a: {  	[tilespmem:s0+$0x190] =	vst v13;
	v6 =	vmul.f32 v6, v8;
	v63 =	vld [tilespmem:s0+$0x200]  }
0x17b: {  	[tilespmem:s0+$0x1A0] =	vst v12;
	v5 =	vmul.f32 v5, v7  }
0x17c: {  	[tilespmem:s0+$0x1B0] =	vst v6;
	v4 =	vmul.f32 v4, v9  }
0x17d: {  	[tilespmem:s0+$0x1C0] =	vst v5;
	v3 =	vmul.f32 v3, v10  }
0x17e: {  	[tilespmem:s0+$0x1D0] =	vst v4;
	v2 =	vmul.f32 v2, v11  }
0x17f: {  	[tilespmem:s0+$0x1E0] =	vst v3;
	v1 =	vmul.f32 v1, v63  }
0x180: {  	[tilespmem:s0+$0x1F0] =	vst v2  }
0x181: {  	[tilespmem:s0+$0x200] =	vst v1  }
0x182: {  	[spmem:s4] =	stream.indirect.scatter.add.f32 [tilespmem:s7], [sflag:$0x9], $0x80, s9, s16, $0xb8;
	[tilespmem:$0x1DA80] =	vst v63  }
0x183: {  	_ =	swait.ge [sflag:s8], $0x2800  }
0x184: {  	[sflag:s8] =	ssyncset.done $0x0  }
0x185: {  	[sflag:s8] =	ssyncadd.s32 $0xFFFFD800  }
0x186: {  	s5 =	stileid.u32;
	[bflag:$0x0] =	sbarrier.arrive $0xFFFF  }
0x187: {  	s0 =	sshll.u32 s5, $0x6;
	s28 =	rddreg [dreg:$0x15]  }
0x188: {  	s0 =	sor.u32 $0x1C09, s0;
	s13 =	rddreg [dreg:$0x6];
	s5 =	sshrl.u32 s28, $0x3  }
0x189: {  	[hbm:s13], [sflag:s0] =	dma.local [spmem:s5], $0x500  }
0x18a: {  	_ =	swait.ge [sflag:s8], $0x500  }
0x18b: {  	[sflag:s8] =	ssyncset.done $0x0;
	s29 =	rddreg [dreg:$0x16]  }
0x18c: {  	s31 =	rddreg [dreg:$0x7];
	[sflag:s8] =	ssyncadd.s32 $0xFFFFFB00;
	s13 =	sshrl.u32 s29, $0x3  }
0x18d: {  	[hbm:s31], [sflag:s0] =	dma.local [spmem:s13], $0x500  }
0x18e: {  	_ =	swait.ge [sflag:s8], $0x500  }
0x18f: {  	[sflag:s8] =	ssyncset.done $0x0;
	s30 =	rddreg [dreg:$0x17]  }
0x190: {  	s31 =	rddreg [dreg:$0x8];
	[sflag:s8] =	ssyncadd.s32 $0xFFFFFB00;
	s13 =	sshrl.u32 s30, $0x3  }
0x191: {  	[hbm:s31], [sflag:s0] =	dma.local [spmem:s13], $0x500  }
0x192: {  	_ =	swait.ge [sflag:s8], $0x500  }
0x193: {  	[sflag:s8] =	ssyncset.done $0x0;
	s13 =	rddreg [dreg:$0x18]  }
0x194: {  	s31 =	rddreg [dreg:$0x9];
	[sflag:s8] =	ssyncadd.s32 $0xFFFFFB00;
	s5 =	sshrl.u32 s13, $0x3  }
0x195: {  	[hbm:s31], [sflag:s0] =	dma.local [spmem:s5], $0x500  }
0x196: {  	_ =	swait.ge [sflag:s8], $0x500  }
0x197: {  	[sflag:s8] =	ssyncset.done $0x0;
	s13 =	rddreg [dreg:$0x19]  }
0x198: {  	s31 =	rddreg [dreg:$0xa];
	[sflag:s8] =	ssyncadd.s32 $0xFFFFFB00;
	s5 =	sshrl.u32 s13, $0x3  }
0x199: {  	[hbm:s31], [sflag:s0] =	dma.local [spmem:s5], $0x500  }
0x19a: {  	_ =	swait.ge [sflag:s8], $0x500  }
0x19b: {  	[sflag:s8] =	ssyncset.done $0x0;
	s13 =	rddreg [dreg:$0x1a]  }
0x19c: {  	s31 =	rddreg [dreg:$0xb];
	[sflag:s8] =	ssyncadd.s32 $0xFFFFFB00;
	s5 =	sshrl.u32 s13, $0x3  }
0x19d: {  	[hbm:s31], [sflag:s0] =	dma.local [spmem:s5], $0x500  }
0x19e: {  	_ =	swait.ge [sflag:s8], $0x500  }
0x19f: {  	[sflag:s8] =	ssyncset.done $0x0;
	s13 =	rddreg [dreg:$0x1b]  }
0x1a0: {  	s31 =	rddreg [dreg:$0xc];
	[sflag:s8] =	ssyncadd.s32 $0xFFFFFB00;
	s5 =	sshrl.u32 s13, $0x3  }
0x1a1: {  	[hbm:s31], [sflag:s0] =	dma.local [spmem:s5], $0x500  }
0x1a2: {  	_ =	swait.ge [sflag:s8], $0x500  }
0x1a3: {  	[sflag:s8] =	ssyncset.done $0x0;
	s5 =	rddreg [dreg:$0x1c]  }
0x1a4: {  	s13 =	rddreg [dreg:$0xd];
	[sflag:s8] =	ssyncadd.s32 $0xFFFFFB00;
	s5 =	sshrl.u32 @!p0 s5, $0x3  }
0x1a5: {  	[hbm:s13], [sflag:s0] =	dma.local @!p0 [spmem:s5], $0x500  }
0x1a6: {  	s0 =	simm.s32 @!p0 $0x9  }
0x1a7: {  	_ =	swait.ge @!p0 [sflag:s0], $0x500  }
0x1a8: {  	s5 =	rddreg [dreg:$0x1d]  }
0x1a9: {  	s31 =	rddreg [dreg:$0x14];
	s13 =	sadd.s32 $0x1, s5  }
0x1aa: {  	p1 =	sne.s32 s13, s31  }
.Ltmp6:
0x1ab: {  	_ = 	snop;
	(pc) =	sbr.rel @p1 .LBB2_1-.Ltmp6, $3  }
0x1ac: {  	_ =	sdelay $0x1  }
0x1ad: {  	[sflag:s0] =	ssyncset.done @!p0 $0x0  }
0x1ae: {  	[sflag:s0] =	ssyncadd.s32 @!p0 $0xFFFFFB00  }
0x1af: {  	_ =	sfence.sel $0x180000  }
0x1b0: {  	[bflag:$0x0] =	sbarrier.arrive $0xFFFF  }
0x1b1: {  	_ =	strace $0x90000047  }
0x1b2: {  	s0 =	stileid.u32;
	[bflag:$0x2] =	sbarrier.arrive $0xFFFF  }
0x1b3: {  	p0 =	sne.s32 s0, $0x0;
	s0 =	rddreg [dreg:$0x5]  }
0x1b4: {  	s0 =	sadd.s32 @!p0 $0x100000, s0  }
0x1b5: {  	[sflag:s0] =	ssyncadd.tile.s32 @!p0 $0x1;
	_ =	shalt  }
.Lfunc_end2:
_tile_overlayer_lowered:
.L_overlay_start_2:
0x1b6: {  	(tag) =	ssettag $0x2  }
0x1b7: {  	s0 =	rddreg [dreg:$0x0];
	s2 =	stileid.u32  }
0x1b8: {  	s1 =	rddreg [dreg:$0x1];
	p0 =	sne.s32 s2, $0x0  }
0x1b9: {  	s3 =	rddreg [dreg:$0x2];
	[bflag:$0x3] =	sbarrier.arrive $0xFFFF;
	s2 =	simm.s32 @!p0 $0x1C09  }
0x1ba: {  	[timem:s3], [sflag:s2] =	dma.local @!p0 [hbm:s0], s1  }
0x1bb: {  	s0 =	simm.s32 @!p0 $0x9  }
0x1bc: {  	_ =	swait.ge @!p0 [sflag:s0], s1  }
0x1bd: {  	s1 =	ssub.s32 @!p0 $0x0, s1;
	[sflag:s0] =	ssyncset.done @!p0 $0x0  }
0x1be: {  	[sflag:s0] =	ssyncadd.s32 @!p0 s1  }
0x1bf: {  	[bflag:$0x3] =	sbarrier.arrive $0xFFFF  }
0x1c0: {  	_ =	shalt  }

</sc_bundles>
